<compile_context>
chip_gen: v7x
topology: tpu7x:2x2x1
jax: 0.10.2.dev20260603
libtpu: 0.0.44.dev20260713+nightly
codegen_flags: <defaults>
</compile_context>

<pallas_src>
import functools

import jax
import jax.numpy as jnp
from jax import lax
from jax.experimental import pallas as pl
from jax.experimental.pallas import tpu as pltpu
from jax.experimental.pallas import tpu_sc as plsc

N = 10000
E = 320000
IN_D = 128
HID_D = 128
OUT_D = 64

NC = 2
NS = 16
NW = NC * NS

G = 128
GP = 80
GROUPS_PAD = NW * GP
E_PAD = GROUPS_PAD * G

N_PAD = 10112
RPT = N_PAD // NS
RPT_LAST = N - (NS - 1) * RPT
DUMMY_DST0 = N
N_DUMMY = N_PAD - N


def _sc_degree(dst_groups, zeros, ones):
    mesh = plsc.VectorSubcoreMesh(core_axis_name="c", subcore_axis_name="s")

    @functools.partial(
        pl.kernel,
        mesh=mesh,
        compiler_params=pltpu.CompilerParams(use_tc_tiling_on_sc=False),
        out_type=jax.ShapeDtypeStruct((NC, N, OUT_D), jnp.float32),
        scratch_types=[
            pltpu.VMEM((GP, G), jnp.int32),
            pltpu.VMEM((G, OUT_D), jnp.float32),
            pltpu.VMEM_SHARED((N_PAD, OUT_D), jnp.float32),
        ],
    )
    def k(dst_hbm, z_hbm, ones_hbm, out_hbm, dst_v, ones_v, acc):
        cid = lax.axis_index("c")
        sid = lax.axis_index("s")
        row0 = pl.multiple_of(sid * RPT, 8)
        g0 = pl.multiple_of((cid * NS + sid) * GP, 8)
        pltpu.sync_copy(z_hbm.at[pl.ds(row0, RPT)],
                        acc.at[pl.ds(row0, RPT)])
        pltpu.sync_copy(dst_hbm.at[pl.ds(g0, GP)], dst_v)
        pltpu.sync_copy(ones_hbm, ones_v)
        plsc.subcore_barrier()

        def body(j, carry):
            pltpu.sync_copy(ones_v, acc.at[dst_v.at[j]], add=True)
            return carry

        lax.fori_loop(0, GP, body, 0)
        plsc.subcore_barrier()

        @pl.when(sid != NS - 1)
        def _():
            pltpu.sync_copy(acc.at[pl.ds(row0, RPT)],
                            out_hbm.at[cid, pl.ds(row0, RPT)])

        @pl.when(sid == NS - 1)
        def _():
            pltpu.sync_copy(acc.at[pl.ds(row0, RPT_LAST)],
                            out_hbm.at[cid, pl.ds(row0, RPT_LAST)])

    return k(dst_groups, zeros, ones)


def _sc_edge_agg(src_groups, dst_groups, y, zeros, d, nb=2, notc=False):
    mesh = plsc.VectorSubcoreMesh(core_axis_name="c", subcore_axis_name="s")

    hgp = GP // 2
    hg = G // 2

    @functools.partial(
        pl.kernel,
        mesh=mesh,
        compiler_params=(pltpu.CompilerParams(use_tc_tiling_on_sc=False)
                         if notc else None),
        out_type=jax.ShapeDtypeStruct((NC, N, d), jnp.float32),
        scratch_types=[
            pltpu.VMEM((GP, G), jnp.int32),
            pltpu.VMEM((hgp, G), jnp.int32),
            [pltpu.VMEM((hg, d), jnp.float32)] * (2 * nb),
            pltpu.VMEM_SHARED((N_PAD, d), jnp.float32),
            [pltpu.SemaphoreType.DMA] * (2 * nb),
        ],
    )
    def k(src_hbm, dst_hbm, y_hbm, z_hbm, out_hbm, src_v, dst_v, rows_v, acc,
          sems):
        cid = lax.axis_index("c")
        sid = lax.axis_index("s")
        row0 = pl.multiple_of(sid * RPT, 8)
        g0 = pl.multiple_of((cid * NS + sid) * GP, 8)
        pltpu.sync_copy(z_hbm.at[pl.ds(row0, RPT)],
                        acc.at[pl.ds(row0, RPT)])
        pltpu.sync_copy(src_hbm.at[pl.ds(g0, GP)], src_v)
        pltpu.sync_copy(dst_hbm.at[pl.ds(g0, hgp)], dst_v)
        plsc.subcore_barrier()

        for b in range(nb):
            for s2 in range(2):
                pltpu.async_copy(
                    y_hbm.at[src_v.at[b, pl.ds(s2 * hg, hg)]],
                    rows_v[2 * b + s2], sems[2 * b + s2])

        for h in range(2):
            if h == 1:
                pltpu.sync_copy(dst_hbm.at[pl.ds(g0 + hgp, hgp)], dst_v)

            def body(j2, carry):
                j = h * hgp + j2 * nb
                for b in range(nb):
                    g = j + b
                    for s2 in range(2):
                        pltpu.make_async_copy(
                            y_hbm.at[src_v.at[g, pl.ds(s2 * hg, hg)]],
                            rows_v[2 * b + s2], sems[2 * b + s2]).wait()
                        pltpu.sync_copy(
                            rows_v[2 * b + s2],
                            acc.at[dst_v.at[j2 * nb + b, pl.ds(s2 * hg, hg)]],
                            add=True)

                        @pl.when(g + nb < GP)
                        def _():
                            pltpu.async_copy(
                                y_hbm.at[src_v.at[g + nb, pl.ds(s2 * hg, hg)]],
                                rows_v[2 * b + s2], sems[2 * b + s2])
                return carry

            lax.fori_loop(0, hgp // nb, body, 0)
        plsc.subcore_barrier()

        @pl.when(sid != NS - 1)
        def _():
            pltpu.sync_copy(acc.at[pl.ds(row0, RPT)],
                            out_hbm.at[cid, pl.ds(row0, RPT)])

        @pl.when(sid == NS - 1)
        def _():
            pltpu.sync_copy(acc.at[pl.ds(row0, RPT_LAST)],
                            out_hbm.at[cid, pl.ds(row0, RPT_LAST)])

    return k(src_groups, dst_groups, y, zeros)


_RB = 1000


def _tc_matmul(x, w):
    def body(x_ref, w_ref, o_ref):
        o_ref[...] = jnp.dot(x_ref[...], w_ref[...],
                             preferred_element_type=jnp.float32)

    return pl.pallas_call(
        body,
        grid=(N // _RB,),
        in_specs=[
            pl.BlockSpec((_RB, x.shape[1]), lambda i: (i, 0)),
            pl.BlockSpec(w.shape, lambda i: (0, 0)),
        ],
        out_specs=pl.BlockSpec((_RB, w.shape[1]), lambda i: (i, 0)),
        out_shape=jax.ShapeDtypeStruct((N, w.shape[1]), jnp.float32),
    )(x, w)


def _tc_scale1(deg_parts, xw1):
    def body(dp_ref, xw_ref, y_ref, deg_ref):
        deg = dp_ref[0, :, 0:1] + dp_ref[1, :, 0:1] + 1.0
        y_ref[...] = xw_ref[...] * lax.rsqrt(deg)
        deg_ref[...] = deg

    return pl.pallas_call(
        body,
        grid=(N // _RB,),
        in_specs=[
            pl.BlockSpec((NC, _RB, OUT_D), lambda i: (0, i, 0)),
            pl.BlockSpec((_RB, HID_D), lambda i: (i, 0)),
        ],
        out_specs=[
            pl.BlockSpec((_RB, HID_D), lambda i: (i, 0)),
            pl.BlockSpec((_RB, 1), lambda i: (i, 0)),
        ],
        out_shape=[
            jax.ShapeDtypeStruct((N, HID_D), jnp.float32),
            jax.ShapeDtypeStruct((N, 1), jnp.float32),
        ],
    )(deg_parts, xw1)


def _tc_mid(agg1, deg, y1, b1, w2):
    def body(a_ref, deg_ref, y_ref, b_ref, w_ref, y2_ref):
        dis = lax.rsqrt(deg_ref[...])
        h = jnp.maximum((a_ref[0] + a_ref[1] + y_ref[...]) * dis + b_ref[...],
                        0.0)
        y2_ref[...] = jnp.dot(h, w_ref[...],
                              preferred_element_type=jnp.float32) * dis

    return pl.pallas_call(
        body,
        grid=(N // _RB,),
        in_specs=[
            pl.BlockSpec((NC, _RB, HID_D), lambda i: (0, i, 0)),
            pl.BlockSpec((_RB, 1), lambda i: (i, 0)),
            pl.BlockSpec((_RB, HID_D), lambda i: (i, 0)),
            pl.BlockSpec((1, HID_D), lambda i: (0, 0)),
            pl.BlockSpec((HID_D, OUT_D), lambda i: (0, 0)),
        ],
        out_specs=pl.BlockSpec((_RB, OUT_D), lambda i: (i, 0)),
        out_shape=jax.ShapeDtypeStruct((N, OUT_D), jnp.float32),
    )(agg1, deg, y1, b1, w2)


def _tc_final(agg2, deg, y2, b2):
    def body(a_ref, deg_ref, y_ref, b_ref, o_ref):
        dis = lax.rsqrt(deg_ref[...])
        o_ref[...] = (a_ref[0] + a_ref[1] + y_ref[...]) * dis + b_ref[...]

    return pl.pallas_call(
        body,
        grid=(N // _RB,),
        in_specs=[
            pl.BlockSpec((NC, _RB, OUT_D), lambda i: (0, i, 0)),
            pl.BlockSpec((_RB, 1), lambda i: (i, 0)),
            pl.BlockSpec((_RB, OUT_D), lambda i: (i, 0)),
            pl.BlockSpec((1, OUT_D), lambda i: (0, 0)),
        ],
        out_specs=pl.BlockSpec((_RB, OUT_D), lambda i: (i, 0)),
        out_shape=jax.ShapeDtypeStruct((N, OUT_D), jnp.float32),
    )(agg2, deg, y2, b2)


def kernel(x, edge_index, W1, b1, W2, b2):
    ei = edge_index.astype(jnp.int32)
    pad = E_PAD - E
    pad_src = jnp.arange(pad, dtype=jnp.int32) * 131 % N
    src_groups = jnp.concatenate(
        [ei[0], pad_src]).reshape(GROUPS_PAD, G)
    pad_dst = DUMMY_DST0 + jnp.arange(pad, dtype=jnp.int32) % N_DUMMY
    dst_groups = jnp.concatenate(
        [ei[1], pad_dst]).reshape(GROUPS_PAD, G)

    zeros128 = jnp.zeros((N_PAD, HID_D), jnp.float32)
    zeros64 = jnp.zeros((N_PAD, OUT_D), jnp.float32)
    ones64 = jnp.ones((G, OUT_D), jnp.float32)

    deg_parts = _sc_degree(dst_groups, zeros64, ones64)
    xw1 = _tc_matmul(x, W1)
    y1, deg = _tc_scale1(deg_parts, xw1)
    agg1 = _sc_edge_agg(src_groups, dst_groups, y1, zeros128, HID_D)
    y2 = _tc_mid(agg1, deg, y1, b1.reshape(1, HID_D), W2)
    agg2 = _sc_edge_agg(src_groups, dst_groups, y2, zeros64, OUT_D,
                        nb=4, notc=True)
    return _tc_final(agg2, deg, y2, b2.reshape(1, OUT_D))

# --- scband reference (transcript-rebuilt; emitter-appended) ---
"""Pipeline reference for scband-surrogate-model-54099408060634 (READ-ONLY COPY).

The authoritative reference and input builder live on the scoring server;
editing this copy changes nothing except your own understanding.
"""

import jax, jax.numpy as jnp
import numpy as np

N_NODES = 10000
N_EDGES = 320000
IN_DIM = 128
HID_DIM = 128
OUT_DIM = 64


def setup_inputs(seed: int = 0) -> dict:
    key = jax.random.key(seed)
    k1, k2, k3, k4, k5, k6 = jax.random.split(key, 6)
    x = jax.random.normal(k1, (N_NODES, IN_DIM), dtype=jnp.float32)
    edge_index = jax.random.randint(k2, (2, N_EDGES), 0, N_NODES, dtype=jnp.int64)
    W1 = jax.random.normal(k3, (IN_DIM, HID_DIM), dtype=jnp.float32) * (1.0 / np.sqrt(IN_DIM))
    b1 = jnp.zeros((HID_DIM,), dtype=jnp.float32)
    W2 = jax.random.normal(k4, (HID_DIM, OUT_DIM), dtype=jnp.float32) * (1.0 / np.sqrt(HID_DIM))
    b2 = jnp.zeros((OUT_DIM,), dtype=jnp.float32)
    return {"x": x, "edge_index": edge_index, "W1": W1, "b1": b1, "W2": W2, "b2": b2}


def _gcn_conv(x, edge_index, W, b):
    # Faithful PyG GCNConv: linear transform, add self-loops, symmetric normalization,
    # scatter-add aggregation, then bias.
    N = x.shape[0]
    src = edge_index[0]
    dst = edge_index[1]
    loop = jnp.arange(N, dtype=edge_index.dtype)
    src_full = jnp.concatenate([src, loop])
    dst_full = jnp.concatenate([dst, loop])
    # degree computed on destination nodes with edge weight 1 (incl. self-loops)
    deg = jnp.zeros((N,), dtype=x.dtype).at[dst_full].add(1.0)
    deg_inv_sqrt = jnp.where(deg > 0, deg ** -0.5, 0.0)
    norm = deg_inv_sqrt[src_full] * deg_inv_sqrt[dst_full]
    xw = x @ W
    msg = xw[src_full] * norm[:, None]
    out = jnp.zeros((N, W.shape[1]), dtype=x.dtype).at[dst_full].add(msg)
    return out + b


def reference(x, edge_index, W1, b1, W2, b2):
    # SurrogateModel forward with model_name='GCN', eval mode (dropout is identity)
    h = _gcn_conv(x, edge_index, W1, b1)
    h = jax.nn.relu(h)
    out = _gcn_conv(h, edge_index, W2, b2)
    return out

if __name__ == "__main__":
    import jax
    _d = setup_inputs()
    print(jax.jit(kernel)(*tuple(_d.values())))

</pallas_src>

<mosaic_0001>
#map = affine_map<(d0, d1) -> (0, 0)>
#map1 = affine_map<(d0, d1) -> (0, 0, 0)>
module attributes {stable_mosaic.version = 14 : i64} {
  func.func @k(%arg0: i32, %arg1: i32, %arg2: memref<2560x128xi32, #tpu.memory_space<hbm>>, %arg3: memref<2560x128xi32, #tpu.memory_space<hbm>>, %arg4: memref<10000x64xf32, #tpu.memory_space<hbm>>, %arg5: memref<10112x64xf32, #tpu.memory_space<hbm>>, %arg6: memref<2x10000x64xf32, #tpu.memory_space<hbm>>, %arg7: memref<80x128xi32, #tpu.memory_space<vmem>>, %arg8: memref<40x128xi32, #tpu.memory_space<vmem>>, %arg9: memref<64x64xf32, #tpu.memory_space<vmem>>, %arg10: memref<64x64xf32, #tpu.memory_space<vmem>>, %arg11: memref<64x64xf32, #tpu.memory_space<vmem>>, %arg12: memref<64x64xf32, #tpu.memory_space<vmem>>, %arg13: memref<64x64xf32, #tpu.memory_space<vmem>>, %arg14: memref<64x64xf32, #tpu.memory_space<vmem>>, %arg15: memref<64x64xf32, #tpu.memory_space<vmem>>, %arg16: memref<64x64xf32, #tpu.memory_space<vmem>>, %arg17: memref<10112x64xf32, #tpu.memory_space<vmem_shared>>, %arg18: memref<!tpu.dma_semaphore, #tpu.memory_space<semaphore_mem>>, %arg19: memref<!tpu.dma_semaphore, #tpu.memory_space<semaphore_mem>>, %arg20: memref<!tpu.dma_semaphore, #tpu.memory_space<semaphore_mem>>, %arg21: memref<!tpu.dma_semaphore, #tpu.memory_space<semaphore_mem>>, %arg22: memref<!tpu.dma_semaphore, #tpu.memory_space<semaphore_mem>>, %arg23: memref<!tpu.dma_semaphore, #tpu.memory_space<semaphore_mem>>, %arg24: memref<!tpu.dma_semaphore, #tpu.memory_space<semaphore_mem>>, %arg25: memref<!tpu.dma_semaphore, #tpu.memory_space<semaphore_mem>>) attributes {dimension_semantics = [#tpu.dimension_semantics<core_parallel>, #tpu.dimension_semantics<subcore_parallel>], iteration_bounds = array<i64: 2, 16>, scalar_prefetch = 0 : i64, scratch_operands = 19 : i64, tpu.core_type = #tpu.core_type<sc_vector_subcore>, window_params = [{transform_indices = #map}, {transform_indices = #map}, {transform_indices = #map}, {transform_indices = #map}, {transform_indices = #map1}]} {
    %mul3A = arith.constant 632 : i32
    %mul3A_0 = arith.muli %arg1, %mul3A : i32
    %multiple_of3A = tpu.assume_multiple %mul3A_0, 8 : i32
    %mul3A_1 = arith.constant 16 : i32
    %mul3A_2 = arith.muli %arg0, %mul3A_1 : i32
    %add3A = arith.addi %mul3A_2, %arg1 : i32
    %mul3A_3 = arith.constant 80 : i32
    %mul3A_4 = arith.muli %add3A, %mul3A_3 : i32
    %multiple_of3A_5 = tpu.assume_multiple %mul3A_4, 8 : i32
    "tpu.region"() ({
      %run_scoped3A = tpu.sem_alloc : memref<!tpu.dma_semaphore, #tpu.memory_space<semaphore_mem>>
      %dma_start3A_81 = arith.constant 0 : i32
      %dma_start3A_82 = tpu.memref_slice %arg17[%multiple_of3A, %dma_start3A_81] : memref<10112x64xf32, #tpu.memory_space<vmem_shared>> -> memref<632x64xf32, #tpu.memory_space<vmem_shared>>
      %dma_start3A_83 = arith.constant 0 : i32
      %dma_start3A_84 = tpu.memref_slice %arg5[%multiple_of3A, %dma_start3A_83] : memref<10112x64xf32, #tpu.memory_space<hbm>> -> memref<632x64xf32, #tpu.memory_space<hbm>>
      tpu.enqueue_dma source(%dma_start3A_84 : memref<632x64xf32, #tpu.memory_space<hbm>>) target(%dma_start3A_82 : memref<632x64xf32, #tpu.memory_space<vmem_shared>>) target_semaphore(%run_scoped3A : memref<!tpu.dma_semaphore, #tpu.memory_space<semaphore_mem>>)
      %dma_wait3A = arith.constant 0 : i32
      %dma_wait3A_85 = tpu.memref_slice %arg17[%multiple_of3A, %dma_wait3A] : memref<10112x64xf32, #tpu.memory_space<vmem_shared>> -> memref<632x64xf32, #tpu.memory_space<vmem_shared>>
      %dma_wait3A_86 = arith.constant 0 : i32
      %dma_wait3A_87 = tpu.memref_slice %arg5[%multiple_of3A, %dma_wait3A_86] : memref<10112x64xf32, #tpu.memory_space<hbm>> -> memref<632x64xf32, #tpu.memory_space<hbm>>
      tpu.wait_dma2 semaphore(%run_scoped3A : memref<!tpu.dma_semaphore, #tpu.memory_space<semaphore_mem>>) src(%dma_wait3A_87 : memref<632x64xf32, #tpu.memory_space<hbm>>) dst(%dma_wait3A_85 : memref<632x64xf32, #tpu.memory_space<vmem_shared>>)
      tpu.yield
    }) : () -> ()
    "tpu.region"() ({
      %run_scoped3A = tpu.sem_alloc : memref<!tpu.dma_semaphore, #tpu.memory_space<semaphore_mem>>
      %dma_start3A_81 = arith.constant 0 : i32
      %dma_start3A_82 = tpu.memref_slice %arg2[%multiple_of3A_5, %dma_start3A_81] : memref<2560x128xi32, #tpu.memory_space<hbm>> -> memref<80x128xi32, #tpu.memory_space<hbm>>
      %dma_start3A_83 = arith.constant 0 : i32
      %dma_start3A_84 = tpu.memref_slice %arg2[%multiple_of3A_5, %dma_start3A_83] : memref<2560x128xi32, #tpu.memory_space<hbm>> -> memref<80x128xi32, #tpu.memory_space<hbm>>
      tpu.enqueue_dma source(%dma_start3A_84 : memref<80x128xi32, #tpu.memory_space<hbm>>) target(%arg7 : memref<80x128xi32, #tpu.memory_space<vmem>>) target_semaphore(%run_scoped3A : memref<!tpu.dma_semaphore, #tpu.memory_space<semaphore_mem>>)
      %dma_wait3A = arith.constant 0 : i32
      %dma_wait3A_85 = tpu.memref_slice %arg2[%multiple_of3A_5, %dma_wait3A] : memref<2560x128xi32, #tpu.memory_space<hbm>> -> memref<80x128xi32, #tpu.memory_space<hbm>>
      %dma_wait3A_86 = arith.constant 0 : i32
      %dma_wait3A_87 = tpu.memref_slice %arg2[%multiple_of3A_5, %dma_wait3A_86] : memref<2560x128xi32, #tpu.memory_space<hbm>> -> memref<80x128xi32, #tpu.memory_space<hbm>>
      tpu.wait_dma2 semaphore(%run_scoped3A : memref<!tpu.dma_semaphore, #tpu.memory_space<semaphore_mem>>) src(%dma_wait3A_87 : memref<80x128xi32, #tpu.memory_space<hbm>>) dst(%arg7 : memref<80x128xi32, #tpu.memory_space<vmem>>)
      tpu.yield
    }) : () -> ()
    "tpu.region"() ({
      %run_scoped3A = tpu.sem_alloc : memref<!tpu.dma_semaphore, #tpu.memory_space<semaphore_mem>>
      %dma_start3A_81 = arith.constant 0 : i32
      %dma_start3A_82 = tpu.memref_slice %arg3[%multiple_of3A_5, %dma_start3A_81] : memref<2560x128xi32, #tpu.memory_space<hbm>> -> memref<40x128xi32, #tpu.memory_space<hbm>>
      %dma_start3A_83 = arith.constant 0 : i32
      %dma_start3A_84 = tpu.memref_slice %arg3[%multiple_of3A_5, %dma_start3A_83] : memref<2560x128xi32, #tpu.memory_space<hbm>> -> memref<40x128xi32, #tpu.memory_space<hbm>>
      tpu.enqueue_dma source(%dma_start3A_84 : memref<40x128xi32, #tpu.memory_space<hbm>>) target(%arg8 : memref<40x128xi32, #tpu.memory_space<vmem>>) target_semaphore(%run_scoped3A : memref<!tpu.dma_semaphore, #tpu.memory_space<semaphore_mem>>)
      %dma_wait3A = arith.constant 0 : i32
      %dma_wait3A_85 = tpu.memref_slice %arg3[%multiple_of3A_5, %dma_wait3A] : memref<2560x128xi32, #tpu.memory_space<hbm>> -> memref<40x128xi32, #tpu.memory_space<hbm>>
      %dma_wait3A_86 = arith.constant 0 : i32
      %dma_wait3A_87 = tpu.memref_slice %arg3[%multiple_of3A_5, %dma_wait3A_86] : memref<2560x128xi32, #tpu.memory_space<hbm>> -> memref<40x128xi32, #tpu.memory_space<hbm>>
      tpu.wait_dma2 semaphore(%run_scoped3A : memref<!tpu.dma_semaphore, #tpu.memory_space<semaphore_mem>>) src(%dma_wait3A_87 : memref<40x128xi32, #tpu.memory_space<hbm>>) dst(%arg8 : memref<40x128xi32, #tpu.memory_space<vmem>>)
      tpu.yield
    }) : () -> ()
    %barrier3A = arith.constant 0 : index
    tpu.barrier barrier_id(%barrier3A)
    %dma_start3A = arith.constant 0 : i32
    %dma_start3A_6 = arith.constant 0 : i32
    %dma_start3A_7 = tpu.memref_slice %arg7[%dma_start3A, %dma_start3A_6] : memref<80x128xi32, #tpu.memory_space<vmem>> -> memref<1x64xi32, #tpu.memory_space<vmem>>
    %dma_start3A_8 = tpu.memref_squeeze %dma_start3A_7 : memref<1x64xi32, #tpu.memory_space<vmem>> -> memref<64xi32, #tpu.memory_space<vmem>>
    %dma_start3A_9 = arith.constant 0 : i32
    %dma_start3A_10 = arith.constant 0 : i32
    %dma_start3A_11 = tpu.memref_slice %arg4[%dma_start3A_9, %dma_start3A_10] : memref<10000x64xf32, #tpu.memory_space<hbm>> -> memref<10000x64xf32, #tpu.memory_space<hbm>>
    tpu.enqueue_indirect_dma source(%dma_start3A_11 : memref<10000x64xf32, #tpu.memory_space<hbm>>) target(%arg9 : memref<64x64xf32, #tpu.memory_space<vmem>>) offsets(%dma_start3A_8 : memref<64xi32, #tpu.memory_space<vmem>>) semaphore(%arg18 : memref<!tpu.dma_semaphore, #tpu.memory_space<semaphore_mem>>)
    %dma_start3A_12 = arith.constant 0 : i32
    %dma_start3A_13 = arith.constant 64 : i32
    %dma_start3A_14 = tpu.memref_slice %arg7[%dma_start3A_12, %dma_start3A_13] : memref<80x128xi32, #tpu.memory_space<vmem>> -> memref<1x64xi32, #tpu.memory_space<vmem>>
    %dma_start3A_15 = tpu.memref_squeeze %dma_start3A_14 : memref<1x64xi32, #tpu.memory_space<vmem>> -> memref<64xi32, #tpu.memory_space<vmem>>
    %dma_start3A_16 = arith.constant 0 : i32
    %dma_start3A_17 = arith.constant 0 : i32
    %dma_start3A_18 = tpu.memref_slice %arg4[%dma_start3A_16, %dma_start3A_17] : memref<10000x64xf32, #tpu.memory_space<hbm>> -> memref<10000x64xf32, #tpu.memory_space<hbm>>
    tpu.enqueue_indirect_dma source(%dma_start3A_18 : memref<10000x64xf32, #tpu.memory_space<hbm>>) target(%arg10 : memref<64x64xf32, #tpu.memory_space<vmem>>) offsets(%dma_start3A_15 : memref<64xi32, #tpu.memory_space<vmem>>) semaphore(%arg19 : memref<!tpu.dma_semaphore, #tpu.memory_space<semaphore_mem>>)
    %dma_start3A_19 = arith.constant 1 : i32
    %dma_start3A_20 = arith.constant 0 : i32
    %dma_start3A_21 = tpu.memref_slice %arg7[%dma_start3A_19, %dma_start3A_20] : memref<80x128xi32, #tpu.memory_space<vmem>> -> memref<1x64xi32, #tpu.memory_space<vmem>>
    %dma_start3A_22 = tpu.memref_squeeze %dma_start3A_21 : memref<1x64xi32, #tpu.memory_space<vmem>> -> memref<64xi32, #tpu.memory_space<vmem>>
    %dma_start3A_23 = arith.constant 0 : i32
    %dma_start3A_24 = arith.constant 0 : i32
    %dma_start3A_25 = tpu.memref_slice %arg4[%dma_start3A_23, %dma_start3A_24] : memref<10000x64xf32, #tpu.memory_space<hbm>> -> memref<10000x64xf32, #tpu.memory_space<hbm>>
    tpu.enqueue_indirect_dma source(%dma_start3A_25 : memref<10000x64xf32, #tpu.memory_space<hbm>>) target(%arg11 : memref<64x64xf32, #tpu.memory_space<vmem>>) offsets(%dma_start3A_22 : memref<64xi32, #tpu.memory_space<vmem>>) semaphore(%arg20 : memref<!tpu.dma_semaphore, #tpu.memory_space<semaphore_mem>>)
    %dma_start3A_26 = arith.constant 1 : i32
    %dma_start3A_27 = arith.constant 64 : i32
    %dma_start3A_28 = tpu.memref_slice %arg7[%dma_start3A_26, %dma_start3A_27] : memref<80x128xi32, #tpu.memory_space<vmem>> -> memref<1x64xi32, #tpu.memory_space<vmem>>
    %dma_start3A_29 = tpu.memref_squeeze %dma_start3A_28 : memref<1x64xi32, #tpu.memory_space<vmem>> -> memref<64xi32, #tpu.memory_space<vmem>>
    %dma_start3A_30 = arith.constant 0 : i32
    %dma_start3A_31 = arith.constant 0 : i32
    %dma_start3A_32 = tpu.memref_slice %arg4[%dma_start3A_30, %dma_start3A_31] : memref<10000x64xf32, #tpu.memory_space<hbm>> -> memref<10000x64xf32, #tpu.memory_space<hbm>>
    tpu.enqueue_indirect_dma source(%dma_start3A_32 : memref<10000x64xf32, #tpu.memory_space<hbm>>) target(%arg12 : memref<64x64xf32, #tpu.memory_space<vmem>>) offsets(%dma_start3A_29 : memref<64xi32, #tpu.memory_space<vmem>>) semaphore(%arg21 : memref<!tpu.dma_semaphore, #tpu.memory_space<semaphore_mem>>)
    %dma_start3A_33 = arith.constant 2 : i32
    %dma_start3A_34 = arith.constant 0 : i32
    %dma_start3A_35 = tpu.memref_slice %arg7[%dma_start3A_33, %dma_start3A_34] : memref<80x128xi32, #tpu.memory_space<vmem>> -> memref<1x64xi32, #tpu.memory_space<vmem>>
    %dma_start3A_36 = tpu.memref_squeeze %dma_start3A_35 : memref<1x64xi32, #tpu.memory_space<vmem>> -> memref<64xi32, #tpu.memory_space<vmem>>
    %dma_start3A_37 = arith.constant 0 : i32
    %dma_start3A_38 = arith.constant 0 : i32
    %dma_start3A_39 = tpu.memref_slice %arg4[%dma_start3A_37, %dma_start3A_38] : memref<10000x64xf32, #tpu.memory_space<hbm>> -> memref<10000x64xf32, #tpu.memory_space<hbm>>
    tpu.enqueue_indirect_dma source(%dma_start3A_39 : memref<10000x64xf32, #tpu.memory_space<hbm>>) target(%arg13 : memref<64x64xf32, #tpu.memory_space<vmem>>) offsets(%dma_start3A_36 : memref<64xi32, #tpu.memory_space<vmem>>) semaphore(%arg22 : memref<!tpu.dma_semaphore, #tpu.memory_space<semaphore_mem>>)
    %dma_start3A_40 = arith.constant 2 : i32
    %dma_start3A_41 = arith.constant 64 : i32
    %dma_start3A_42 = tpu.memref_slice %arg7[%dma_start3A_40, %dma_start3A_41] : memref<80x128xi32, #tpu.memory_space<vmem>> -> memref<1x64xi32, #tpu.memory_space<vmem>>
    %dma_start3A_43 = tpu.memref_squeeze %dma_start3A_42 : memref<1x64xi32, #tpu.memory_space<vmem>> -> memref<64xi32, #tpu.memory_space<vmem>>
    %dma_start3A_44 = arith.constant 0 : i32
    %dma_start3A_45 = arith.constant 0 : i32
    %dma_start3A_46 = tpu.memref_slice %arg4[%dma_start3A_44, %dma_start3A_45] : memref<10000x64xf32, #tpu.memory_space<hbm>> -> memref<10000x64xf32, #tpu.memory_space<hbm>>
    tpu.enqueue_indirect_dma source(%dma_start3A_46 : memref<10000x64xf32, #tpu.memory_space<hbm>>) target(%arg14 : memref<64x64xf32, #tpu.memory_space<vmem>>) offsets(%dma_start3A_43 : memref<64xi32, #tpu.memory_space<vmem>>) semaphore(%arg23 : memref<!tpu.dma_semaphore, #tpu.memory_space<semaphore_mem>>)
    %dma_start3A_47 = arith.constant 3 : i32
    %dma_start3A_48 = arith.constant 0 : i32
    %dma_start3A_49 = tpu.memref_slice %arg7[%dma_start3A_47, %dma_start3A_48] : memref<80x128xi32, #tpu.memory_space<vmem>> -> memref<1x64xi32, #tpu.memory_space<vmem>>
    %dma_start3A_50 = tpu.memref_squeeze %dma_start3A_49 : memref<1x64xi32, #tpu.memory_space<vmem>> -> memref<64xi32, #tpu.memory_space<vmem>>
    %dma_start3A_51 = arith.constant 0 : i32
    %dma_start3A_52 = arith.constant 0 : i32
    %dma_start3A_53 = tpu.memref_slice %arg4[%dma_start3A_51, %dma_start3A_52] : memref<10000x64xf32, #tpu.memory_space<hbm>> -> memref<10000x64xf32, #tpu.memory_space<hbm>>
    tpu.enqueue_indirect_dma source(%dma_start3A_53 : memref<10000x64xf32, #tpu.memory_space<hbm>>) target(%arg15 : memref<64x64xf32, #tpu.memory_space<vmem>>) offsets(%dma_start3A_50 : memref<64xi32, #tpu.memory_space<vmem>>) semaphore(%arg24 : memref<!tpu.dma_semaphore, #tpu.memory_space<semaphore_mem>>)
    %dma_start3A_54 = arith.constant 3 : i32
    %dma_start3A_55 = arith.constant 64 : i32
    %dma_start3A_56 = tpu.memref_slice %arg7[%dma_start3A_54, %dma_start3A_55] : memref<80x128xi32, #tpu.memory_space<vmem>> -> memref<1x64xi32, #tpu.memory_space<vmem>>
    %dma_start3A_57 = tpu.memref_squeeze %dma_start3A_56 : memref<1x64xi32, #tpu.memory_space<vmem>> -> memref<64xi32, #tpu.memory_space<vmem>>
    %dma_start3A_58 = arith.constant 0 : i32
    %dma_start3A_59 = arith.constant 0 : i32
    %dma_start3A_60 = tpu.memref_slice %arg4[%dma_start3A_58, %dma_start3A_59] : memref<10000x64xf32, #tpu.memory_space<hbm>> -> memref<10000x64xf32, #tpu.memory_space<hbm>>
    tpu.enqueue_indirect_dma source(%dma_start3A_60 : memref<10000x64xf32, #tpu.memory_space<hbm>>) target(%arg16 : memref<64x64xf32, #tpu.memory_space<vmem>>) offsets(%dma_start3A_57 : memref<64xi32, #tpu.memory_space<vmem>>) semaphore(%arg25 : memref<!tpu.dma_semaphore, #tpu.memory_space<semaphore_mem>>)
    %scan3A = arith.constant 0 : i32
    %scan3A_61 = arith.constant 0 : i32
    %scan3A_62 = arith.constant 10 : i32
    %scan3A_63 = arith.addi %scan3A_61, %scan3A_62 : i32
    %scan3A_64 = arith.constant 1 : i32
    scf.for %scan3A_81 = %scan3A_61 to %scan3A_63 step %scan3A_64  : i32 {
      %mul3A_82 = arith.constant 4 : i32
      %mul3A_83 = arith.muli %scan3A_81, %mul3A_82 : i32
      %add3A_84 = arith.constant 0 : i32
      %add3A_85 = arith.addi %add3A_84, %mul3A_83 : i32
      %add3A_86 = arith.constant 0 : i32
      %add3A_87 = arith.addi %add3A_85, %add3A_86 : i32
      %dma_wait3A = arith.constant 0 : i32
      %dma_wait3A_88 = tpu.memref_slice %arg7[%add3A_87, %dma_wait3A] : memref<80x128xi32, #tpu.memory_space<vmem>> -> memref<1x64xi32, #tpu.memory_space<vmem>>
      %dma_wait3A_89 = tpu.memref_squeeze %dma_wait3A_88 : memref<1x64xi32, #tpu.memory_space<vmem>> -> memref<64xi32, #tpu.memory_space<vmem>>
      %dma_wait3A_90 = arith.constant 0 : i32
      %dma_wait3A_91 = arith.constant 0 : i32
      %dma_wait3A_92 = tpu.memref_slice %arg4[%dma_wait3A_90, %dma_wait3A_91] : memref<10000x64xf32, #tpu.memory_space<hbm>> -> memref<10000x64xf32, #tpu.memory_space<hbm>>
      tpu.wait_indirect_dma semaphore(%arg18 : memref<!tpu.dma_semaphore, #tpu.memory_space<semaphore_mem>>) src(%dma_wait3A_92 : memref<10000x64xf32, #tpu.memory_space<hbm>>) dst(%arg9 : memref<64x64xf32, #tpu.memory_space<vmem>>)
      %mul3A_93 = arith.constant 4 : i32
      %mul3A_94 = arith.muli %scan3A_81, %mul3A_93 : i32
      %add3A_95 = arith.constant 0 : i32
      %add3A_96 = arith.addi %mul3A_94, %add3A_95 : i32
      "tpu.region"() ({
        %run_scoped3A = tpu.sem_alloc : memref<!tpu.dma_semaphore, #tpu.memory_space<semaphore_mem>>
        %dma_start3A_228 = arith.constant 0 : i32
        %dma_start3A_229 = tpu.memref_slice %arg8[%add3A_96, %dma_start3A_228] : memref<40x128xi32, #tpu.memory_space<vmem>> -> memref<1x64xi32, #tpu.memory_space<vmem>>
        %dma_start3A_230 = tpu.memref_squeeze %dma_start3A_229 : memref<1x64xi32, #tpu.memory_space<vmem>> -> memref<64xi32, #tpu.memory_space<vmem>>
        %dma_start3A_231 = arith.constant 0 : i32
        %dma_start3A_232 = arith.constant 0 : i32
        %dma_start3A_233 = tpu.memref_slice %arg17[%dma_start3A_231, %dma_start3A_232] : memref<10112x64xf32, #tpu.memory_space<vmem_shared>> -> memref<10112x64xf32, #tpu.memory_space<vmem_shared>>
        tpu.enqueue_indirect_dma source(%arg9 : memref<64x64xf32, #tpu.memory_space<vmem>>) target(%dma_start3A_233 : memref<10112x64xf32, #tpu.memory_space<vmem_shared>>) offsets(%dma_start3A_230 : memref<64xi32, #tpu.memory_space<vmem>>) semaphore(%run_scoped3A : memref<!tpu.dma_semaphore, #tpu.memory_space<semaphore_mem>>) {add = true}
        %dma_wait3A_234 = arith.constant 0 : i32
        %dma_wait3A_235 = tpu.memref_slice %arg8[%add3A_96, %dma_wait3A_234] : memref<40x128xi32, #tpu.memory_space<vmem>> -> memref<1x64xi32, #tpu.memory_space<vmem>>
        %dma_wait3A_236 = tpu.memref_squeeze %dma_wait3A_235 : memref<1x64xi32, #tpu.memory_space<vmem>> -> memref<64xi32, #tpu.memory_space<vmem>>
        %dma_wait3A_237 = arith.constant 0 : i32
        %dma_wait3A_238 = arith.constant 0 : i32
        %dma_wait3A_239 = tpu.memref_slice %arg17[%dma_wait3A_237, %dma_wait3A_238] : memref<10112x64xf32, #tpu.memory_space<vmem_shared>> -> memref<10112x64xf32, #tpu.memory_space<vmem_shared>>
        tpu.wait_indirect_dma semaphore(%run_scoped3A : memref<!tpu.dma_semaphore, #tpu.memory_space<semaphore_mem>>) src(%arg9 : memref<64x64xf32, #tpu.memory_space<vmem>>) dst(%dma_wait3A_239 : memref<10112x64xf32, #tpu.memory_space<vmem_shared>>)
        tpu.yield
      }) : () -> ()
      %add3A_97 = arith.constant 4 : i32
      %add3A_98 = arith.addi %add3A_87, %add3A_97 : i32
      %lt3A = arith.constant 80 : i32
      %lt3A_99 = arith.cmpi slt, %add3A_98, %lt3A : i32
      %convert_element_type3A_100 = arith.extui %lt3A_99 : i1 to i32
      %cond3A_101 = arith.constant 0 : i32
      %cond3A_102 = arith.cmpi ne, %convert_element_type3A_100, %cond3A_101 : i32
      scf.if %cond3A_102 {
        %add3A_228 = arith.constant 4 : i32
        %add3A_229 = arith.addi %add3A_87, %add3A_228 : i32
        %dma_start3A_230 = arith.constant 0 : i32
        %dma_start3A_231 = tpu.memref_slice %arg7[%add3A_229, %dma_start3A_230] : memref<80x128xi32, #tpu.memory_space<vmem>> -> memref<1x64xi32, #tpu.memory_space<vmem>>
        %dma_start3A_232 = tpu.memref_squeeze %dma_start3A_231 : memref<1x64xi32, #tpu.memory_space<vmem>> -> memref<64xi32, #tpu.memory_space<vmem>>
        %dma_start3A_233 = arith.constant 0 : i32
        %dma_start3A_234 = arith.constant 0 : i32
        %dma_start3A_235 = tpu.memref_slice %arg4[%dma_start3A_233, %dma_start3A_234] : memref<10000x64xf32, #tpu.memory_space<hbm>> -> memref<10000x64xf32, #tpu.memory_space<hbm>>
        tpu.enqueue_indirect_dma source(%dma_start3A_235 : memref<10000x64xf32, #tpu.memory_space<hbm>>) target(%arg9 : memref<64x64xf32, #tpu.memory_space<vmem>>) offsets(%dma_start3A_232 : memref<64xi32, #tpu.memory_space<vmem>>) semaphore(%arg18 : memref<!tpu.dma_semaphore, #tpu.memory_space<semaphore_mem>>)
      } else {
      }
      %dma_wait3A_103 = arith.constant 64 : i32
      %dma_wait3A_104 = tpu.memref_slice %arg7[%add3A_87, %dma_wait3A_103] : memref<80x128xi32, #tpu.memory_space<vmem>> -> memref<1x64xi32, #tpu.memory_space<vmem>>
      %dma_wait3A_105 = tpu.memref_squeeze %dma_wait3A_104 : memref<1x64xi32, #tpu.memory_space<vmem>> -> memref<64xi32, #tpu.memory_space<vmem>>
      %dma_wait3A_106 = arith.constant 0 : i32
      %dma_wait3A_107 = arith.constant 0 : i32
      %dma_wait3A_108 = tpu.memref_slice %arg4[%dma_wait3A_106, %dma_wait3A_107] : memref<10000x64xf32, #tpu.memory_space<hbm>> -> memref<10000x64xf32, #tpu.memory_space<hbm>>
      tpu.wait_indirect_dma semaphore(%arg19 : memref<!tpu.dma_semaphore, #tpu.memory_space<semaphore_mem>>) src(%dma_wait3A_108 : memref<10000x64xf32, #tpu.memory_space<hbm>>) dst(%arg10 : memref<64x64xf32, #tpu.memory_space<vmem>>)
      %mul3A_109 = arith.constant 4 : i32
      %mul3A_110 = arith.muli %scan3A_81, %mul3A_109 : i32
      %add3A_111 = arith.constant 0 : i32
      %add3A_112 = arith.addi %mul3A_110, %add3A_111 : i32
      "tpu.region"() ({
        %run_scoped3A = tpu.sem_alloc : memref<!tpu.dma_semaphore, #tpu.memory_space<semaphore_mem>>
        %dma_start3A_228 = arith.constant 64 : i32
        %dma_start3A_229 = tpu.memref_slice %arg8[%add3A_112, %dma_start3A_228] : memref<40x128xi32, #tpu.memory_space<vmem>> -> memref<1x64xi32, #tpu.memory_space<vmem>>
        %dma_start3A_230 = tpu.memref_squeeze %dma_start3A_229 : memref<1x64xi32, #tpu.memory_space<vmem>> -> memref<64xi32, #tpu.memory_space<vmem>>
        %dma_start3A_231 = arith.constant 0 : i32
        %dma_start3A_232 = arith.constant 0 : i32
        %dma_start3A_233 = tpu.memref_slice %arg17[%dma_start3A_231, %dma_start3A_232] : memref<10112x64xf32, #tpu.memory_space<vmem_shared>> -> memref<10112x64xf32, #tpu.memory_space<vmem_shared>>
        tpu.enqueue_indirect_dma source(%arg10 : memref<64x64xf32, #tpu.memory_space<vmem>>) target(%dma_start3A_233 : memref<10112x64xf32, #tpu.memory_space<vmem_shared>>) offsets(%dma_start3A_230 : memref<64xi32, #tpu.memory_space<vmem>>) semaphore(%run_scoped3A : memref<!tpu.dma_semaphore, #tpu.memory_space<semaphore_mem>>) {add = true}
        %dma_wait3A_234 = arith.constant 64 : i32
        %dma_wait3A_235 = tpu.memref_slice %arg8[%add3A_112, %dma_wait3A_234] : memref<40x128xi32, #tpu.memory_space<vmem>> -> memref<1x64xi32, #tpu.memory_space<vmem>>
        %dma_wait3A_236 = tpu.memref_squeeze %dma_wait3A_235 : memref<1x64xi32, #tpu.memory_space<vmem>> -> memref<64xi32, #tpu.memory_space<vmem>>
        %dma_wait3A_237 = arith.constant 0 : i32
        %dma_wait3A_238 = arith.constant 0 : i32
        %dma_wait3A_239 = tpu.memref_slice %arg17[%dma_wait3A_237, %dma_wait3A_238] : memref<10112x64xf32, #tpu.memory_space<vmem_shared>> -> memref<10112x64xf32, #tpu.memory_space<vmem_shared>>
        tpu.wait_indirect_dma semaphore(%run_scoped3A : memref<!tpu.dma_semaphore, #tpu.memory_space<semaphore_mem>>) src(%arg10 : memref<64x64xf32, #tpu.memory_space<vmem>>) dst(%dma_wait3A_239 : memref<10112x64xf32, #tpu.memory_space<vmem_shared>>)
        tpu.yield
      }) : () -> ()
      %add3A_113 = arith.constant 4 : i32
      %add3A_114 = arith.addi %add3A_87, %add3A_113 : i32
      %lt3A_115 = arith.constant 80 : i32
      %lt3A_116 = arith.cmpi slt, %add3A_114, %lt3A_115 : i32
      %convert_element_type3A_117 = arith.extui %lt3A_116 : i1 to i32
      %cond3A_118 = arith.constant 0 : i32
      %cond3A_119 = arith.cmpi ne, %convert_element_type3A_117, %cond3A_118 : i32
      scf.if %cond3A_119 {
        %add3A_228 = arith.constant 4 : i32
        %add3A_229 = arith.addi %add3A_87, %add3A_228 : i32
        %dma_start3A_230 = arith.constant 64 : i32
        %dma_start3A_231 = tpu.memref_slice %arg7[%add3A_229, %dma_start3A_230] : memref<80x128xi32, #tpu.memory_space<vmem>> -> memref<1x64xi32, #tpu.memory_space<vmem>>
        %dma_start3A_232 = tpu.memref_squeeze %dma_start3A_231 : memref<1x64xi32, #tpu.memory_space<vmem>> -> memref<64xi32, #tpu.memory_space<vmem>>
        %dma_start3A_233 = arith.constant 0 : i32
        %dma_start3A_234 = arith.constant 0 : i32
        %dma_start3A_235 = tpu.memref_slice %arg4[%dma_start3A_233, %dma_start3A_234] : memref<10000x64xf32, #tpu.memory_space<hbm>> -> memref<10000x64xf32, #tpu.memory_space<hbm>>
        tpu.enqueue_indirect_dma source(%dma_start3A_235 : memref<10000x64xf32, #tpu.memory_space<hbm>>) target(%arg10 : memref<64x64xf32, #tpu.memory_space<vmem>>) offsets(%dma_start3A_232 : memref<64xi32, #tpu.memory_space<vmem>>) semaphore(%arg19 : memref<!tpu.dma_semaphore, #tpu.memory_space<semaphore_mem>>)
      } else {
      }
      %add3A_120 = arith.constant 1 : i32
      %add3A_121 = arith.addi %add3A_85, %add3A_120 : i32
      %dma_wait3A_122 = arith.constant 0 : i32
      %dma_wait3A_123 = tpu.memref_slice %arg7[%add3A_121, %dma_wait3A_122] : memref<80x128xi32, #tpu.memory_space<vmem>> -> memref<1x64xi32, #tpu.memory_space<vmem>>
      %dma_wait3A_124 = tpu.memref_squeeze %dma_wait3A_123 : memref<1x64xi32, #tpu.memory_space<vmem>> -> memref<64xi32, #tpu.memory_space<vmem>>
      %dma_wait3A_125 = arith.constant 0 : i32
      %dma_wait3A_126 = arith.constant 0 : i32
      %dma_wait3A_127 = tpu.memref_slice %arg4[%dma_wait3A_125, %dma_wait3A_126] : memref<10000x64xf32, #tpu.memory_space<hbm>> -> memref<10000x64xf32, #tpu.memory_space<hbm>>
      tpu.wait_indirect_dma semaphore(%arg20 : memref<!tpu.dma_semaphore, #tpu.memory_space<semaphore_mem>>) src(%dma_wait3A_127 : memref<10000x64xf32, #tpu.memory_space<hbm>>) dst(%arg11 : memref<64x64xf32, #tpu.memory_space<vmem>>)
      %mul3A_128 = arith.constant 4 : i32
      %mul3A_129 = arith.muli %scan3A_81, %mul3A_128 : i32
      %add3A_130 = arith.constant 1 : i32
      %add3A_131 = arith.addi %mul3A_129, %add3A_130 : i32
      "tpu.region"() ({
        %run_scoped3A = tpu.sem_alloc : memref<!tpu.dma_semaphore, #tpu.memory_space<semaphore_mem>>
        %dma_start3A_228 = arith.constant 0 : i32
        %dma_start3A_229 = tpu.memref_slice %arg8[%add3A_131, %dma_start3A_228] : memref<40x128xi32, #tpu.memory_space<vmem>> -> memref<1x64xi32, #tpu.memory_space<vmem>>
        %dma_start3A_230 = tpu.memref_squeeze %dma_start3A_229 : memref<1x64xi32, #tpu.memory_space<vmem>> -> memref<64xi32, #tpu.memory_space<vmem>>
        %dma_start3A_231 = arith.constant 0 : i32
        %dma_start3A_232 = arith.constant 0 : i32
        %dma_start3A_233 = tpu.memref_slice %arg17[%dma_start3A_231, %dma_start3A_232] : memref<10112x64xf32, #tpu.memory_space<vmem_shared>> -> memref<10112x64xf32, #tpu.memory_space<vmem_shared>>
        tpu.enqueue_indirect_dma source(%arg11 : memref<64x64xf32, #tpu.memory_space<vmem>>) target(%dma_start3A_233 : memref<10112x64xf32, #tpu.memory_space<vmem_shared>>) offsets(%dma_start3A_230 : memref<64xi32, #tpu.memory_space<vmem>>) semaphore(%run_scoped3A : memref<!tpu.dma_semaphore, #tpu.memory_space<semaphore_mem>>) {add = true}
        %dma_wait3A_234 = arith.constant 0 : i32
        %dma_wait3A_235 = tpu.memref_slice %arg8[%add3A_131, %dma_wait3A_234] : memref<40x128xi32, #tpu.memory_space<vmem>> -> memref<1x64xi32, #tpu.memory_space<vmem>>
        %dma_wait3A_236 = tpu.memref_squeeze %dma_wait3A_235 : memref<1x64xi32, #tpu.memory_space<vmem>> -> memref<64xi32, #tpu.memory_space<vmem>>
        %dma_wait3A_237 = arith.constant 0 : i32
        %dma_wait3A_238 = arith.constant 0 : i32
        %dma_wait3A_239 = tpu.memref_slice %arg17[%dma_wait3A_237, %dma_wait3A_238] : memref<10112x64xf32, #tpu.memory_space<vmem_shared>> -> memref<10112x64xf32, #tpu.memory_space<vmem_shared>>
        tpu.wait_indirect_dma semaphore(%run_scoped3A : memref<!tpu.dma_semaphore, #tpu.memory_space<semaphore_mem>>) src(%arg11 : memref<64x64xf32, #tpu.memory_space<vmem>>) dst(%dma_wait3A_239 : memref<10112x64xf32, #tpu.memory_space<vmem_shared>>)
        tpu.yield
      }) : () -> ()
      %add3A_132 = arith.constant 4 : i32
      %add3A_133 = arith.addi %add3A_121, %add3A_132 : i32
      %lt3A_134 = arith.constant 80 : i32
      %lt3A_135 = arith.cmpi slt, %add3A_133, %lt3A_134 : i32
      %convert_element_type3A_136 = arith.extui %lt3A_135 : i1 to i32
      %cond3A_137 = arith.constant 0 : i32
      %cond3A_138 = arith.cmpi ne, %convert_element_type3A_136, %cond3A_137 : i32
      scf.if %cond3A_138 {
        %add3A_228 = arith.constant 4 : i32
        %add3A_229 = arith.addi %add3A_121, %add3A_228 : i32
        %dma_start3A_230 = arith.constant 0 : i32
        %dma_start3A_231 = tpu.memref_slice %arg7[%add3A_229, %dma_start3A_230] : memref<80x128xi32, #tpu.memory_space<vmem>> -> memref<1x64xi32, #tpu.memory_space<vmem>>
        %dma_start3A_232 = tpu.memref_squeeze %dma_start3A_231 : memref<1x64xi32, #tpu.memory_space<vmem>> -> memref<64xi32, #tpu.memory_space<vmem>>
        %dma_start3A_233 = arith.constant 0 : i32
        %dma_start3A_234 = arith.constant 0 : i32
        %dma_start3A_235 = tpu.memref_slice %arg4[%dma_start3A_233, %dma_start3A_234] : memref<10000x64xf32, #tpu.memory_space<hbm>> -> memref<10000x64xf32, #tpu.memory_space<hbm>>
        tpu.enqueue_indirect_dma source(%dma_start3A_235 : memref<10000x64xf32, #tpu.memory_space<hbm>>) target(%arg11 : memref<64x64xf32, #tpu.memory_space<vmem>>) offsets(%dma_start3A_232 : memref<64xi32, #tpu.memory_space<vmem>>) semaphore(%arg20 : memref<!tpu.dma_semaphore, #tpu.memory_space<semaphore_mem>>)
      } else {
      }
      %dma_wait3A_139 = arith.constant 64 : i32
      %dma_wait3A_140 = tpu.memref_slice %arg7[%add3A_121, %dma_wait3A_139] : memref<80x128xi32, #tpu.memory_space<vmem>> -> memref<1x64xi32, #tpu.memory_space<vmem>>
      %dma_wait3A_141 = tpu.memref_squeeze %dma_wait3A_140 : memref<1x64xi32, #tpu.memory_space<vmem>> -> memref<64xi32, #tpu.memory_space<vmem>>
      %dma_wait3A_142 = arith.constant 0 : i32
      %dma_wait3A_143 = arith.constant 0 : i32
      %dma_wait3A_144 = tpu.memref_slice %arg4[%dma_wait3A_142, %dma_wait3A_143] : memref<10000x64xf32, #tpu.memory_space<hbm>> -> memref<10000x64xf32, #tpu.memory_space<hbm>>
      tpu.wait_indirect_dma semaphore(%arg21 : memref<!tpu.dma_semaphore, #tpu.memory_space<semaphore_mem>>) src(%dma_wait3A_144 : memref<10000x64xf32, #tpu.memory_space<hbm>>) dst(%arg12 : memref<64x64xf32, #tpu.memory_space<vmem>>)
      %mul3A_145 = arith.constant 4 : i32
      %mul3A_146 = arith.muli %scan3A_81, %mul3A_145 : i32
      %add3A_147 = arith.constant 1 : i32
      %add3A_148 = arith.addi %mul3A_146, %add3A_147 : i32
      "tpu.region"() ({
        %run_scoped3A = tpu.sem_alloc : memref<!tpu.dma_semaphore, #tpu.memory_space<semaphore_mem>>
        %dma_start3A_228 = arith.constant 64 : i32
        %dma_start3A_229 = tpu.memref_slice %arg8[%add3A_148, %dma_start3A_228] : memref<40x128xi32, #tpu.memory_space<vmem>> -> memref<1x64xi32, #tpu.memory_space<vmem>>
        %dma_start3A_230 = tpu.memref_squeeze %dma_start3A_229 : memref<1x64xi32, #tpu.memory_space<vmem>> -> memref<64xi32, #tpu.memory_space<vmem>>
        %dma_start3A_231 = arith.constant 0 : i32
        %dma_start3A_232 = arith.constant 0 : i32
        %dma_start3A_233 = tpu.memref_slice %arg17[%dma_start3A_231, %dma_start3A_232] : memref<10112x64xf32, #tpu.memory_space<vmem_shared>> -> memref<10112x64xf32, #tpu.memory_space<vmem_shared>>
        tpu.enqueue_indirect_dma source(%arg12 : memref<64x64xf32, #tpu.memory_space<vmem>>) target(%dma_start3A_233 : memref<10112x64xf32, #tpu.memory_space<vmem_shared>>) offsets(%dma_start3A_230 : memref<64xi32, #tpu.memory_space<vmem>>) semaphore(%run_scoped3A : memref<!tpu.dma_semaphore, #tpu.memory_space<semaphore_mem>>) {add = true}
        %dma_wait3A_234 = arith.constant 64 : i32
        %dma_wait3A_235 = tpu.memref_slice %arg8[%add3A_148, %dma_wait3A_234] : memref<40x128xi32, #tpu.memory_space<vmem>> -> memref<1x64xi32, #tpu.memory_space<vmem>>
        %dma_wait3A_236 = tpu.memref_squeeze %dma_wait3A_235 : memref<1x64xi32, #tpu.memory_space<vmem>> -> memref<64xi32, #tpu.memory_space<vmem>>
        %dma_wait3A_237 = arith.constant 0 : i32
        %dma_wait3A_238 = arith.constant 0 : i32
        %dma_wait3A_239 = tpu.memref_slice %arg17[%dma_wait3A_237, %dma_wait3A_238] : memref<10112x64xf32, #tpu.memory_space<vmem_shared>> -> memref<10112x64xf32, #tpu.memory_space<vmem_shared>>
        tpu.wait_indirect_dma semaphore(%run_scoped3A : memref<!tpu.dma_semaphore, #tpu.memory_space<semaphore_mem>>) src(%arg12 : memref<64x64xf32, #tpu.memory_space<vmem>>) dst(%dma_wait3A_239 : memref<10112x64xf32, #tpu.memory_space<vmem_shared>>)
        tpu.yield
      }) : () -> ()
      %add3A_149 = arith.constant 4 : i32
      %add3A_150 = arith.addi %add3A_121, %add3A_149 : i32
      %lt3A_151 = arith.constant 80 : i32
      %lt3A_152 = arith.cmpi slt, %add3A_150, %lt3A_151 : i32
      %convert_element_type3A_153 = arith.extui %lt3A_152 : i1 to i32
      %cond3A_154 = arith.constant 0 : i32
      %cond3A_155 = arith.cmpi ne, %convert_element_type3A_153, %cond3A_154 : i32
      scf.if %cond3A_155 {
        %add3A_228 = arith.constant 4 : i32
        %add3A_229 = arith.addi %add3A_121, %add3A_228 : i32
        %dma_start3A_230 = arith.constant 64 : i32
        %dma_start3A_231 = tpu.memref_slice %arg7[%add3A_229, %dma_start3A_230] : memref<80x128xi32, #tpu.memory_space<vmem>> -> memref<1x64xi32, #tpu.memory_space<vmem>>
        %dma_start3A_232 = tpu.memref_squeeze %dma_start3A_231 : memref<1x64xi32, #tpu.memory_space<vmem>> -> memref<64xi32, #tpu.memory_space<vmem>>
        %dma_start3A_233 = arith.constant 0 : i32
        %dma_start3A_234 = arith.constant 0 : i32
        %dma_start3A_235 = tpu.memref_slice %arg4[%dma_start3A_233, %dma_start3A_234] : memref<10000x64xf32, #tpu.memory_space<hbm>> -> memref<10000x64xf32, #tpu.memory_space<hbm>>
        tpu.enqueue_indirect_dma source(%dma_start3A_235 : memref<10000x64xf32, #tpu.memory_space<hbm>>) target(%arg12 : memref<64x64xf32, #tpu.memory_space<vmem>>) offsets(%dma_start3A_232 : memref<64xi32, #tpu.memory_space<vmem>>) semaphore(%arg21 : memref<!tpu.dma_semaphore, #tpu.memory_space<semaphore_mem>>)
      } else {
      }
      %add3A_156 = arith.constant 2 : i32
      %add3A_157 = arith.addi %add3A_85, %add3A_156 : i32
      %dma_wait3A_158 = arith.constant 0 : i32
      %dma_wait3A_159 = tpu.memref_slice %arg7[%add3A_157, %dma_wait3A_158] : memref<80x128xi32, #tpu.memory_space<vmem>> -> memref<1x64xi32, #tpu.memory_space<vmem>>
      %dma_wait3A_160 = tpu.memref_squeeze %dma_wait3A_159 : memref<1x64xi32, #tpu.memory_space<vmem>> -> memref<64xi32, #tpu.memory_space<vmem>>
      %dma_wait3A_161 = arith.constant 0 : i32
      %dma_wait3A_162 = arith.constant 0 : i32
      %dma_wait3A_163 = tpu.memref_slice %arg4[%dma_wait3A_161, %dma_wait3A_162] : memref<10000x64xf32, #tpu.memory_space<hbm>> -> memref<10000x64xf32, #tpu.memory_space<hbm>>
      tpu.wait_indirect_dma semaphore(%arg22 : memref<!tpu.dma_semaphore, #tpu.memory_space<semaphore_mem>>) src(%dma_wait3A_163 : memref<10000x64xf32, #tpu.memory_space<hbm>>) dst(%arg13 : memref<64x64xf32, #tpu.memory_space<vmem>>)
      %mul3A_164 = arith.constant 4 : i32
      %mul3A_165 = arith.muli %scan3A_81, %mul3A_164 : i32
      %add3A_166 = arith.constant 2 : i32
      %add3A_167 = arith.addi %mul3A_165, %add3A_166 : i32
      "tpu.region"() ({
        %run_scoped3A = tpu.sem_alloc : memref<!tpu.dma_semaphore, #tpu.memory_space<semaphore_mem>>
        %dma_start3A_228 = arith.constant 0 : i32
        %dma_start3A_229 = tpu.memref_slice %arg8[%add3A_167, %dma_start3A_228] : memref<40x128xi32, #tpu.memory_space<vmem>> -> memref<1x64xi32, #tpu.memory_space<vmem>>
        %dma_start3A_230 = tpu.memref_squeeze %dma_start3A_229 : memref<1x64xi32, #tpu.memory_space<vmem>> -> memref<64xi32, #tpu.memory_space<vmem>>
        %dma_start3A_231 = arith.constant 0 : i32
        %dma_start3A_232 = arith.constant 0 : i32
        %dma_start3A_233 = tpu.memref_slice %arg17[%dma_start3A_231, %dma_start3A_232] : memref<10112x64xf32, #tpu.memory_space<vmem_shared>> -> memref<10112x64xf32, #tpu.memory_space<vmem_shared>>
        tpu.enqueue_indirect_dma source(%arg13 : memref<64x64xf32, #tpu.memory_space<vmem>>) target(%dma_start3A_233 : memref<10112x64xf32, #tpu.memory_space<vmem_shared>>) offsets(%dma_start3A_230 : memref<64xi32, #tpu.memory_space<vmem>>) semaphore(%run_scoped3A : memref<!tpu.dma_semaphore, #tpu.memory_space<semaphore_mem>>) {add = true}
        %dma_wait3A_234 = arith.constant 0 : i32
        %dma_wait3A_235 = tpu.memref_slice %arg8[%add3A_167, %dma_wait3A_234] : memref<40x128xi32, #tpu.memory_space<vmem>> -> memref<1x64xi32, #tpu.memory_space<vmem>>
        %dma_wait3A_236 = tpu.memref_squeeze %dma_wait3A_235 : memref<1x64xi32, #tpu.memory_space<vmem>> -> memref<64xi32, #tpu.memory_space<vmem>>
        %dma_wait3A_237 = arith.constant 0 : i32
        %dma_wait3A_238 = arith.constant 0 : i32
        %dma_wait3A_239 = tpu.memref_slice %arg17[%dma_wait3A_237, %dma_wait3A_238] : memref<10112x64xf32, #tpu.memory_space<vmem_shared>> -> memref<10112x64xf32, #tpu.memory_space<vmem_shared>>
        tpu.wait_indirect_dma semaphore(%run_scoped3A : memref<!tpu.dma_semaphore, #tpu.memory_space<semaphore_mem>>) src(%arg13 : memref<64x64xf32, #tpu.memory_space<vmem>>) dst(%dma_wait3A_239 : memref<10112x64xf32, #tpu.memory_space<vmem_shared>>)
        tpu.yield
      }) : () -> ()
      %add3A_168 = arith.constant 4 : i32
      %add3A_169 = arith.addi %add3A_157, %add3A_168 : i32
      %lt3A_170 = arith.constant 80 : i32
      %lt3A_171 = arith.cmpi slt, %add3A_169, %lt3A_170 : i32
      %convert_element_type3A_172 = arith.extui %lt3A_171 : i1 to i32
      %cond3A_173 = arith.constant 0 : i32
      %cond3A_174 = arith.cmpi ne, %convert_element_type3A_172, %cond3A_173 : i32
      scf.if %cond3A_174 {
        %add3A_228 = arith.constant 4 : i32
        %add3A_229 = arith.addi %add3A_157, %add3A_228 : i32
        %dma_start3A_230 = arith.constant 0 : i32
        %dma_start3A_231 = tpu.memref_slice %arg7[%add3A_229, %dma_start3A_230] : memref<80x128xi32, #tpu.memory_space<vmem>> -> memref<1x64xi32, #tpu.memory_space<vmem>>
        %dma_start3A_232 = tpu.memref_squeeze %dma_start3A_231 : memref<1x64xi32, #tpu.memory_space<vmem>> -> memref<64xi32, #tpu.memory_space<vmem>>
        %dma_start3A_233 = arith.constant 0 : i32
        %dma_start3A_234 = arith.constant 0 : i32
        %dma_start3A_235 = tpu.memref_slice %arg4[%dma_start3A_233, %dma_start3A_234] : memref<10000x64xf32, #tpu.memory_space<hbm>> -> memref<10000x64xf32, #tpu.memory_space<hbm>>
        tpu.enqueue_indirect_dma source(%dma_start3A_235 : memref<10000x64xf32, #tpu.memory_space<hbm>>) target(%arg13 : memref<64x64xf32, #tpu.memory_space<vmem>>) offsets(%dma_start3A_232 : memref<64xi32, #tpu.memory_space<vmem>>) semaphore(%arg22 : memref<!tpu.dma_semaphore, #tpu.memory_space<semaphore_mem>>)
      } else {
      }
      %dma_wait3A_175 = arith.constant 64 : i32
      %dma_wait3A_176 = tpu.memref_slice %arg7[%add3A_157, %dma_wait3A_175] : memref<80x128xi32, #tpu.memory_space<vmem>> -> memref<1x64xi32, #tpu.memory_space<vmem>>
      %dma_wait3A_177 = tpu.memref_squeeze %dma_wait3A_176 : memref<1x64xi32, #tpu.memory_space<vmem>> -> memref<64xi32, #tpu.memory_space<vmem>>
      %dma_wait3A_178 = arith.constant 0 : i32
      %dma_wait3A_179 = arith.constant 0 : i32
      %dma_wait3A_180 = tpu.memref_slice %arg4[%dma_wait3A_178, %dma_wait3A_179] : memref<10000x64xf32, #tpu.memory_space<hbm>> -> memref<10000x64xf32, #tpu.memory_space<hbm>>
      tpu.wait_indirect_dma semaphore(%arg23 : memref<!tpu.dma_semaphore, #tpu.memory_space<semaphore_mem>>) src(%dma_wait3A_180 : memref<10000x64xf32, #tpu.memory_space<hbm>>) dst(%arg14 : memref<64x64xf32, #tpu.memory_space<vmem>>)
      %mul3A_181 = arith.constant 4 : i32
      %mul3A_182 = arith.muli %scan3A_81, %mul3A_181 : i32
      %add3A_183 = arith.constant 2 : i32
      %add3A_184 = arith.addi %mul3A_182, %add3A_183 : i32
      "tpu.region"() ({
        %run_scoped3A = tpu.sem_alloc : memref<!tpu.dma_semaphore, #tpu.memory_space<semaphore_mem>>
        %dma_start3A_228 = arith.constant 64 : i32
        %dma_start3A_229 = tpu.memref_slice %arg8[%add3A_184, %dma_start3A_228] : memref<40x128xi32, #tpu.memory_space<vmem>> -> memref<1x64xi32, #tpu.memory_space<vmem>>
        %dma_start3A_230 = tpu.memref_squeeze %dma_start3A_229 : memref<1x64xi32, #tpu.memory_space<vmem>> -> memref<64xi32, #tpu.memory_space<vmem>>
        %dma_start3A_231 = arith.constant 0 : i32
        %dma_start3A_232 = arith.constant 0 : i32
        %dma_start3A_233 = tpu.memref_slice %arg17[%dma_start3A_231, %dma_start3A_232] : memref<10112x64xf32, #tpu.memory_space<vmem_shared>> -> memref<10112x64xf32, #tpu.memory_space<vmem_shared>>
        tpu.enqueue_indirect_dma source(%arg14 : memref<64x64xf32, #tpu.memory_space<vmem>>) target(%dma_start3A_233 : memref<10112x64xf32, #tpu.memory_space<vmem_shared>>) offsets(%dma_start3A_230 : memref<64xi32, #tpu.memory_space<vmem>>) semaphore(%run_scoped3A : memref<!tpu.dma_semaphore, #tpu.memory_space<semaphore_mem>>) {add = true}
        %dma_wait3A_234 = arith.constant 64 : i32
        %dma_wait3A_235 = tpu.memref_slice %arg8[%add3A_184, %dma_wait3A_234] : memref<40x128xi32, #tpu.memory_space<vmem>> -> memref<1x64xi32, #tpu.memory_space<vmem>>
        %dma_wait3A_236 = tpu.memref_squeeze %dma_wait3A_235 : memref<1x64xi32, #tpu.memory_space<vmem>> -> memref<64xi32, #tpu.memory_space<vmem>>
        %dma_wait3A_237 = arith.constant 0 : i32
        %dma_wait3A_238 = arith.constant 0 : i32
        %dma_wait3A_239 = tpu.memref_slice %arg17[%dma_wait3A_237, %dma_wait3A_238] : memref<10112x64xf32, #tpu.memory_space<vmem_shared>> -> memref<10112x64xf32, #tpu.memory_space<vmem_shared>>
        tpu.wait_indirect_dma semaphore(%run_scoped3A : memref<!tpu.dma_semaphore, #tpu.memory_space<semaphore_mem>>) src(%arg14 : memref<64x64xf32, #tpu.memory_space<vmem>>) dst(%dma_wait3A_239 : memref<10112x64xf32, #tpu.memory_space<vmem_shared>>)
        tpu.yield
      }) : () -> ()
      %add3A_185 = arith.constant 4 : i32
      %add3A_186 = arith.addi %add3A_157, %add3A_185 : i32
      %lt3A_187 = arith.constant 80 : i32
      %lt3A_188 = arith.cmpi slt, %add3A_186, %lt3A_187 : i32
      %convert_element_type3A_189 = arith.extui %lt3A_188 : i1 to i32
      %cond3A_190 = arith.constant 0 : i32
      %cond3A_191 = arith.cmpi ne, %convert_element_type3A_189, %cond3A_190 : i32
      scf.if %cond3A_191 {
        %add3A_228 = arith.constant 4 : i32
        %add3A_229 = arith.addi %add3A_157, %add3A_228 : i32
        %dma_start3A_230 = arith.constant 64 : i32
        %dma_start3A_231 = tpu.memref_slice %arg7[%add3A_229, %dma_start3A_230] : memref<80x128xi32, #tpu.memory_space<vmem>> -> memref<1x64xi32, #tpu.memory_space<vmem>>
        %dma_start3A_232 = tpu.memref_squeeze %dma_start3A_231 : memref<1x64xi32, #tpu.memory_space<vmem>> -> memref<64xi32, #tpu.memory_space<vmem>>
        %dma_start3A_233 = arith.constant 0 : i32
        %dma_start3A_234 = arith.constant 0 : i32
        %dma_start3A_235 = tpu.memref_slice %arg4[%dma_start3A_233, %dma_start3A_234] : memref<10000x64xf32, #tpu.memory_space<hbm>> -> memref<10000x64xf32, #tpu.memory_space<hbm>>
        tpu.enqueue_indirect_dma source(%dma_start3A_235 : memref<10000x64xf32, #tpu.memory_space<hbm>>) target(%arg14 : memref<64x64xf32, #tpu.memory_space<vmem>>) offsets(%dma_start3A_232 : memref<64xi32, #tpu.memory_space<vmem>>) semaphore(%arg23 : memref<!tpu.dma_semaphore, #tpu.memory_space<semaphore_mem>>)
      } else {
      }
      %add3A_192 = arith.constant 3 : i32
      %add3A_193 = arith.addi %add3A_85, %add3A_192 : i32
      %dma_wait3A_194 = arith.constant 0 : i32
      %dma_wait3A_195 = tpu.memref_slice %arg7[%add3A_193, %dma_wait3A_194] : memref<80x128xi32, #tpu.memory_space<vmem>> -> memref<1x64xi32, #tpu.memory_space<vmem>>
      %dma_wait3A_196 = tpu.memref_squeeze %dma_wait3A_195 : memref<1x64xi32, #tpu.memory_space<vmem>> -> memref<64xi32, #tpu.memory_space<vmem>>
      %dma_wait3A_197 = arith.constant 0 : i32
      %dma_wait3A_198 = arith.constant 0 : i32
      %dma_wait3A_199 = tpu.memref_slice %arg4[%dma_wait3A_197, %dma_wait3A_198] : memref<10000x64xf32, #tpu.memory_space<hbm>> -> memref<10000x64xf32, #tpu.memory_space<hbm>>
      tpu.wait_indirect_dma semaphore(%arg24 : memref<!tpu.dma_semaphore, #tpu.memory_space<semaphore_mem>>) src(%dma_wait3A_199 : memref<10000x64xf32, #tpu.memory_space<hbm>>) dst(%arg15 : memref<64x64xf32, #tpu.memory_space<vmem>>)
      %mul3A_200 = arith.constant 4 : i32
      %mul3A_201 = arith.muli %scan3A_81, %mul3A_200 : i32
      %add3A_202 = arith.constant 3 : i32
      %add3A_203 = arith.addi %mul3A_201, %add3A_202 : i32
      "tpu.region"() ({
        %run_scoped3A = tpu.sem_alloc : memref<!tpu.dma_semaphore, #tpu.memory_space<semaphore_mem>>
        %dma_start3A_228 = arith.constant 0 : i32
        %dma_start3A_229 = tpu.memref_slice %arg8[%add3A_203, %dma_start3A_228] : memref<40x128xi32, #tpu.memory_space<vmem>> -> memref<1x64xi32, #tpu.memory_space<vmem>>
        %dma_start3A_230 = tpu.memref_squeeze %dma_start3A_229 : memref<1x64xi32, #tpu.memory_space<vmem>> -> memref<64xi32, #tpu.memory_space<vmem>>
        %dma_start3A_231 = arith.constant 0 : i32
        %dma_start3A_232 = arith.constant 0 : i32
        %dma_start3A_233 = tpu.memref_slice %arg17[%dma_start3A_231, %dma_start3A_232] : memref<10112x64xf32, #tpu.memory_space<vmem_shared>> -> memref<10112x64xf32, #tpu.memory_space<vmem_shared>>
        tpu.enqueue_indirect_dma source(%arg15 : memref<64x64xf32, #tpu.memory_space<vmem>>) target(%dma_start3A_233 : memref<10112x64xf32, #tpu.memory_space<vmem_shared>>) offsets(%dma_start3A_230 : memref<64xi32, #tpu.memory_space<vmem>>) semaphore(%run_scoped3A : memref<!tpu.dma_semaphore, #tpu.memory_space<semaphore_mem>>) {add = true}
        %dma_wait3A_234 = arith.constant 0 : i32
        %dma_wait3A_235 = tpu.memref_slice %arg8[%add3A_203, %dma_wait3A_234] : memref<40x128xi32, #tpu.memory_space<vmem>> -> memref<1x64xi32, #tpu.memory_space<vmem>>
        %dma_wait3A_236 = tpu.memref_squeeze %dma_wait3A_235 : memref<1x64xi32, #tpu.memory_space<vmem>> -> memref<64xi32, #tpu.memory_space<vmem>>
        %dma_wait3A_237 = arith.constant 0 : i32
        %dma_wait3A_238 = arith.constant 0 : i32
        %dma_wait3A_239 = tpu.memref_slice %arg17[%dma_wait3A_237, %dma_wait3A_238] : memref<10112x64xf32, #tpu.memory_space<vmem_shared>> -> memref<10112x64xf32, #tpu.memory_space<vmem_shared>>
        tpu.wait_indirect_dma semaphore(%run_scoped3A : memref<!tpu.dma_semaphore, #tpu.memory_space<semaphore_mem>>) src(%arg15 : memref<64x64xf32, #tpu.memory_space<vmem>>) dst(%dma_wait3A_239 : memref<10112x64xf32, #tpu.memory_space<vmem_shared>>)
        tpu.yield
      }) : () -> ()
      %add3A_204 = arith.constant 4 : i32
      %add3A_205 = arith.addi %add3A_193, %add3A_204 : i32
      %lt3A_206 = arith.constant 80 : i32
      %lt3A_207 = arith.cmpi slt, %add3A_205, %lt3A_206 : i32
      %convert_element_type3A_208 = arith.extui %lt3A_207 : i1 to i32
      %cond3A_209 = arith.constant 0 : i32
      %cond3A_210 = arith.cmpi ne, %convert_element_type3A_208, %cond3A_209 : i32
      scf.if %cond3A_210 {
        %add3A_228 = arith.constant 4 : i32
        %add3A_229 = arith.addi %add3A_193, %add3A_228 : i32
        %dma_start3A_230 = arith.constant 0 : i32
        %dma_start3A_231 = tpu.memref_slice %arg7[%add3A_229, %dma_start3A_230] : memref<80x128xi32, #tpu.memory_space<vmem>> -> memref<1x64xi32, #tpu.memory_space<vmem>>
        %dma_start3A_232 = tpu.memref_squeeze %dma_start3A_231 : memref<1x64xi32, #tpu.memory_space<vmem>> -> memref<64xi32, #tpu.memory_space<vmem>>
        %dma_start3A_233 = arith.constant 0 : i32
        %dma_start3A_234 = arith.constant 0 : i32
        %dma_start3A_235 = tpu.memref_slice %arg4[%dma_start3A_233, %dma_start3A_234] : memref<10000x64xf32, #tpu.memory_space<hbm>> -> memref<10000x64xf32, #tpu.memory_space<hbm>>
        tpu.enqueue_indirect_dma source(%dma_start3A_235 : memref<10000x64xf32, #tpu.memory_space<hbm>>) target(%arg15 : memref<64x64xf32, #tpu.memory_space<vmem>>) offsets(%dma_start3A_232 : memref<64xi32, #tpu.memory_space<vmem>>) semaphore(%arg24 : memref<!tpu.dma_semaphore, #tpu.memory_space<semaphore_mem>>)
      } else {
      }
      %dma_wait3A_211 = arith.constant 64 : i32
      %dma_wait3A_212 = tpu.memref_slice %arg7[%add3A_193, %dma_wait3A_211] : memref<80x128xi32, #tpu.memory_space<vmem>> -> memref<1x64xi32, #tpu.memory_space<vmem>>
      %dma_wait3A_213 = tpu.memref_squeeze %dma_wait3A_212 : memref<1x64xi32, #tpu.memory_space<vmem>> -> memref<64xi32, #tpu.memory_space<vmem>>
      %dma_wait3A_214 = arith.constant 0 : i32
      %dma_wait3A_215 = arith.constant 0 : i32
      %dma_wait3A_216 = tpu.memref_slice %arg4[%dma_wait3A_214, %dma_wait3A_215] : memref<10000x64xf32, #tpu.memory_space<hbm>> -> memref<10000x64xf32, #tpu.memory_space<hbm>>
      tpu.wait_indirect_dma semaphore(%arg25 : memref<!tpu.dma_semaphore, #tpu.memory_space<semaphore_mem>>) src(%dma_wait3A_216 : memref<10000x64xf32, #tpu.memory_space<hbm>>) dst(%arg16 : memref<64x64xf32, #tpu.memory_space<vmem>>)
      %mul3A_217 = arith.constant 4 : i32
      %mul3A_218 = arith.muli %scan3A_81, %mul3A_217 : i32
      %add3A_219 = arith.constant 3 : i32
      %add3A_220 = arith.addi %mul3A_218, %add3A_219 : i32
      "tpu.region"() ({
        %run_scoped3A = tpu.sem_alloc : memref<!tpu.dma_semaphore, #tpu.memory_space<semaphore_mem>>
        %dma_start3A_228 = arith.constant 64 : i32
        %dma_start3A_229 = tpu.memref_slice %arg8[%add3A_220, %dma_start3A_228] : memref<40x128xi32, #tpu.memory_space<vmem>> -> memref<1x64xi32, #tpu.memory_space<vmem>>
        %dma_start3A_230 = tpu.memref_squeeze %dma_start3A_229 : memref<1x64xi32, #tpu.memory_space<vmem>> -> memref<64xi32, #tpu.memory_space<vmem>>
        %dma_start3A_231 = arith.constant 0 : i32
        %dma_start3A_232 = arith.constant 0 : i32
        %dma_start3A_233 = tpu.memref_slice %arg17[%dma_start3A_231, %dma_start3A_232] : memref<10112x64xf32, #tpu.memory_space<vmem_shared>> -> memref<10112x64xf32, #tpu.memory_space<vmem_shared>>
        tpu.enqueue_indirect_dma source(%arg16 : memref<64x64xf32, #tpu.memory_space<vmem>>) target(%dma_start3A_233 : memref<10112x64xf32, #tpu.memory_space<vmem_shared>>) offsets(%dma_start3A_230 : memref<64xi32, #tpu.memory_space<vmem>>) semaphore(%run_scoped3A : memref<!tpu.dma_semaphore, #tpu.memory_space<semaphore_mem>>) {add = true}
        %dma_wait3A_234 = arith.constant 64 : i32
        %dma_wait3A_235 = tpu.memref_slice %arg8[%add3A_220, %dma_wait3A_234] : memref<40x128xi32, #tpu.memory_space<vmem>> -> memref<1x64xi32, #tpu.memory_space<vmem>>
        %dma_wait3A_236 = tpu.memref_squeeze %dma_wait3A_235 : memref<1x64xi32, #tpu.memory_space<vmem>> -> memref<64xi32, #tpu.memory_space<vmem>>
        %dma_wait3A_237 = arith.constant 0 : i32
        %dma_wait3A_238 = arith.constant 0 : i32
        %dma_wait3A_239 = tpu.memref_slice %arg17[%dma_wait3A_237, %dma_wait3A_238] : memref<10112x64xf32, #tpu.memory_space<vmem_shared>> -> memref<10112x64xf32, #tpu.memory_space<vmem_shared>>
        tpu.wait_indirect_dma semaphore(%run_scoped3A : memref<!tpu.dma_semaphore, #tpu.memory_space<semaphore_mem>>) src(%arg16 : memref<64x64xf32, #tpu.memory_space<vmem>>) dst(%dma_wait3A_239 : memref<10112x64xf32, #tpu.memory_space<vmem_shared>>)
        tpu.yield
      }) : () -> ()
      %add3A_221 = arith.constant 4 : i32
      %add3A_222 = arith.addi %add3A_193, %add3A_221 : i32
      %lt3A_223 = arith.constant 80 : i32
      %lt3A_224 = arith.cmpi slt, %add3A_222, %lt3A_223 : i32
      %convert_element_type3A_225 = arith.extui %lt3A_224 : i1 to i32
      %cond3A_226 = arith.constant 0 : i32
      %cond3A_227 = arith.cmpi ne, %convert_element_type3A_225, %cond3A_226 : i32
      scf.if %cond3A_227 {
        %add3A_228 = arith.constant 4 : i32
        %add3A_229 = arith.addi %add3A_193, %add3A_228 : i32
        %dma_start3A_230 = arith.constant 64 : i32
        %dma_start3A_231 = tpu.memref_slice %arg7[%add3A_229, %dma_start3A_230] : memref<80x128xi32, #tpu.memory_space<vmem>> -> memref<1x64xi32, #tpu.memory_space<vmem>>
        %dma_start3A_232 = tpu.memref_squeeze %dma_start3A_231 : memref<1x64xi32, #tpu.memory_space<vmem>> -> memref<64xi32, #tpu.memory_space<vmem>>
        %dma_start3A_233 = arith.constant 0 : i32
        %dma_start3A_234 = arith.constant 0 : i32
        %dma_start3A_235 = tpu.memref_slice %arg4[%dma_start3A_233, %dma_start3A_234] : memref<10000x64xf32, #tpu.memory_space<hbm>> -> memref<10000x64xf32, #tpu.memory_space<hbm>>
        tpu.enqueue_indirect_dma source(%dma_start3A_235 : memref<10000x64xf32, #tpu.memory_space<hbm>>) target(%arg16 : memref<64x64xf32, #tpu.memory_space<vmem>>) offsets(%dma_start3A_232 : memref<64xi32, #tpu.memory_space<vmem>>) semaphore(%arg25 : memref<!tpu.dma_semaphore, #tpu.memory_space<semaphore_mem>>)
      } else {
      }
    }
    %scan3A_65 = arith.constant 10 : i32
    %add3A_66 = arith.constant 40 : i32
    %add3A_67 = arith.addi %multiple_of3A_5, %add3A_66 : i32
    "tpu.region"() ({
      %run_scoped3A = tpu.sem_alloc : memref<!tpu.dma_semaphore, #tpu.memory_space<semaphore_mem>>
      %dma_start3A_81 = arith.constant 0 : i32
      %dma_start3A_82 = tpu.memref_slice %arg3[%add3A_67, %dma_start3A_81] : memref<2560x128xi32, #tpu.memory_space<hbm>> -> memref<40x128xi32, #tpu.memory_space<hbm>>
      %dma_start3A_83 = arith.constant 0 : i32
      %dma_start3A_84 = tpu.memref_slice %arg3[%add3A_67, %dma_start3A_83] : memref<2560x128xi32, #tpu.memory_space<hbm>> -> memref<40x128xi32, #tpu.memory_space<hbm>>
      tpu.enqueue_dma source(%dma_start3A_84 : memref<40x128xi32, #tpu.memory_space<hbm>>) target(%arg8 : memref<40x128xi32, #tpu.memory_space<vmem>>) target_semaphore(%run_scoped3A : memref<!tpu.dma_semaphore, #tpu.memory_space<semaphore_mem>>)
      %dma_wait3A = arith.constant 0 : i32
      %dma_wait3A_85 = tpu.memref_slice %arg3[%add3A_67, %dma_wait3A] : memref<2560x128xi32, #tpu.memory_space<hbm>> -> memref<40x128xi32, #tpu.memory_space<hbm>>
      %dma_wait3A_86 = arith.constant 0 : i32
      %dma_wait3A_87 = tpu.memref_slice %arg3[%add3A_67, %dma_wait3A_86] : memref<2560x128xi32, #tpu.memory_space<hbm>> -> memref<40x128xi32, #tpu.memory_space<hbm>>
      tpu.wait_dma2 semaphore(%run_scoped3A : memref<!tpu.dma_semaphore, #tpu.memory_space<semaphore_mem>>) src(%dma_wait3A_87 : memref<40x128xi32, #tpu.memory_space<hbm>>) dst(%arg8 : memref<40x128xi32, #tpu.memory_space<vmem>>)
      tpu.yield
    }) : () -> ()
    %scan3A_68 = arith.constant 0 : i32
    %scan3A_69 = arith.constant 0 : i32
    %scan3A_70 = arith.constant 10 : i32
    %scan3A_71 = arith.addi %scan3A_69, %scan3A_70 : i32
    %scan3A_72 = arith.constant 1 : i32
    scf.for %scan3A_81 = %scan3A_69 to %scan3A_71 step %scan3A_72  : i32 {
      %mul3A_82 = arith.constant 4 : i32
      %mul3A_83 = arith.muli %scan3A_81, %mul3A_82 : i32
      %add3A_84 = arith.constant 40 : i32
      %add3A_85 = arith.addi %add3A_84, %mul3A_83 : i32
      %add3A_86 = arith.constant 0 : i32
      %add3A_87 = arith.addi %add3A_85, %add3A_86 : i32
      %dma_wait3A = arith.constant 0 : i32
      %dma_wait3A_88 = tpu.memref_slice %arg7[%add3A_87, %dma_wait3A] : memref<80x128xi32, #tpu.memory_space<vmem>> -> memref<1x64xi32, #tpu.memory_space<vmem>>
      %dma_wait3A_89 = tpu.memref_squeeze %dma_wait3A_88 : memref<1x64xi32, #tpu.memory_space<vmem>> -> memref<64xi32, #tpu.memory_space<vmem>>
      %dma_wait3A_90 = arith.constant 0 : i32
      %dma_wait3A_91 = arith.constant 0 : i32
      %dma_wait3A_92 = tpu.memref_slice %arg4[%dma_wait3A_90, %dma_wait3A_91] : memref<10000x64xf32, #tpu.memory_space<hbm>> -> memref<10000x64xf32, #tpu.memory_space<hbm>>
      tpu.wait_indirect_dma semaphore(%arg18 : memref<!tpu.dma_semaphore, #tpu.memory_space<semaphore_mem>>) src(%dma_wait3A_92 : memref<10000x64xf32, #tpu.memory_space<hbm>>) dst(%arg9 : memref<64x64xf32, #tpu.memory_space<vmem>>)
      %mul3A_93 = arith.constant 4 : i32
      %mul3A_94 = arith.muli %scan3A_81, %mul3A_93 : i32
      %add3A_95 = arith.constant 0 : i32
      %add3A_96 = arith.addi %mul3A_94, %add3A_95 : i32
      "tpu.region"() ({
        %run_scoped3A = tpu.sem_alloc : memref<!tpu.dma_semaphore, #tpu.memory_space<semaphore_mem>>
        %dma_start3A_228 = arith.constant 0 : i32
        %dma_start3A_229 = tpu.memref_slice %arg8[%add3A_96, %dma_start3A_228] : memref<40x128xi32, #tpu.memory_space<vmem>> -> memref<1x64xi32, #tpu.memory_space<vmem>>
        %dma_start3A_230 = tpu.memref_squeeze %dma_start3A_229 : memref<1x64xi32, #tpu.memory_space<vmem>> -> memref<64xi32, #tpu.memory_space<vmem>>
        %dma_start3A_231 = arith.constant 0 : i32
        %dma_start3A_232 = arith.constant 0 : i32
        %dma_start3A_233 = tpu.memref_slice %arg17[%dma_start3A_231, %dma_start3A_232] : memref<10112x64xf32, #tpu.memory_space<vmem_shared>> -> memref<10112x64xf32, #tpu.memory_space<vmem_shared>>
        tpu.enqueue_indirect_dma source(%arg9 : memref<64x64xf32, #tpu.memory_space<vmem>>) target(%dma_start3A_233 : memref<10112x64xf32, #tpu.memory_space<vmem_shared>>) offsets(%dma_start3A_230 : memref<64xi32, #tpu.memory_space<vmem>>) semaphore(%run_scoped3A : memref<!tpu.dma_semaphore, #tpu.memory_space<semaphore_mem>>) {add = true}
        %dma_wait3A_234 = arith.constant 0 : i32
        %dma_wait3A_235 = tpu.memref_slice %arg8[%add3A_96, %dma_wait3A_234] : memref<40x128xi32, #tpu.memory_space<vmem>> -> memref<1x64xi32, #tpu.memory_space<vmem>>
        %dma_wait3A_236 = tpu.memref_squeeze %dma_wait3A_235 : memref<1x64xi32, #tpu.memory_space<vmem>> -> memref<64xi32, #tpu.memory_space<vmem>>
        %dma_wait3A_237 = arith.constant 0 : i32
        %dma_wait3A_238 = arith.constant 0 : i32
        %dma_wait3A_239 = tpu.memref_slice %arg17[%dma_wait3A_237, %dma_wait3A_238] : memref<10112x64xf32, #tpu.memory_space<vmem_shared>> -> memref<10112x64xf32, #tpu.memory_space<vmem_shared>>
        tpu.wait_indirect_dma semaphore(%run_scoped3A : memref<!tpu.dma_semaphore, #tpu.memory_space<semaphore_mem>>) src(%arg9 : memref<64x64xf32, #tpu.memory_space<vmem>>) dst(%dma_wait3A_239 : memref<10112x64xf32, #tpu.memory_space<vmem_shared>>)
        tpu.yield
      }) : () -> ()
      %add3A_97 = arith.constant 4 : i32
      %add3A_98 = arith.addi %add3A_87, %add3A_97 : i32
      %lt3A = arith.constant 80 : i32
      %lt3A_99 = arith.cmpi slt, %add3A_98, %lt3A : i32
      %convert_element_type3A_100 = arith.extui %lt3A_99 : i1 to i32
      %cond3A_101 = arith.constant 0 : i32
      %cond3A_102 = arith.cmpi ne, %convert_element_type3A_100, %cond3A_101 : i32
      scf.if %cond3A_102 {
        %add3A_228 = arith.constant 4 : i32
        %add3A_229 = arith.addi %add3A_87, %add3A_228 : i32
        %dma_start3A_230 = arith.constant 0 : i32
        %dma_start3A_231 = tpu.memref_slice %arg7[%add3A_229, %dma_start3A_230] : memref<80x128xi32, #tpu.memory_space<vmem>> -> memref<1x64xi32, #tpu.memory_space<vmem>>
        %dma_start3A_232 = tpu.memref_squeeze %dma_start3A_231 : memref<1x64xi32, #tpu.memory_space<vmem>> -> memref<64xi32, #tpu.memory_space<vmem>>
        %dma_start3A_233 = arith.constant 0 : i32
        %dma_start3A_234 = arith.constant 0 : i32
        %dma_start3A_235 = tpu.memref_slice %arg4[%dma_start3A_233, %dma_start3A_234] : memref<10000x64xf32, #tpu.memory_space<hbm>> -> memref<10000x64xf32, #tpu.memory_space<hbm>>
        tpu.enqueue_indirect_dma source(%dma_start3A_235 : memref<10000x64xf32, #tpu.memory_space<hbm>>) target(%arg9 : memref<64x64xf32, #tpu.memory_space<vmem>>) offsets(%dma_start3A_232 : memref<64xi32, #tpu.memory_space<vmem>>) semaphore(%arg18 : memref<!tpu.dma_semaphore, #tpu.memory_space<semaphore_mem>>)
      } else {
      }
      %dma_wait3A_103 = arith.constant 64 : i32
      %dma_wait3A_104 = tpu.memref_slice %arg7[%add3A_87, %dma_wait3A_103] : memref<80x128xi32, #tpu.memory_space<vmem>> -> memref<1x64xi32, #tpu.memory_space<vmem>>
      %dma_wait3A_105 = tpu.memref_squeeze %dma_wait3A_104 : memref<1x64xi32, #tpu.memory_space<vmem>> -> memref<64xi32, #tpu.memory_space<vmem>>
      %dma_wait3A_106 = arith.constant 0 : i32
      %dma_wait3A_107 = arith.constant 0 : i32
      %dma_wait3A_108 = tpu.memref_slice %arg4[%dma_wait3A_106, %dma_wait3A_107] : memref<10000x64xf32, #tpu.memory_space<hbm>> -> memref<10000x64xf32, #tpu.memory_space<hbm>>
      tpu.wait_indirect_dma semaphore(%arg19 : memref<!tpu.dma_semaphore, #tpu.memory_space<semaphore_mem>>) src(%dma_wait3A_108 : memref<10000x64xf32, #tpu.memory_space<hbm>>) dst(%arg10 : memref<64x64xf32, #tpu.memory_space<vmem>>)
      %mul3A_109 = arith.constant 4 : i32
      %mul3A_110 = arith.muli %scan3A_81, %mul3A_109 : i32
      %add3A_111 = arith.constant 0 : i32
      %add3A_112 = arith.addi %mul3A_110, %add3A_111 : i32
      "tpu.region"() ({
        %run_scoped3A = tpu.sem_alloc : memref<!tpu.dma_semaphore, #tpu.memory_space<semaphore_mem>>
        %dma_start3A_228 = arith.constant 64 : i32
        %dma_start3A_229 = tpu.memref_slice %arg8[%add3A_112, %dma_start3A_228] : memref<40x128xi32, #tpu.memory_space<vmem>> -> memref<1x64xi32, #tpu.memory_space<vmem>>
        %dma_start3A_230 = tpu.memref_squeeze %dma_start3A_229 : memref<1x64xi32, #tpu.memory_space<vmem>> -> memref<64xi32, #tpu.memory_space<vmem>>
        %dma_start3A_231 = arith.constant 0 : i32
        %dma_start3A_232 = arith.constant 0 : i32
        %dma_start3A_233 = tpu.memref_slice %arg17[%dma_start3A_231, %dma_start3A_232] : memref<10112x64xf32, #tpu.memory_space<vmem_shared>> -> memref<10112x64xf32, #tpu.memory_space<vmem_shared>>
        tpu.enqueue_indirect_dma source(%arg10 : memref<64x64xf32, #tpu.memory_space<vmem>>) target(%dma_start3A_233 : memref<10112x64xf32, #tpu.memory_space<vmem_shared>>) offsets(%dma_start3A_230 : memref<64xi32, #tpu.memory_space<vmem>>) semaphore(%run_scoped3A : memref<!tpu.dma_semaphore, #tpu.memory_space<semaphore_mem>>) {add = true}
        %dma_wait3A_234 = arith.constant 64 : i32
        %dma_wait3A_235 = tpu.memref_slice %arg8[%add3A_112, %dma_wait3A_234] : memref<40x128xi32, #tpu.memory_space<vmem>> -> memref<1x64xi32, #tpu.memory_space<vmem>>
        %dma_wait3A_236 = tpu.memref_squeeze %dma_wait3A_235 : memref<1x64xi32, #tpu.memory_space<vmem>> -> memref<64xi32, #tpu.memory_space<vmem>>
        %dma_wait3A_237 = arith.constant 0 : i32
        %dma_wait3A_238 = arith.constant 0 : i32
        %dma_wait3A_239 = tpu.memref_slice %arg17[%dma_wait3A_237, %dma_wait3A_238] : memref<10112x64xf32, #tpu.memory_space<vmem_shared>> -> memref<10112x64xf32, #tpu.memory_space<vmem_shared>>
        tpu.wait_indirect_dma semaphore(%run_scoped3A : memref<!tpu.dma_semaphore, #tpu.memory_space<semaphore_mem>>) src(%arg10 : memref<64x64xf32, #tpu.memory_space<vmem>>) dst(%dma_wait3A_239 : memref<10112x64xf32, #tpu.memory_space<vmem_shared>>)
        tpu.yield
      }) : () -> ()
      %add3A_113 = arith.constant 4 : i32
      %add3A_114 = arith.addi %add3A_87, %add3A_113 : i32
      %lt3A_115 = arith.constant 80 : i32
      %lt3A_116 = arith.cmpi slt, %add3A_114, %lt3A_115 : i32
      %convert_element_type3A_117 = arith.extui %lt3A_116 : i1 to i32
      %cond3A_118 = arith.constant 0 : i32
      %cond3A_119 = arith.cmpi ne, %convert_element_type3A_117, %cond3A_118 : i32
      scf.if %cond3A_119 {
        %add3A_228 = arith.constant 4 : i32
        %add3A_229 = arith.addi %add3A_87, %add3A_228 : i32
        %dma_start3A_230 = arith.constant 64 : i32
        %dma_start3A_231 = tpu.memref_slice %arg7[%add3A_229, %dma_start3A_230] : memref<80x128xi32, #tpu.memory_space<vmem>> -> memref<1x64xi32, #tpu.memory_space<vmem>>
        %dma_start3A_232 = tpu.memref_squeeze %dma_start3A_231 : memref<1x64xi32, #tpu.memory_space<vmem>> -> memref<64xi32, #tpu.memory_space<vmem>>
        %dma_start3A_233 = arith.constant 0 : i32
        %dma_start3A_234 = arith.constant 0 : i32
        %dma_start3A_235 = tpu.memref_slice %arg4[%dma_start3A_233, %dma_start3A_234] : memref<10000x64xf32, #tpu.memory_space<hbm>> -> memref<10000x64xf32, #tpu.memory_space<hbm>>
        tpu.enqueue_indirect_dma source(%dma_start3A_235 : memref<10000x64xf32, #tpu.memory_space<hbm>>) target(%arg10 : memref<64x64xf32, #tpu.memory_space<vmem>>) offsets(%dma_start3A_232 : memref<64xi32, #tpu.memory_space<vmem>>) semaphore(%arg19 : memref<!tpu.dma_semaphore, #tpu.memory_space<semaphore_mem>>)
      } else {
      }
      %add3A_120 = arith.constant 1 : i32
      %add3A_121 = arith.addi %add3A_85, %add3A_120 : i32
      %dma_wait3A_122 = arith.constant 0 : i32
      %dma_wait3A_123 = tpu.memref_slice %arg7[%add3A_121, %dma_wait3A_122] : memref<80x128xi32, #tpu.memory_space<vmem>> -> memref<1x64xi32, #tpu.memory_space<vmem>>
      %dma_wait3A_124 = tpu.memref_squeeze %dma_wait3A_123 : memref<1x64xi32, #tpu.memory_space<vmem>> -> memref<64xi32, #tpu.memory_space<vmem>>
      %dma_wait3A_125 = arith.constant 0 : i32
      %dma_wait3A_126 = arith.constant 0 : i32
      %dma_wait3A_127 = tpu.memref_slice %arg4[%dma_wait3A_125, %dma_wait3A_126] : memref<10000x64xf32, #tpu.memory_space<hbm>> -> memref<10000x64xf32, #tpu.memory_space<hbm>>
      tpu.wait_indirect_dma semaphore(%arg20 : memref<!tpu.dma_semaphore, #tpu.memory_space<semaphore_mem>>) src(%dma_wait3A_127 : memref<10000x64xf32, #tpu.memory_space<hbm>>) dst(%arg11 : memref<64x64xf32, #tpu.memory_space<vmem>>)
      %mul3A_128 = arith.constant 4 : i32
      %mul3A_129 = arith.muli %scan3A_81, %mul3A_128 : i32
      %add3A_130 = arith.constant 1 : i32
      %add3A_131 = arith.addi %mul3A_129, %add3A_130 : i32
      "tpu.region"() ({
        %run_scoped3A = tpu.sem_alloc : memref<!tpu.dma_semaphore, #tpu.memory_space<semaphore_mem>>
        %dma_start3A_228 = arith.constant 0 : i32
        %dma_start3A_229 = tpu.memref_slice %arg8[%add3A_131, %dma_start3A_228] : memref<40x128xi32, #tpu.memory_space<vmem>> -> memref<1x64xi32, #tpu.memory_space<vmem>>
        %dma_start3A_230 = tpu.memref_squeeze %dma_start3A_229 : memref<1x64xi32, #tpu.memory_space<vmem>> -> memref<64xi32, #tpu.memory_space<vmem>>
        %dma_start3A_231 = arith.constant 0 : i32
        %dma_start3A_232 = arith.constant 0 : i32
        %dma_start3A_233 = tpu.memref_slice %arg17[%dma_start3A_231, %dma_start3A_232] : memref<10112x64xf32, #tpu.memory_space<vmem_shared>> -> memref<10112x64xf32, #tpu.memory_space<vmem_shared>>
        tpu.enqueue_indirect_dma source(%arg11 : memref<64x64xf32, #tpu.memory_space<vmem>>) target(%dma_start3A_233 : memref<10112x64xf32, #tpu.memory_space<vmem_shared>>) offsets(%dma_start3A_230 : memref<64xi32, #tpu.memory_space<vmem>>) semaphore(%run_scoped3A : memref<!tpu.dma_semaphore, #tpu.memory_space<semaphore_mem>>) {add = true}
        %dma_wait3A_234 = arith.constant 0 : i32
        %dma_wait3A_235 = tpu.memref_slice %arg8[%add3A_131, %dma_wait3A_234] : memref<40x128xi32, #tpu.memory_space<vmem>> -> memref<1x64xi32, #tpu.memory_space<vmem>>
        %dma_wait3A_236 = tpu.memref_squeeze %dma_wait3A_235 : memref<1x64xi32, #tpu.memory_space<vmem>> -> memref<64xi32, #tpu.memory_space<vmem>>
        %dma_wait3A_237 = arith.constant 0 : i32
        %dma_wait3A_238 = arith.constant 0 : i32
        %dma_wait3A_239 = tpu.memref_slice %arg17[%dma_wait3A_237, %dma_wait3A_238] : memref<10112x64xf32, #tpu.memory_space<vmem_shared>> -> memref<10112x64xf32, #tpu.memory_space<vmem_shared>>
        tpu.wait_indirect_dma semaphore(%run_scoped3A : memref<!tpu.dma_semaphore, #tpu.memory_space<semaphore_mem>>) src(%arg11 : memref<64x64xf32, #tpu.memory_space<vmem>>) dst(%dma_wait3A_239 : memref<10112x64xf32, #tpu.memory_space<vmem_shared>>)
        tpu.yield
      }) : () -> ()
      %add3A_132 = arith.constant 4 : i32
      %add3A_133 = arith.addi %add3A_121, %add3A_132 : i32
      %lt3A_134 = arith.constant 80 : i32
      %lt3A_135 = arith.cmpi slt, %add3A_133, %lt3A_134 : i32
      %convert_element_type3A_136 = arith.extui %lt3A_135 : i1 to i32
      %cond3A_137 = arith.constant 0 : i32
      %cond3A_138 = arith.cmpi ne, %convert_element_type3A_136, %cond3A_137 : i32
      scf.if %cond3A_138 {
        %add3A_228 = arith.constant 4 : i32
        %add3A_229 = arith.addi %add3A_121, %add3A_228 : i32
        %dma_start3A_230 = arith.constant 0 : i32
        %dma_start3A_231 = tpu.memref_slice %arg7[%add3A_229, %dma_start3A_230] : memref<80x128xi32, #tpu.memory_space<vmem>> -> memref<1x64xi32, #tpu.memory_space<vmem>>
        %dma_start3A_232 = tpu.memref_squeeze %dma_start3A_231 : memref<1x64xi32, #tpu.memory_space<vmem>> -> memref<64xi32, #tpu.memory_space<vmem>>
        %dma_start3A_233 = arith.constant 0 : i32
        %dma_start3A_234 = arith.constant 0 : i32
        %dma_start3A_235 = tpu.memref_slice %arg4[%dma_start3A_233, %dma_start3A_234] : memref<10000x64xf32, #tpu.memory_space<hbm>> -> memref<10000x64xf32, #tpu.memory_space<hbm>>
        tpu.enqueue_indirect_dma source(%dma_start3A_235 : memref<10000x64xf32, #tpu.memory_space<hbm>>) target(%arg11 : memref<64x64xf32, #tpu.memory_space<vmem>>) offsets(%dma_start3A_232 : memref<64xi32, #tpu.memory_space<vmem>>) semaphore(%arg20 : memref<!tpu.dma_semaphore, #tpu.memory_space<semaphore_mem>>)
      } else {
      }
      %dma_wait3A_139 = arith.constant 64 : i32
      %dma_wait3A_140 = tpu.memref_slice %arg7[%add3A_121, %dma_wait3A_139] : memref<80x128xi32, #tpu.memory_space<vmem>> -> memref<1x64xi32, #tpu.memory_space<vmem>>
      %dma_wait3A_141 = tpu.memref_squeeze %dma_wait3A_140 : memref<1x64xi32, #tpu.memory_space<vmem>> -> memref<64xi32, #tpu.memory_space<vmem>>
      %dma_wait3A_142 = arith.constant 0 : i32
      %dma_wait3A_143 = arith.constant 0 : i32
      %dma_wait3A_144 = tpu.memref_slice %arg4[%dma_wait3A_142, %dma_wait3A_143] : memref<10000x64xf32, #tpu.memory_space<hbm>> -> memref<10000x64xf32, #tpu.memory_space<hbm>>
      tpu.wait_indirect_dma semaphore(%arg21 : memref<!tpu.dma_semaphore, #tpu.memory_space<semaphore_mem>>) src(%dma_wait3A_144 : memref<10000x64xf32, #tpu.memory_space<hbm>>) dst(%arg12 : memref<64x64xf32, #tpu.memory_space<vmem>>)
      %mul3A_145 = arith.constant 4 : i32
      %mul3A_146 = arith.muli %scan3A_81, %mul3A_145 : i32
      %add3A_147 = arith.constant 1 : i32
      %add3A_148 = arith.addi %mul3A_146, %add3A_147 : i32
      "tpu.region"() ({
        %run_scoped3A = tpu.sem_alloc : memref<!tpu.dma_semaphore, #tpu.memory_space<semaphore_mem>>
        %dma_start3A_228 = arith.constant 64 : i32
        %dma_start3A_229 = tpu.memref_slice %arg8[%add3A_148, %dma_start3A_228] : memref<40x128xi32, #tpu.memory_space<vmem>> -> memref<1x64xi32, #tpu.memory_space<vmem>>
        %dma_start3A_230 = tpu.memref_squeeze %dma_start3A_229 : memref<1x64xi32, #tpu.memory_space<vmem>> -> memref<64xi32, #tpu.memory_space<vmem>>
        %dma_start3A_231 = arith.constant 0 : i32
        %dma_start3A_232 = arith.constant 0 : i32
        %dma_start3A_233 = tpu.memref_slice %arg17[%dma_start3A_231, %dma_start3A_232] : memref<10112x64xf32, #tpu.memory_space<vmem_shared>> -> memref<10112x64xf32, #tpu.memory_space<vmem_shared>>
        tpu.enqueue_indirect_dma source(%arg12 : memref<64x64xf32, #tpu.memory_space<vmem>>) target(%dma_start3A_233 : memref<10112x64xf32, #tpu.memory_space<vmem_shared>>) offsets(%dma_start3A_230 : memref<64xi32, #tpu.memory_space<vmem>>) semaphore(%run_scoped3A : memref<!tpu.dma_semaphore, #tpu.memory_space<semaphore_mem>>) {add = true}
        %dma_wait3A_234 = arith.constant 64 : i32
        %dma_wait3A_235 = tpu.memref_slice %arg8[%add3A_148, %dma_wait3A_234] : memref<40x128xi32, #tpu.memory_space<vmem>> -> memref<1x64xi32, #tpu.memory_space<vmem>>
        %dma_wait3A_236 = tpu.memref_squeeze %dma_wait3A_235 : memref<1x64xi32, #tpu.memory_space<vmem>> -> memref<64xi32, #tpu.memory_space<vmem>>
        %dma_wait3A_237 = arith.constant 0 : i32
        %dma_wait3A_238 = arith.constant 0 : i32
        %dma_wait3A_239 = tpu.memref_slice %arg17[%dma_wait3A_237, %dma_wait3A_238] : memref<10112x64xf32, #tpu.memory_space<vmem_shared>> -> memref<10112x64xf32, #tpu.memory_space<vmem_shared>>
        tpu.wait_indirect_dma semaphore(%run_scoped3A : memref<!tpu.dma_semaphore, #tpu.memory_space<semaphore_mem>>) src(%arg12 : memref<64x64xf32, #tpu.memory_space<vmem>>) dst(%dma_wait3A_239 : memref<10112x64xf32, #tpu.memory_space<vmem_shared>>)
        tpu.yield
      }) : () -> ()
      %add3A_149 = arith.constant 4 : i32
      %add3A_150 = arith.addi %add3A_121, %add3A_149 : i32
      %lt3A_151 = arith.constant 80 : i32
      %lt3A_152 = arith.cmpi slt, %add3A_150, %lt3A_151 : i32
      %convert_element_type3A_153 = arith.extui %lt3A_152 : i1 to i32
      %cond3A_154 = arith.constant 0 : i32
      %cond3A_155 = arith.cmpi ne, %convert_element_type3A_153, %cond3A_154 : i32
      scf.if %cond3A_155 {
        %add3A_228 = arith.constant 4 : i32
        %add3A_229 = arith.addi %add3A_121, %add3A_228 : i32
        %dma_start3A_230 = arith.constant 64 : i32
        %dma_start3A_231 = tpu.memref_slice %arg7[%add3A_229, %dma_start3A_230] : memref<80x128xi32, #tpu.memory_space<vmem>> -> memref<1x64xi32, #tpu.memory_space<vmem>>
        %dma_start3A_232 = tpu.memref_squeeze %dma_start3A_231 : memref<1x64xi32, #tpu.memory_space<vmem>> -> memref<64xi32, #tpu.memory_space<vmem>>
        %dma_start3A_233 = arith.constant 0 : i32
        %dma_start3A_234 = arith.constant 0 : i32
        %dma_start3A_235 = tpu.memref_slice %arg4[%dma_start3A_233, %dma_start3A_234] : memref<10000x64xf32, #tpu.memory_space<hbm>> -> memref<10000x64xf32, #tpu.memory_space<hbm>>
        tpu.enqueue_indirect_dma source(%dma_start3A_235 : memref<10000x64xf32, #tpu.memory_space<hbm>>) target(%arg12 : memref<64x64xf32, #tpu.memory_space<vmem>>) offsets(%dma_start3A_232 : memref<64xi32, #tpu.memory_space<vmem>>) semaphore(%arg21 : memref<!tpu.dma_semaphore, #tpu.memory_space<semaphore_mem>>)
      } else {
      }
      %add3A_156 = arith.constant 2 : i32
      %add3A_157 = arith.addi %add3A_85, %add3A_156 : i32
      %dma_wait3A_158 = arith.constant 0 : i32
      %dma_wait3A_159 = tpu.memref_slice %arg7[%add3A_157, %dma_wait3A_158] : memref<80x128xi32, #tpu.memory_space<vmem>> -> memref<1x64xi32, #tpu.memory_space<vmem>>
      %dma_wait3A_160 = tpu.memref_squeeze %dma_wait3A_159 : memref<1x64xi32, #tpu.memory_space<vmem>> -> memref<64xi32, #tpu.memory_space<vmem>>
      %dma_wait3A_161 = arith.constant 0 : i32
      %dma_wait3A_162 = arith.constant 0 : i32
      %dma_wait3A_163 = tpu.memref_slice %arg4[%dma_wait3A_161, %dma_wait3A_162] : memref<10000x64xf32, #tpu.memory_space<hbm>> -> memref<10000x64xf32, #tpu.memory_space<hbm>>
      tpu.wait_indirect_dma semaphore(%arg22 : memref<!tpu.dma_semaphore, #tpu.memory_space<semaphore_mem>>) src(%dma_wait3A_163 : memref<10000x64xf32, #tpu.memory_space<hbm>>) dst(%arg13 : memref<64x64xf32, #tpu.memory_space<vmem>>)
      %mul3A_164 = arith.constant 4 : i32
      %mul3A_165 = arith.muli %scan3A_81, %mul3A_164 : i32
      %add3A_166 = arith.constant 2 : i32
      %add3A_167 = arith.addi %mul3A_165, %add3A_166 : i32
      "tpu.region"() ({
        %run_scoped3A = tpu.sem_alloc : memref<!tpu.dma_semaphore, #tpu.memory_space<semaphore_mem>>
        %dma_start3A_228 = arith.constant 0 : i32
        %dma_start3A_229 = tpu.memref_slice %arg8[%add3A_167, %dma_start3A_228] : memref<40x128xi32, #tpu.memory_space<vmem>> -> memref<1x64xi32, #tpu.memory_space<vmem>>
        %dma_start3A_230 = tpu.memref_squeeze %dma_start3A_229 : memref<1x64xi32, #tpu.memory_space<vmem>> -> memref<64xi32, #tpu.memory_space<vmem>>
        %dma_start3A_231 = arith.constant 0 : i32
        %dma_start3A_232 = arith.constant 0 : i32
        %dma_start3A_233 = tpu.memref_slice %arg17[%dma_start3A_231, %dma_start3A_232] : memref<10112x64xf32, #tpu.memory_space<vmem_shared>> -> memref<10112x64xf32, #tpu.memory_space<vmem_shared>>
        tpu.enqueue_indirect_dma source(%arg13 : memref<64x64xf32, #tpu.memory_space<vmem>>) target(%dma_start3A_233 : memref<10112x64xf32, #tpu.memory_space<vmem_shared>>) offsets(%dma_start3A_230 : memref<64xi32, #tpu.memory_space<vmem>>) semaphore(%run_scoped3A : memref<!tpu.dma_semaphore, #tpu.memory_space<semaphore_mem>>) {add = true}
        %dma_wait3A_234 = arith.constant 0 : i32
        %dma_wait3A_235 = tpu.memref_slice %arg8[%add3A_167, %dma_wait3A_234] : memref<40x128xi32, #tpu.memory_space<vmem>> -> memref<1x64xi32, #tpu.memory_space<vmem>>
        %dma_wait3A_236 = tpu.memref_squeeze %dma_wait3A_235 : memref<1x64xi32, #tpu.memory_space<vmem>> -> memref<64xi32, #tpu.memory_space<vmem>>
        %dma_wait3A_237 = arith.constant 0 : i32
        %dma_wait3A_238 = arith.constant 0 : i32
        %dma_wait3A_239 = tpu.memref_slice %arg17[%dma_wait3A_237, %dma_wait3A_238] : memref<10112x64xf32, #tpu.memory_space<vmem_shared>> -> memref<10112x64xf32, #tpu.memory_space<vmem_shared>>
        tpu.wait_indirect_dma semaphore(%run_scoped3A : memref<!tpu.dma_semaphore, #tpu.memory_space<semaphore_mem>>) src(%arg13 : memref<64x64xf32, #tpu.memory_space<vmem>>) dst(%dma_wait3A_239 : memref<10112x64xf32, #tpu.memory_space<vmem_shared>>)
        tpu.yield
      }) : () -> ()
      %add3A_168 = arith.constant 4 : i32
      %add3A_169 = arith.addi %add3A_157, %add3A_168 : i32
      %lt3A_170 = arith.constant 80 : i32
      %lt3A_171 = arith.cmpi slt, %add3A_169, %lt3A_170 : i32
      %convert_element_type3A_172 = arith.extui %lt3A_171 : i1 to i32
      %cond3A_173 = arith.constant 0 : i32
      %cond3A_174 = arith.cmpi ne, %convert_element_type3A_172, %cond3A_173 : i32
      scf.if %cond3A_174 {
        %add3A_228 = arith.constant 4 : i32
        %add3A_229 = arith.addi %add3A_157, %add3A_228 : i32
        %dma_start3A_230 = arith.constant 0 : i32
        %dma_start3A_231 = tpu.memref_slice %arg7[%add3A_229, %dma_start3A_230] : memref<80x128xi32, #tpu.memory_space<vmem>> -> memref<1x64xi32, #tpu.memory_space<vmem>>
        %dma_start3A_232 = tpu.memref_squeeze %dma_start3A_231 : memref<1x64xi32, #tpu.memory_space<vmem>> -> memref<64xi32, #tpu.memory_space<vmem>>
        %dma_start3A_233 = arith.constant 0 : i32
        %dma_start3A_234 = arith.constant 0 : i32
        %dma_start3A_235 = tpu.memref_slice %arg4[%dma_start3A_233, %dma_start3A_234] : memref<10000x64xf32, #tpu.memory_space<hbm>> -> memref<10000x64xf32, #tpu.memory_space<hbm>>
        tpu.enqueue_indirect_dma source(%dma_start3A_235 : memref<10000x64xf32, #tpu.memory_space<hbm>>) target(%arg13 : memref<64x64xf32, #tpu.memory_space<vmem>>) offsets(%dma_start3A_232 : memref<64xi32, #tpu.memory_space<vmem>>) semaphore(%arg22 : memref<!tpu.dma_semaphore, #tpu.memory_space<semaphore_mem>>)
      } else {
      }
      %dma_wait3A_175 = arith.constant 64 : i32
      %dma_wait3A_176 = tpu.memref_slice %arg7[%add3A_157, %dma_wait3A_175] : memref<80x128xi32, #tpu.memory_space<vmem>> -> memref<1x64xi32, #tpu.memory_space<vmem>>
      %dma_wait3A_177 = tpu.memref_squeeze %dma_wait3A_176 : memref<1x64xi32, #tpu.memory_space<vmem>> -> memref<64xi32, #tpu.memory_space<vmem>>
      %dma_wait3A_178 = arith.constant 0 : i32
      %dma_wait3A_179 = arith.constant 0 : i32
      %dma_wait3A_180 = tpu.memref_slice %arg4[%dma_wait3A_178, %dma_wait3A_179] : memref<10000x64xf32, #tpu.memory_space<hbm>> -> memref<10000x64xf32, #tpu.memory_space<hbm>>
      tpu.wait_indirect_dma semaphore(%arg23 : memref<!tpu.dma_semaphore, #tpu.memory_space<semaphore_mem>>) src(%dma_wait3A_180 : memref<10000x64xf32, #tpu.memory_space<hbm>>) dst(%arg14 : memref<64x64xf32, #tpu.memory_space<vmem>>)
      %mul3A_181 = arith.constant 4 : i32
      %mul3A_182 = arith.muli %scan3A_81, %mul3A_181 : i32
      %add3A_183 = arith.constant 2 : i32
      %add3A_184 = arith.addi %mul3A_182, %add3A_183 : i32
      "tpu.region"() ({
        %run_scoped3A = tpu.sem_alloc : memref<!tpu.dma_semaphore, #tpu.memory_space<semaphore_mem>>
        %dma_start3A_228 = arith.constant 64 : i32
        %dma_start3A_229 = tpu.memref_slice %arg8[%add3A_184, %dma_start3A_228] : memref<40x128xi32, #tpu.memory_space<vmem>> -> memref<1x64xi32, #tpu.memory_space<vmem>>
        %dma_start3A_230 = tpu.memref_squeeze %dma_start3A_229 : memref<1x64xi32, #tpu.memory_space<vmem>> -> memref<64xi32, #tpu.memory_space<vmem>>
        %dma_start3A_231 = arith.constant 0 : i32
        %dma_start3A_232 = arith.constant 0 : i32
        %dma_start3A_233 = tpu.memref_slice %arg17[%dma_start3A_231, %dma_start3A_232] : memref<10112x64xf32, #tpu.memory_space<vmem_shared>> -> memref<10112x64xf32, #tpu.memory_space<vmem_shared>>
        tpu.enqueue_indirect_dma source(%arg14 : memref<64x64xf32, #tpu.memory_space<vmem>>) target(%dma_start3A_233 : memref<10112x64xf32, #tpu.memory_space<vmem_shared>>) offsets(%dma_start3A_230 : memref<64xi32, #tpu.memory_space<vmem>>) semaphore(%run_scoped3A : memref<!tpu.dma_semaphore, #tpu.memory_space<semaphore_mem>>) {add = true}
        %dma_wait3A_234 = arith.constant 64 : i32
        %dma_wait3A_235 = tpu.memref_slice %arg8[%add3A_184, %dma_wait3A_234] : memref<40x128xi32, #tpu.memory_space<vmem>> -> memref<1x64xi32, #tpu.memory_space<vmem>>
        %dma_wait3A_236 = tpu.memref_squeeze %dma_wait3A_235 : memref<1x64xi32, #tpu.memory_space<vmem>> -> memref<64xi32, #tpu.memory_space<vmem>>
        %dma_wait3A_237 = arith.constant 0 : i32
        %dma_wait3A_238 = arith.constant 0 : i32
        %dma_wait3A_239 = tpu.memref_slice %arg17[%dma_wait3A_237, %dma_wait3A_238] : memref<10112x64xf32, #tpu.memory_space<vmem_shared>> -> memref<10112x64xf32, #tpu.memory_space<vmem_shared>>
        tpu.wait_indirect_dma semaphore(%run_scoped3A : memref<!tpu.dma_semaphore, #tpu.memory_space<semaphore_mem>>) src(%arg14 : memref<64x64xf32, #tpu.memory_space<vmem>>) dst(%dma_wait3A_239 : memref<10112x64xf32, #tpu.memory_space<vmem_shared>>)
        tpu.yield
      }) : () -> ()
      %add3A_185 = arith.constant 4 : i32
      %add3A_186 = arith.addi %add3A_157, %add3A_185 : i32
      %lt3A_187 = arith.constant 80 : i32
      %lt3A_188 = arith.cmpi slt, %add3A_186, %lt3A_187 : i32
      %convert_element_type3A_189 = arith.extui %lt3A_188 : i1 to i32
      %cond3A_190 = arith.constant 0 : i32
      %cond3A_191 = arith.cmpi ne, %convert_element_type3A_189, %cond3A_190 : i32
      scf.if %cond3A_191 {
        %add3A_228 = arith.constant 4 : i32
        %add3A_229 = arith.addi %add3A_157, %add3A_228 : i32
        %dma_start3A_230 = arith.constant 64 : i32
        %dma_start3A_231 = tpu.memref_slice %arg7[%add3A_229, %dma_start3A_230] : memref<80x128xi32, #tpu.memory_space<vmem>> -> memref<1x64xi32, #tpu.memory_space<vmem>>
        %dma_start3A_232 = tpu.memref_squeeze %dma_start3A_231 : memref<1x64xi32, #tpu.memory_space<vmem>> -> memref<64xi32, #tpu.memory_space<vmem>>
        %dma_start3A_233 = arith.constant 0 : i32
        %dma_start3A_234 = arith.constant 0 : i32
        %dma_start3A_235 = tpu.memref_slice %arg4[%dma_start3A_233, %dma_start3A_234] : memref<10000x64xf32, #tpu.memory_space<hbm>> -> memref<10000x64xf32, #tpu.memory_space<hbm>>
        tpu.enqueue_indirect_dma source(%dma_start3A_235 : memref<10000x64xf32, #tpu.memory_space<hbm>>) target(%arg14 : memref<64x64xf32, #tpu.memory_space<vmem>>) offsets(%dma_start3A_232 : memref<64xi32, #tpu.memory_space<vmem>>) semaphore(%arg23 : memref<!tpu.dma_semaphore, #tpu.memory_space<semaphore_mem>>)
      } else {
      }
      %add3A_192 = arith.constant 3 : i32
      %add3A_193 = arith.addi %add3A_85, %add3A_192 : i32
      %dma_wait3A_194 = arith.constant 0 : i32
      %dma_wait3A_195 = tpu.memref_slice %arg7[%add3A_193, %dma_wait3A_194] : memref<80x128xi32, #tpu.memory_space<vmem>> -> memref<1x64xi32, #tpu.memory_space<vmem>>
      %dma_wait3A_196 = tpu.memref_squeeze %dma_wait3A_195 : memref<1x64xi32, #tpu.memory_space<vmem>> -> memref<64xi32, #tpu.memory_space<vmem>>
      %dma_wait3A_197 = arith.constant 0 : i32
      %dma_wait3A_198 = arith.constant 0 : i32
      %dma_wait3A_199 = tpu.memref_slice %arg4[%dma_wait3A_197, %dma_wait3A_198] : memref<10000x64xf32, #tpu.memory_space<hbm>> -> memref<10000x64xf32, #tpu.memory_space<hbm>>
      tpu.wait_indirect_dma semaphore(%arg24 : memref<!tpu.dma_semaphore, #tpu.memory_space<semaphore_mem>>) src(%dma_wait3A_199 : memref<10000x64xf32, #tpu.memory_space<hbm>>) dst(%arg15 : memref<64x64xf32, #tpu.memory_space<vmem>>)
      %mul3A_200 = arith.constant 4 : i32
      %mul3A_201 = arith.muli %scan3A_81, %mul3A_200 : i32
      %add3A_202 = arith.constant 3 : i32
      %add3A_203 = arith.addi %mul3A_201, %add3A_202 : i32
      "tpu.region"() ({
        %run_scoped3A = tpu.sem_alloc : memref<!tpu.dma_semaphore, #tpu.memory_space<semaphore_mem>>
        %dma_start3A_228 = arith.constant 0 : i32
        %dma_start3A_229 = tpu.memref_slice %arg8[%add3A_203, %dma_start3A_228] : memref<40x128xi32, #tpu.memory_space<vmem>> -> memref<1x64xi32, #tpu.memory_space<vmem>>
        %dma_start3A_230 = tpu.memref_squeeze %dma_start3A_229 : memref<1x64xi32, #tpu.memory_space<vmem>> -> memref<64xi32, #tpu.memory_space<vmem>>
        %dma_start3A_231 = arith.constant 0 : i32
        %dma_start3A_232 = arith.constant 0 : i32
        %dma_start3A_233 = tpu.memref_slice %arg17[%dma_start3A_231, %dma_start3A_232] : memref<10112x64xf32, #tpu.memory_space<vmem_shared>> -> memref<10112x64xf32, #tpu.memory_space<vmem_shared>>
        tpu.enqueue_indirect_dma source(%arg15 : memref<64x64xf32, #tpu.memory_space<vmem>>) target(%dma_start3A_233 : memref<10112x64xf32, #tpu.memory_space<vmem_shared>>) offsets(%dma_start3A_230 : memref<64xi32, #tpu.memory_space<vmem>>) semaphore(%run_scoped3A : memref<!tpu.dma_semaphore, #tpu.memory_space<semaphore_mem>>) {add = true}
        %dma_wait3A_234 = arith.constant 0 : i32
        %dma_wait3A_235 = tpu.memref_slice %arg8[%add3A_203, %dma_wait3A_234] : memref<40x128xi32, #tpu.memory_space<vmem>> -> memref<1x64xi32, #tpu.memory_space<vmem>>
        %dma_wait3A_236 = tpu.memref_squeeze %dma_wait3A_235 : memref<1x64xi32, #tpu.memory_space<vmem>> -> memref<64xi32, #tpu.memory_space<vmem>>
        %dma_wait3A_237 = arith.constant 0 : i32
        %dma_wait3A_238 = arith.constant 0 : i32
        %dma_wait3A_239 = tpu.memref_slice %arg17[%dma_wait3A_237, %dma_wait3A_238] : memref<10112x64xf32, #tpu.memory_space<vmem_shared>> -> memref<10112x64xf32, #tpu.memory_space<vmem_shared>>
        tpu.wait_indirect_dma semaphore(%run_scoped3A : memref<!tpu.dma_semaphore, #tpu.memory_space<semaphore_mem>>) src(%arg15 : memref<64x64xf32, #tpu.memory_space<vmem>>) dst(%dma_wait3A_239 : memref<10112x64xf32, #tpu.memory_space<vmem_shared>>)
        tpu.yield
      }) : () -> ()
      %add3A_204 = arith.constant 4 : i32
      %add3A_205 = arith.addi %add3A_193, %add3A_204 : i32
      %lt3A_206 = arith.constant 80 : i32
      %lt3A_207 = arith.cmpi slt, %add3A_205, %lt3A_206 : i32
      %convert_element_type3A_208 = arith.extui %lt3A_207 : i1 to i32
      %cond3A_209 = arith.constant 0 : i32
      %cond3A_210 = arith.cmpi ne, %convert_element_type3A_208, %cond3A_209 : i32
      scf.if %cond3A_210 {
        %add3A_228 = arith.constant 4 : i32
        %add3A_229 = arith.addi %add3A_193, %add3A_228 : i32
        %dma_start3A_230 = arith.constant 0 : i32
        %dma_start3A_231 = tpu.memref_slice %arg7[%add3A_229, %dma_start3A_230] : memref<80x128xi32, #tpu.memory_space<vmem>> -> memref<1x64xi32, #tpu.memory_space<vmem>>
        %dma_start3A_232 = tpu.memref_squeeze %dma_start3A_231 : memref<1x64xi32, #tpu.memory_space<vmem>> -> memref<64xi32, #tpu.memory_space<vmem>>
        %dma_start3A_233 = arith.constant 0 : i32
        %dma_start3A_234 = arith.constant 0 : i32
        %dma_start3A_235 = tpu.memref_slice %arg4[%dma_start3A_233, %dma_start3A_234] : memref<10000x64xf32, #tpu.memory_space<hbm>> -> memref<10000x64xf32, #tpu.memory_space<hbm>>
        tpu.enqueue_indirect_dma source(%dma_start3A_235 : memref<10000x64xf32, #tpu.memory_space<hbm>>) target(%arg15 : memref<64x64xf32, #tpu.memory_space<vmem>>) offsets(%dma_start3A_232 : memref<64xi32, #tpu.memory_space<vmem>>) semaphore(%arg24 : memref<!tpu.dma_semaphore, #tpu.memory_space<semaphore_mem>>)
      } else {
      }
      %dma_wait3A_211 = arith.constant 64 : i32
      %dma_wait3A_212 = tpu.memref_slice %arg7[%add3A_193, %dma_wait3A_211] : memref<80x128xi32, #tpu.memory_space<vmem>> -> memref<1x64xi32, #tpu.memory_space<vmem>>
      %dma_wait3A_213 = tpu.memref_squeeze %dma_wait3A_212 : memref<1x64xi32, #tpu.memory_space<vmem>> -> memref<64xi32, #tpu.memory_space<vmem>>
      %dma_wait3A_214 = arith.constant 0 : i32
      %dma_wait3A_215 = arith.constant 0 : i32
      %dma_wait3A_216 = tpu.memref_slice %arg4[%dma_wait3A_214, %dma_wait3A_215] : memref<10000x64xf32, #tpu.memory_space<hbm>> -> memref<10000x64xf32, #tpu.memory_space<hbm>>
      tpu.wait_indirect_dma semaphore(%arg25 : memref<!tpu.dma_semaphore, #tpu.memory_space<semaphore_mem>>) src(%dma_wait3A_216 : memref<10000x64xf32, #tpu.memory_space<hbm>>) dst(%arg16 : memref<64x64xf32, #tpu.memory_space<vmem>>)
      %mul3A_217 = arith.constant 4 : i32
      %mul3A_218 = arith.muli %scan3A_81, %mul3A_217 : i32
      %add3A_219 = arith.constant 3 : i32
      %add3A_220 = arith.addi %mul3A_218, %add3A_219 : i32
      "tpu.region"() ({
        %run_scoped3A = tpu.sem_alloc : memref<!tpu.dma_semaphore, #tpu.memory_space<semaphore_mem>>
        %dma_start3A_228 = arith.constant 64 : i32
        %dma_start3A_229 = tpu.memref_slice %arg8[%add3A_220, %dma_start3A_228] : memref<40x128xi32, #tpu.memory_space<vmem>> -> memref<1x64xi32, #tpu.memory_space<vmem>>
        %dma_start3A_230 = tpu.memref_squeeze %dma_start3A_229 : memref<1x64xi32, #tpu.memory_space<vmem>> -> memref<64xi32, #tpu.memory_space<vmem>>
        %dma_start3A_231 = arith.constant 0 : i32
        %dma_start3A_232 = arith.constant 0 : i32
        %dma_start3A_233 = tpu.memref_slice %arg17[%dma_start3A_231, %dma_start3A_232] : memref<10112x64xf32, #tpu.memory_space<vmem_shared>> -> memref<10112x64xf32, #tpu.memory_space<vmem_shared>>
        tpu.enqueue_indirect_dma source(%arg16 : memref<64x64xf32, #tpu.memory_space<vmem>>) target(%dma_start3A_233 : memref<10112x64xf32, #tpu.memory_space<vmem_shared>>) offsets(%dma_start3A_230 : memref<64xi32, #tpu.memory_space<vmem>>) semaphore(%run_scoped3A : memref<!tpu.dma_semaphore, #tpu.memory_space<semaphore_mem>>) {add = true}
        %dma_wait3A_234 = arith.constant 64 : i32
        %dma_wait3A_235 = tpu.memref_slice %arg8[%add3A_220, %dma_wait3A_234] : memref<40x128xi32, #tpu.memory_space<vmem>> -> memref<1x64xi32, #tpu.memory_space<vmem>>
        %dma_wait3A_236 = tpu.memref_squeeze %dma_wait3A_235 : memref<1x64xi32, #tpu.memory_space<vmem>> -> memref<64xi32, #tpu.memory_space<vmem>>
        %dma_wait3A_237 = arith.constant 0 : i32
        %dma_wait3A_238 = arith.constant 0 : i32
        %dma_wait3A_239 = tpu.memref_slice %arg17[%dma_wait3A_237, %dma_wait3A_238] : memref<10112x64xf32, #tpu.memory_space<vmem_shared>> -> memref<10112x64xf32, #tpu.memory_space<vmem_shared>>
        tpu.wait_indirect_dma semaphore(%run_scoped3A : memref<!tpu.dma_semaphore, #tpu.memory_space<semaphore_mem>>) src(%arg16 : memref<64x64xf32, #tpu.memory_space<vmem>>) dst(%dma_wait3A_239 : memref<10112x64xf32, #tpu.memory_space<vmem_shared>>)
        tpu.yield
      }) : () -> ()
      %add3A_221 = arith.constant 4 : i32
      %add3A_222 = arith.addi %add3A_193, %add3A_221 : i32
      %lt3A_223 = arith.constant 80 : i32
      %lt3A_224 = arith.cmpi slt, %add3A_222, %lt3A_223 : i32
      %convert_element_type3A_225 = arith.extui %lt3A_224 : i1 to i32
      %cond3A_226 = arith.constant 0 : i32
      %cond3A_227 = arith.cmpi ne, %convert_element_type3A_225, %cond3A_226 : i32
      scf.if %cond3A_227 {
        %add3A_228 = arith.constant 4 : i32
        %add3A_229 = arith.addi %add3A_193, %add3A_228 : i32
        %dma_start3A_230 = arith.constant 64 : i32
        %dma_start3A_231 = tpu.memref_slice %arg7[%add3A_229, %dma_start3A_230] : memref<80x128xi32, #tpu.memory_space<vmem>> -> memref<1x64xi32, #tpu.memory_space<vmem>>
        %dma_start3A_232 = tpu.memref_squeeze %dma_start3A_231 : memref<1x64xi32, #tpu.memory_space<vmem>> -> memref<64xi32, #tpu.memory_space<vmem>>
        %dma_start3A_233 = arith.constant 0 : i32
        %dma_start3A_234 = arith.constant 0 : i32
        %dma_start3A_235 = tpu.memref_slice %arg4[%dma_start3A_233, %dma_start3A_234] : memref<10000x64xf32, #tpu.memory_space<hbm>> -> memref<10000x64xf32, #tpu.memory_space<hbm>>
        tpu.enqueue_indirect_dma source(%dma_start3A_235 : memref<10000x64xf32, #tpu.memory_space<hbm>>) target(%arg16 : memref<64x64xf32, #tpu.memory_space<vmem>>) offsets(%dma_start3A_232 : memref<64xi32, #tpu.memory_space<vmem>>) semaphore(%arg25 : memref<!tpu.dma_semaphore, #tpu.memory_space<semaphore_mem>>)
      } else {
      }
    }
    %scan3A_73 = arith.constant 10 : i32
    %barrier3A_74 = arith.constant 0 : index
    tpu.barrier barrier_id(%barrier3A_74)
    %ne3A = arith.constant 15 : i32
    %ne3A_75 = arith.cmpi ne, %arg1, %ne3A : i32
    %convert_element_type3A = arith.extui %ne3A_75 : i1 to i32
    %cond3A = arith.constant 0 : i32
    %cond3A_76 = arith.cmpi ne, %convert_element_type3A, %cond3A : i32
    scf.if %cond3A_76 {
      "tpu.region"() ({
        %run_scoped3A = tpu.sem_alloc : memref<!tpu.dma_semaphore, #tpu.memory_space<semaphore_mem>>
        %dma_start3A_81 = arith.constant 0 : i32
        %dma_start3A_82 = tpu.memref_slice %arg6[%arg0, %multiple_of3A, %dma_start3A_81] : memref<2x10000x64xf32, #tpu.memory_space<hbm>> -> memref<1x632x64xf32, #tpu.memory_space<hbm>>
        %dma_start3A_83 = tpu.memref_squeeze %dma_start3A_82 : memref<1x632x64xf32, #tpu.memory_space<hbm>> -> memref<632x64xf32, #tpu.memory_space<hbm>>
        %dma_start3A_84 = arith.constant 0 : i32
        %dma_start3A_85 = tpu.memref_slice %arg17[%multiple_of3A, %dma_start3A_84] : memref<10112x64xf32, #tpu.memory_space<vmem_shared>> -> memref<632x64xf32, #tpu.memory_space<vmem_shared>>
        tpu.enqueue_dma source(%dma_start3A_85 : memref<632x64xf32, #tpu.memory_space<vmem_shared>>) target(%dma_start3A_83 : memref<632x64xf32, #tpu.memory_space<hbm>>) target_semaphore(%run_scoped3A : memref<!tpu.dma_semaphore, #tpu.memory_space<semaphore_mem>>)
        %dma_wait3A = arith.constant 0 : i32
        %dma_wait3A_86 = tpu.memref_slice %arg6[%arg0, %multiple_of3A, %dma_wait3A] : memref<2x10000x64xf32, #tpu.memory_space<hbm>> -> memref<1x632x64xf32, #tpu.memory_space<hbm>>
        %dma_wait3A_87 = tpu.memref_squeeze %dma_wait3A_86 : memref<1x632x64xf32, #tpu.memory_space<hbm>> -> memref<632x64xf32, #tpu.memory_space<hbm>>
        %dma_wait3A_88 = arith.constant 0 : i32
        %dma_wait3A_89 = tpu.memref_slice %arg17[%multiple_of3A, %dma_wait3A_88] : memref<10112x64xf32, #tpu.memory_space<vmem_shared>> -> memref<632x64xf32, #tpu.memory_space<vmem_shared>>
        tpu.wait_dma2 semaphore(%run_scoped3A : memref<!tpu.dma_semaphore, #tpu.memory_space<semaphore_mem>>) src(%dma_wait3A_89 : memref<632x64xf32, #tpu.memory_space<vmem_shared>>) dst(%dma_wait3A_87 : memref<632x64xf32, #tpu.memory_space<hbm>>)
        tpu.yield
      }) : () -> ()
    } else {
    }
    %eq3A = arith.constant 15 : i32
    %eq3A_77 = arith.cmpi eq, %arg1, %eq3A : i32
    %convert_element_type3A_78 = arith.extui %eq3A_77 : i1 to i32
    %cond3A_79 = arith.constant 0 : i32
    %cond3A_80 = arith.cmpi ne, %convert_element_type3A_78, %cond3A_79 : i32
    scf.if %cond3A_80 {
      "tpu.region"() ({
        %run_scoped3A = tpu.sem_alloc : memref<!tpu.dma_semaphore, #tpu.memory_space<semaphore_mem>>
        %dma_start3A_81 = arith.constant 0 : i32
        %dma_start3A_82 = tpu.memref_slice %arg6[%arg0, %multiple_of3A, %dma_start3A_81] : memref<2x10000x64xf32, #tpu.memory_space<hbm>> -> memref<1x520x64xf32, #tpu.memory_space<hbm>>
        %dma_start3A_83 = tpu.memref_squeeze %dma_start3A_82 : memref<1x520x64xf32, #tpu.memory_space<hbm>> -> memref<520x64xf32, #tpu.memory_space<hbm>>
        %dma_start3A_84 = arith.constant 0 : i32
        %dma_start3A_85 = tpu.memref_slice %arg17[%multiple_of3A, %dma_start3A_84] : memref<10112x64xf32, #tpu.memory_space<vmem_shared>> -> memref<520x64xf32, #tpu.memory_space<vmem_shared>>
        tpu.enqueue_dma source(%dma_start3A_85 : memref<520x64xf32, #tpu.memory_space<vmem_shared>>) target(%dma_start3A_83 : memref<520x64xf32, #tpu.memory_space<hbm>>) target_semaphore(%run_scoped3A : memref<!tpu.dma_semaphore, #tpu.memory_space<semaphore_mem>>)
        %dma_wait3A = arith.constant 0 : i32
        %dma_wait3A_86 = tpu.memref_slice %arg6[%arg0, %multiple_of3A, %dma_wait3A] : memref<2x10000x64xf32, #tpu.memory_space<hbm>> -> memref<1x520x64xf32, #tpu.memory_space<hbm>>
        %dma_wait3A_87 = tpu.memref_squeeze %dma_wait3A_86 : memref<1x520x64xf32, #tpu.memory_space<hbm>> -> memref<520x64xf32, #tpu.memory_space<hbm>>
        %dma_wait3A_88 = arith.constant 0 : i32
        %dma_wait3A_89 = tpu.memref_slice %arg17[%multiple_of3A, %dma_wait3A_88] : memref<10112x64xf32, #tpu.memory_space<vmem_shared>> -> memref<520x64xf32, #tpu.memory_space<vmem_shared>>
        tpu.wait_dma2 semaphore(%run_scoped3A : memref<!tpu.dma_semaphore, #tpu.memory_space<semaphore_mem>>) src(%dma_wait3A_89 : memref<520x64xf32, #tpu.memory_space<vmem_shared>>) dst(%dma_wait3A_87 : memref<520x64xf32, #tpu.memory_space<hbm>>)
        tpu.yield
      }) : () -> ()
    } else {
    }
    return
  }
}

#map = affine_map<(d0, d1) -> (0, 0)>
#map1 = affine_map<(d0, d1) -> (0, 0, 0)>
module attributes {stable_mosaic.version = 14 : i64} {
  func.func @k(%arg0: i32, %arg1: i32, %arg2: memref<2560x128xi32, #tpu.memory_space<hbm>>, %arg3: memref<10112x64xf32, #tpu.memory_space<hbm>>, %arg4: memref<128x64xf32, #tpu.memory_space<hbm>>, %arg5: memref<2x10000x64xf32, #tpu.memory_space<hbm>>, %arg6: memref<80x128xi32, #tpu.memory_space<vmem>>, %arg7: memref<128x64xf32, #tpu.memory_space<vmem>>, %arg8: memref<10112x64xf32, #tpu.memory_space<vmem_shared>>) attributes {dimension_semantics = [#tpu.dimension_semantics<core_parallel>, #tpu.dimension_semantics<subcore_parallel>], iteration_bounds = array<i64: 2, 16>, scalar_prefetch = 0 : i64, scratch_operands = 3 : i64, tpu.core_type = #tpu.core_type<sc_vector_subcore>, window_params = [{transform_indices = #map}, {transform_indices = #map}, {transform_indices = #map}, {transform_indices = #map1}]} {
    %mul3A = arith.constant 632 : i32
    %mul3A_0 = arith.muli %arg1, %mul3A : i32
    %multiple_of3A = tpu.assume_multiple %mul3A_0, 8 : i32
    %mul3A_1 = arith.constant 16 : i32
    %mul3A_2 = arith.muli %arg0, %mul3A_1 : i32
    %add3A = arith.addi %mul3A_2, %arg1 : i32
    %mul3A_3 = arith.constant 80 : i32
    %mul3A_4 = arith.muli %add3A, %mul3A_3 : i32
    %multiple_of3A_5 = tpu.assume_multiple %mul3A_4, 8 : i32
    "tpu.region"() ({
      %run_scoped3A = tpu.sem_alloc : memref<!tpu.dma_semaphore, #tpu.memory_space<semaphore_mem>>
      %dma_start3A = arith.constant 0 : i32
      %dma_start3A_18 = tpu.memref_slice %arg8[%multiple_of3A, %dma_start3A] : memref<10112x64xf32, #tpu.memory_space<vmem_shared>> -> memref<632x64xf32, #tpu.memory_space<vmem_shared>>
      %dma_start3A_19 = arith.constant 0 : i32
      %dma_start3A_20 = tpu.memref_slice %arg3[%multiple_of3A, %dma_start3A_19] : memref<10112x64xf32, #tpu.memory_space<hbm>> -> memref<632x64xf32, #tpu.memory_space<hbm>>
      tpu.enqueue_dma source(%dma_start3A_20 : memref<632x64xf32, #tpu.memory_space<hbm>>) target(%dma_start3A_18 : memref<632x64xf32, #tpu.memory_space<vmem_shared>>) target_semaphore(%run_scoped3A : memref<!tpu.dma_semaphore, #tpu.memory_space<semaphore_mem>>)
      %dma_wait3A = arith.constant 0 : i32
      %dma_wait3A_21 = tpu.memref_slice %arg8[%multiple_of3A, %dma_wait3A] : memref<10112x64xf32, #tpu.memory_space<vmem_shared>> -> memref<632x64xf32, #tpu.memory_space<vmem_shared>>
      %dma_wait3A_22 = arith.constant 0 : i32
      %dma_wait3A_23 = tpu.memref_slice %arg3[%multiple_of3A, %dma_wait3A_22] : memref<10112x64xf32, #tpu.memory_space<hbm>> -> memref<632x64xf32, #tpu.memory_space<hbm>>
      tpu.wait_dma2 semaphore(%run_scoped3A : memref<!tpu.dma_semaphore, #tpu.memory_space<semaphore_mem>>) src(%dma_wait3A_23 : memref<632x64xf32, #tpu.memory_space<hbm>>) dst(%dma_wait3A_21 : memref<632x64xf32, #tpu.memory_space<vmem_shared>>)
      tpu.yield
    }) : () -> ()
    "tpu.region"() ({
      %run_scoped3A = tpu.sem_alloc : memref<!tpu.dma_semaphore, #tpu.memory_space<semaphore_mem>>
      %dma_start3A = arith.constant 0 : i32
      %dma_start3A_18 = tpu.memref_slice %arg2[%multiple_of3A_5, %dma_start3A] : memref<2560x128xi32, #tpu.memory_space<hbm>> -> memref<80x128xi32, #tpu.memory_space<hbm>>
      %dma_start3A_19 = arith.constant 0 : i32
      %dma_start3A_20 = tpu.memref_slice %arg2[%multiple_of3A_5, %dma_start3A_19] : memref<2560x128xi32, #tpu.memory_space<hbm>> -> memref<80x128xi32, #tpu.memory_space<hbm>>
      tpu.enqueue_dma source(%dma_start3A_20 : memref<80x128xi32, #tpu.memory_space<hbm>>) target(%arg6 : memref<80x128xi32, #tpu.memory_space<vmem>>) target_semaphore(%run_scoped3A : memref<!tpu.dma_semaphore, #tpu.memory_space<semaphore_mem>>)
      %dma_wait3A = arith.constant 0 : i32
      %dma_wait3A_21 = tpu.memref_slice %arg2[%multiple_of3A_5, %dma_wait3A] : memref<2560x128xi32, #tpu.memory_space<hbm>> -> memref<80x128xi32, #tpu.memory_space<hbm>>
      %dma_wait3A_22 = arith.constant 0 : i32
      %dma_wait3A_23 = tpu.memref_slice %arg2[%multiple_of3A_5, %dma_wait3A_22] : memref<2560x128xi32, #tpu.memory_space<hbm>> -> memref<80x128xi32, #tpu.memory_space<hbm>>
      tpu.wait_dma2 semaphore(%run_scoped3A : memref<!tpu.dma_semaphore, #tpu.memory_space<semaphore_mem>>) src(%dma_wait3A_23 : memref<80x128xi32, #tpu.memory_space<hbm>>) dst(%arg6 : memref<80x128xi32, #tpu.memory_space<vmem>>)
      tpu.yield
    }) : () -> ()
    "tpu.region"() ({
      %run_scoped3A = tpu.sem_alloc : memref<!tpu.dma_semaphore, #tpu.memory_space<semaphore_mem>>
      tpu.enqueue_dma source(%arg4 : memref<128x64xf32, #tpu.memory_space<hbm>>) target(%arg7 : memref<128x64xf32, #tpu.memory_space<vmem>>) target_semaphore(%run_scoped3A : memref<!tpu.dma_semaphore, #tpu.memory_space<semaphore_mem>>)
      tpu.wait_dma2 semaphore(%run_scoped3A : memref<!tpu.dma_semaphore, #tpu.memory_space<semaphore_mem>>) src(%arg4 : memref<128x64xf32, #tpu.memory_space<hbm>>) dst(%arg7 : memref<128x64xf32, #tpu.memory_space<vmem>>)
      tpu.yield
    }) : () -> ()
    %barrier3A = arith.constant 0 : index
    tpu.barrier barrier_id(%barrier3A)
    %scan3A = arith.constant 0 : i32
    %scan3A_6 = arith.constant 0 : i32
    %scan3A_7 = arith.constant 80 : i32
    %scan3A_8 = arith.addi %scan3A_6, %scan3A_7 : i32
    %scan3A_9 = arith.constant 1 : i32
    scf.for %scan3A_18 = %scan3A_6 to %scan3A_8 step %scan3A_9  : i32 {
      "tpu.region"() ({
        %run_scoped3A = tpu.sem_alloc : memref<!tpu.dma_semaphore, #tpu.memory_space<semaphore_mem>>
        %dma_start3A = arith.constant 0 : i32
        %dma_start3A_19 = tpu.memref_slice %arg6[%scan3A_18, %dma_start3A] : memref<80x128xi32, #tpu.memory_space<vmem>> -> memref<1x128xi32, #tpu.memory_space<vmem>>
        %dma_start3A_20 = tpu.memref_squeeze %dma_start3A_19 : memref<1x128xi32, #tpu.memory_space<vmem>> -> memref<128xi32, #tpu.memory_space<vmem>>
        %dma_start3A_21 = arith.constant 0 : i32
        %dma_start3A_22 = arith.constant 0 : i32
        %dma_start3A_23 = tpu.memref_slice %arg8[%dma_start3A_21, %dma_start3A_22] : memref<10112x64xf32, #tpu.memory_space<vmem_shared>> -> memref<10112x64xf32, #tpu.memory_space<vmem_shared>>
        tpu.enqueue_indirect_dma source(%arg7 : memref<128x64xf32, #tpu.memory_space<vmem>>) target(%dma_start3A_23 : memref<10112x64xf32, #tpu.memory_space<vmem_shared>>) offsets(%dma_start3A_20 : memref<128xi32, #tpu.memory_space<vmem>>) semaphore(%run_scoped3A : memref<!tpu.dma_semaphore, #tpu.memory_space<semaphore_mem>>) {add = true}
        %dma_wait3A = arith.constant 0 : i32
        %dma_wait3A_24 = tpu.memref_slice %arg6[%scan3A_18, %dma_wait3A] : memref<80x128xi32, #tpu.memory_space<vmem>> -> memref<1x128xi32, #tpu.memory_space<vmem>>
        %dma_wait3A_25 = tpu.memref_squeeze %dma_wait3A_24 : memref<1x128xi32, #tpu.memory_space<vmem>> -> memref<128xi32, #tpu.memory_space<vmem>>
        %dma_wait3A_26 = arith.constant 0 : i32
        %dma_wait3A_27 = arith.constant 0 : i32
        %dma_wait3A_28 = tpu.memref_slice %arg8[%dma_wait3A_26, %dma_wait3A_27] : memref<10112x64xf32, #tpu.memory_space<vmem_shared>> -> memref<10112x64xf32, #tpu.memory_space<vmem_shared>>
        tpu.wait_indirect_dma semaphore(%run_scoped3A : memref<!tpu.dma_semaphore, #tpu.memory_space<semaphore_mem>>) src(%arg7 : memref<128x64xf32, #tpu.memory_space<vmem>>) dst(%dma_wait3A_28 : memref<10112x64xf32, #tpu.memory_space<vmem_shared>>)
        tpu.yield
      }) : () -> ()
    }
    %scan3A_10 = arith.constant 80 : i32
    %barrier3A_11 = arith.constant 0 : index
    tpu.barrier barrier_id(%barrier3A_11)
    %ne3A = arith.constant 15 : i32
    %ne3A_12 = arith.cmpi ne, %arg1, %ne3A : i32
    %convert_element_type3A = arith.extui %ne3A_12 : i1 to i32
    %cond3A = arith.constant 0 : i32
    %cond3A_13 = arith.cmpi ne, %convert_element_type3A, %cond3A : i32
    scf.if %cond3A_13 {
      "tpu.region"() ({
        %run_scoped3A = tpu.sem_alloc : memref<!tpu.dma_semaphore, #tpu.memory_space<semaphore_mem>>
        %dma_start3A = arith.constant 0 : i32
        %dma_start3A_18 = tpu.memref_slice %arg5[%arg0, %multiple_of3A, %dma_start3A] : memref<2x10000x64xf32, #tpu.memory_space<hbm>> -> memref<1x632x64xf32, #tpu.memory_space<hbm>>
        %dma_start3A_19 = tpu.memref_squeeze %dma_start3A_18 : memref<1x632x64xf32, #tpu.memory_space<hbm>> -> memref<632x64xf32, #tpu.memory_space<hbm>>
        %dma_start3A_20 = arith.constant 0 : i32
        %dma_start3A_21 = tpu.memref_slice %arg8[%multiple_of3A, %dma_start3A_20] : memref<10112x64xf32, #tpu.memory_space<vmem_shared>> -> memref<632x64xf32, #tpu.memory_space<vmem_shared>>
        tpu.enqueue_dma source(%dma_start3A_21 : memref<632x64xf32, #tpu.memory_space<vmem_shared>>) target(%dma_start3A_19 : memref<632x64xf32, #tpu.memory_space<hbm>>) target_semaphore(%run_scoped3A : memref<!tpu.dma_semaphore, #tpu.memory_space<semaphore_mem>>)
        %dma_wait3A = arith.constant 0 : i32
        %dma_wait3A_22 = tpu.memref_slice %arg5[%arg0, %multiple_of3A, %dma_wait3A] : memref<2x10000x64xf32, #tpu.memory_space<hbm>> -> memref<1x632x64xf32, #tpu.memory_space<hbm>>
        %dma_wait3A_23 = tpu.memref_squeeze %dma_wait3A_22 : memref<1x632x64xf32, #tpu.memory_space<hbm>> -> memref<632x64xf32, #tpu.memory_space<hbm>>
        %dma_wait3A_24 = arith.constant 0 : i32
        %dma_wait3A_25 = tpu.memref_slice %arg8[%multiple_of3A, %dma_wait3A_24] : memref<10112x64xf32, #tpu.memory_space<vmem_shared>> -> memref<632x64xf32, #tpu.memory_space<vmem_shared>>
        tpu.wait_dma2 semaphore(%run_scoped3A : memref<!tpu.dma_semaphore, #tpu.memory_space<semaphore_mem>>) src(%dma_wait3A_25 : memref<632x64xf32, #tpu.memory_space<vmem_shared>>) dst(%dma_wait3A_23 : memref<632x64xf32, #tpu.memory_space<hbm>>)
        tpu.yield
      }) : () -> ()
    } else {
    }
    %eq3A = arith.constant 15 : i32
    %eq3A_14 = arith.cmpi eq, %arg1, %eq3A : i32
    %convert_element_type3A_15 = arith.extui %eq3A_14 : i1 to i32
    %cond3A_16 = arith.constant 0 : i32
    %cond3A_17 = arith.cmpi ne, %convert_element_type3A_15, %cond3A_16 : i32
    scf.if %cond3A_17 {
      "tpu.region"() ({
        %run_scoped3A = tpu.sem_alloc : memref<!tpu.dma_semaphore, #tpu.memory_space<semaphore_mem>>
        %dma_start3A = arith.constant 0 : i32
        %dma_start3A_18 = tpu.memref_slice %arg5[%arg0, %multiple_of3A, %dma_start3A] : memref<2x10000x64xf32, #tpu.memory_space<hbm>> -> memref<1x520x64xf32, #tpu.memory_space<hbm>>
        %dma_start3A_19 = tpu.memref_squeeze %dma_start3A_18 : memref<1x520x64xf32, #tpu.memory_space<hbm>> -> memref<520x64xf32, #tpu.memory_space<hbm>>
        %dma_start3A_20 = arith.constant 0 : i32
        %dma_start3A_21 = tpu.memref_slice %arg8[%multiple_of3A, %dma_start3A_20] : memref<10112x64xf32, #tpu.memory_space<vmem_shared>> -> memref<520x64xf32, #tpu.memory_space<vmem_shared>>
        tpu.enqueue_dma source(%dma_start3A_21 : memref<520x64xf32, #tpu.memory_space<vmem_shared>>) target(%dma_start3A_19 : memref<520x64xf32, #tpu.memory_space<hbm>>) target_semaphore(%run_scoped3A : memref<!tpu.dma_semaphore, #tpu.memory_space<semaphore_mem>>)
        %dma_wait3A = arith.constant 0 : i32
        %dma_wait3A_22 = tpu.memref_slice %arg5[%arg0, %multiple_of3A, %dma_wait3A] : memref<2x10000x64xf32, #tpu.memory_space<hbm>> -> memref<1x520x64xf32, #tpu.memory_space<hbm>>
        %dma_wait3A_23 = tpu.memref_squeeze %dma_wait3A_22 : memref<1x520x64xf32, #tpu.memory_space<hbm>> -> memref<520x64xf32, #tpu.memory_space<hbm>>
        %dma_wait3A_24 = arith.constant 0 : i32
        %dma_wait3A_25 = tpu.memref_slice %arg8[%multiple_of3A, %dma_wait3A_24] : memref<10112x64xf32, #tpu.memory_space<vmem_shared>> -> memref<520x64xf32, #tpu.memory_space<vmem_shared>>
        tpu.wait_dma2 semaphore(%run_scoped3A : memref<!tpu.dma_semaphore, #tpu.memory_space<semaphore_mem>>) src(%dma_wait3A_25 : memref<520x64xf32, #tpu.memory_space<vmem_shared>>) dst(%dma_wait3A_23 : memref<520x64xf32, #tpu.memory_space<hbm>>)
        tpu.yield
      }) : () -> ()
    } else {
    }
    return
  }
}

#map = affine_map<(d0, d1) -> (0, 0)>
#map1 = affine_map<(d0, d1) -> (0, 0, 0)>
module attributes {stable_mosaic.version = 14 : i64} {
  func.func @k(%arg0: i32, %arg1: i32, %arg2: memref<2560x128xi32, #tpu.memory_space<hbm>>, %arg3: memref<2560x128xi32, #tpu.memory_space<hbm>>, %arg4: memref<10000x128xf32, #tpu.memory_space<hbm>>, %arg5: memref<10112x128xf32, #tpu.memory_space<hbm>>, %arg6: memref<2x10000x128xf32, #tpu.memory_space<hbm>>, %arg7: memref<80x128xi32, #tpu.memory_space<vmem>>, %arg8: memref<40x128xi32, #tpu.memory_space<vmem>>, %arg9: memref<64x128xf32, #tpu.memory_space<vmem>>, %arg10: memref<64x128xf32, #tpu.memory_space<vmem>>, %arg11: memref<64x128xf32, #tpu.memory_space<vmem>>, %arg12: memref<64x128xf32, #tpu.memory_space<vmem>>, %arg13: memref<10112x128xf32, #tpu.memory_space<vmem_shared>>, %arg14: memref<!tpu.dma_semaphore, #tpu.memory_space<semaphore_mem>>, %arg15: memref<!tpu.dma_semaphore, #tpu.memory_space<semaphore_mem>>, %arg16: memref<!tpu.dma_semaphore, #tpu.memory_space<semaphore_mem>>, %arg17: memref<!tpu.dma_semaphore, #tpu.memory_space<semaphore_mem>>) attributes {dimension_semantics = [#tpu.dimension_semantics<core_parallel>, #tpu.dimension_semantics<subcore_parallel>], iteration_bounds = array<i64: 2, 16>, scalar_prefetch = 0 : i64, scratch_operands = 11 : i64, tpu.core_type = #tpu.core_type<sc_vector_subcore>, window_params = [{transform_indices = #map}, {transform_indices = #map}, {transform_indices = #map}, {transform_indices = #map}, {transform_indices = #map1}]} {
    %mul3A = arith.constant 632 : i32
    %mul3A_0 = arith.muli %arg1, %mul3A : i32
    %multiple_of3A = tpu.assume_multiple %mul3A_0, 8 : i32
    %mul3A_1 = arith.constant 16 : i32
    %mul3A_2 = arith.muli %arg0, %mul3A_1 : i32
    %add3A = arith.addi %mul3A_2, %arg1 : i32
    %mul3A_3 = arith.constant 80 : i32
    %mul3A_4 = arith.muli %add3A, %mul3A_3 : i32
    %multiple_of3A_5 = tpu.assume_multiple %mul3A_4, 8 : i32
    "tpu.region"() ({
      %run_scoped3A = tpu.sem_alloc : memref<!tpu.dma_semaphore, #tpu.memory_space<semaphore_mem>>
      %dma_start3A_53 = arith.constant 0 : i32
      %dma_start3A_54 = tpu.memref_slice %arg13[%multiple_of3A, %dma_start3A_53] : memref<10112x128xf32, #tpu.memory_space<vmem_shared>> -> memref<632x128xf32, #tpu.memory_space<vmem_shared>>
      %dma_start3A_55 = arith.constant 0 : i32
      %dma_start3A_56 = tpu.memref_slice %arg5[%multiple_of3A, %dma_start3A_55] : memref<10112x128xf32, #tpu.memory_space<hbm>> -> memref<632x128xf32, #tpu.memory_space<hbm>>
      tpu.enqueue_dma source(%dma_start3A_56 : memref<632x128xf32, #tpu.memory_space<hbm>>) target(%dma_start3A_54 : memref<632x128xf32, #tpu.memory_space<vmem_shared>>) target_semaphore(%run_scoped3A : memref<!tpu.dma_semaphore, #tpu.memory_space<semaphore_mem>>)
      %dma_wait3A = arith.constant 0 : i32
      %dma_wait3A_57 = tpu.memref_slice %arg13[%multiple_of3A, %dma_wait3A] : memref<10112x128xf32, #tpu.memory_space<vmem_shared>> -> memref<632x128xf32, #tpu.memory_space<vmem_shared>>
      %dma_wait3A_58 = arith.constant 0 : i32
      %dma_wait3A_59 = tpu.memref_slice %arg5[%multiple_of3A, %dma_wait3A_58] : memref<10112x128xf32, #tpu.memory_space<hbm>> -> memref<632x128xf32, #tpu.memory_space<hbm>>
      tpu.wait_dma2 semaphore(%run_scoped3A : memref<!tpu.dma_semaphore, #tpu.memory_space<semaphore_mem>>) src(%dma_wait3A_59 : memref<632x128xf32, #tpu.memory_space<hbm>>) dst(%dma_wait3A_57 : memref<632x128xf32, #tpu.memory_space<vmem_shared>>)
      tpu.yield
    }) : () -> ()
    "tpu.region"() ({
      %run_scoped3A = tpu.sem_alloc : memref<!tpu.dma_semaphore, #tpu.memory_space<semaphore_mem>>
      %dma_start3A_53 = arith.constant 0 : i32
      %dma_start3A_54 = tpu.memref_slice %arg2[%multiple_of3A_5, %dma_start3A_53] : memref<2560x128xi32, #tpu.memory_space<hbm>> -> memref<80x128xi32, #tpu.memory_space<hbm>>
      %dma_start3A_55 = arith.constant 0 : i32
      %dma_start3A_56 = tpu.memref_slice %arg2[%multiple_of3A_5, %dma_start3A_55] : memref<2560x128xi32, #tpu.memory_space<hbm>> -> memref<80x128xi32, #tpu.memory_space<hbm>>
      tpu.enqueue_dma source(%dma_start3A_56 : memref<80x128xi32, #tpu.memory_space<hbm>>) target(%arg7 : memref<80x128xi32, #tpu.memory_space<vmem>>) target_semaphore(%run_scoped3A : memref<!tpu.dma_semaphore, #tpu.memory_space<semaphore_mem>>)
      %dma_wait3A = arith.constant 0 : i32
      %dma_wait3A_57 = tpu.memref_slice %arg2[%multiple_of3A_5, %dma_wait3A] : memref<2560x128xi32, #tpu.memory_space<hbm>> -> memref<80x128xi32, #tpu.memory_space<hbm>>
      %dma_wait3A_58 = arith.constant 0 : i32
      %dma_wait3A_59 = tpu.memref_slice %arg2[%multiple_of3A_5, %dma_wait3A_58] : memref<2560x128xi32, #tpu.memory_space<hbm>> -> memref<80x128xi32, #tpu.memory_space<hbm>>
      tpu.wait_dma2 semaphore(%run_scoped3A : memref<!tpu.dma_semaphore, #tpu.memory_space<semaphore_mem>>) src(%dma_wait3A_59 : memref<80x128xi32, #tpu.memory_space<hbm>>) dst(%arg7 : memref<80x128xi32, #tpu.memory_space<vmem>>)
      tpu.yield
    }) : () -> ()
    "tpu.region"() ({
      %run_scoped3A = tpu.sem_alloc : memref<!tpu.dma_semaphore, #tpu.memory_space<semaphore_mem>>
      %dma_start3A_53 = arith.constant 0 : i32
      %dma_start3A_54 = tpu.memref_slice %arg3[%multiple_of3A_5, %dma_start3A_53] : memref<2560x128xi32, #tpu.memory_space<hbm>> -> memref<40x128xi32, #tpu.memory_space<hbm>>
      %dma_start3A_55 = arith.constant 0 : i32
      %dma_start3A_56 = tpu.memref_slice %arg3[%multiple_of3A_5, %dma_start3A_55] : memref<2560x128xi32, #tpu.memory_space<hbm>> -> memref<40x128xi32, #tpu.memory_space<hbm>>
      tpu.enqueue_dma source(%dma_start3A_56 : memref<40x128xi32, #tpu.memory_space<hbm>>) target(%arg8 : memref<40x128xi32, #tpu.memory_space<vmem>>) target_semaphore(%run_scoped3A : memref<!tpu.dma_semaphore, #tpu.memory_space<semaphore_mem>>)
      %dma_wait3A = arith.constant 0 : i32
      %dma_wait3A_57 = tpu.memref_slice %arg3[%multiple_of3A_5, %dma_wait3A] : memref<2560x128xi32, #tpu.memory_space<hbm>> -> memref<40x128xi32, #tpu.memory_space<hbm>>
      %dma_wait3A_58 = arith.constant 0 : i32
      %dma_wait3A_59 = tpu.memref_slice %arg3[%multiple_of3A_5, %dma_wait3A_58] : memref<2560x128xi32, #tpu.memory_space<hbm>> -> memref<40x128xi32, #tpu.memory_space<hbm>>
      tpu.wait_dma2 semaphore(%run_scoped3A : memref<!tpu.dma_semaphore, #tpu.memory_space<semaphore_mem>>) src(%dma_wait3A_59 : memref<40x128xi32, #tpu.memory_space<hbm>>) dst(%arg8 : memref<40x128xi32, #tpu.memory_space<vmem>>)
      tpu.yield
    }) : () -> ()
    %barrier3A = arith.constant 0 : index
    tpu.barrier barrier_id(%barrier3A)
    %dma_start3A = arith.constant 0 : i32
    %dma_start3A_6 = arith.constant 0 : i32
    %dma_start3A_7 = tpu.memref_slice %arg7[%dma_start3A, %dma_start3A_6] : memref<80x128xi32, #tpu.memory_space<vmem>> -> memref<1x64xi32, #tpu.memory_space<vmem>>
    %dma_start3A_8 = tpu.memref_squeeze %dma_start3A_7 : memref<1x64xi32, #tpu.memory_space<vmem>> -> memref<64xi32, #tpu.memory_space<vmem>>
    %dma_start3A_9 = arith.constant 0 : i32
    %dma_start3A_10 = arith.constant 0 : i32
    %dma_start3A_11 = tpu.memref_slice %arg4[%dma_start3A_9, %dma_start3A_10] : memref<10000x128xf32, #tpu.memory_space<hbm>> -> memref<10000x128xf32, #tpu.memory_space<hbm>>
    tpu.enqueue_indirect_dma source(%dma_start3A_11 : memref<10000x128xf32, #tpu.memory_space<hbm>>) target(%arg9 : memref<64x128xf32, #tpu.memory_space<vmem>>) offsets(%dma_start3A_8 : memref<64xi32, #tpu.memory_space<vmem>>) semaphore(%arg14 : memref<!tpu.dma_semaphore, #tpu.memory_space<semaphore_mem>>)
    %dma_start3A_12 = arith.constant 0 : i32
    %dma_start3A_13 = arith.constant 64 : i32
    %dma_start3A_14 = tpu.memref_slice %arg7[%dma_start3A_12, %dma_start3A_13] : memref<80x128xi32, #tpu.memory_space<vmem>> -> memref<1x64xi32, #tpu.memory_space<vmem>>
    %dma_start3A_15 = tpu.memref_squeeze %dma_start3A_14 : memref<1x64xi32, #tpu.memory_space<vmem>> -> memref<64xi32, #tpu.memory_space<vmem>>
    %dma_start3A_16 = arith.constant 0 : i32
    %dma_start3A_17 = arith.constant 0 : i32
    %dma_start3A_18 = tpu.memref_slice %arg4[%dma_start3A_16, %dma_start3A_17] : memref<10000x128xf32, #tpu.memory_space<hbm>> -> memref<10000x128xf32, #tpu.memory_space<hbm>>
    tpu.enqueue_indirect_dma source(%dma_start3A_18 : memref<10000x128xf32, #tpu.memory_space<hbm>>) target(%arg10 : memref<64x128xf32, #tpu.memory_space<vmem>>) offsets(%dma_start3A_15 : memref<64xi32, #tpu.memory_space<vmem>>) semaphore(%arg15 : memref<!tpu.dma_semaphore, #tpu.memory_space<semaphore_mem>>)
    %dma_start3A_19 = arith.constant 1 : i32
    %dma_start3A_20 = arith.constant 0 : i32
    %dma_start3A_21 = tpu.memref_slice %arg7[%dma_start3A_19, %dma_start3A_20] : memref<80x128xi32, #tpu.memory_space<vmem>> -> memref<1x64xi32, #tpu.memory_space<vmem>>
    %dma_start3A_22 = tpu.memref_squeeze %dma_start3A_21 : memref<1x64xi32, #tpu.memory_space<vmem>> -> memref<64xi32, #tpu.memory_space<vmem>>
    %dma_start3A_23 = arith.constant 0 : i32
    %dma_start3A_24 = arith.constant 0 : i32
    %dma_start3A_25 = tpu.memref_slice %arg4[%dma_start3A_23, %dma_start3A_24] : memref<10000x128xf32, #tpu.memory_space<hbm>> -> memref<10000x128xf32, #tpu.memory_space<hbm>>
    tpu.enqueue_indirect_dma source(%dma_start3A_25 : memref<10000x128xf32, #tpu.memory_space<hbm>>) target(%arg11 : memref<64x128xf32, #tpu.memory_space<vmem>>) offsets(%dma_start3A_22 : memref<64xi32, #tpu.memory_space<vmem>>) semaphore(%arg16 : memref<!tpu.dma_semaphore, #tpu.memory_space<semaphore_mem>>)
    %dma_start3A_26 = arith.constant 1 : i32
    %dma_start3A_27 = arith.constant 64 : i32
    %dma_start3A_28 = tpu.memref_slice %arg7[%dma_start3A_26, %dma_start3A_27] : memref<80x128xi32, #tpu.memory_space<vmem>> -> memref<1x64xi32, #tpu.memory_space<vmem>>
    %dma_start3A_29 = tpu.memref_squeeze %dma_start3A_28 : memref<1x64xi32, #tpu.memory_space<vmem>> -> memref<64xi32, #tpu.memory_space<vmem>>
    %dma_start3A_30 = arith.constant 0 : i32
    %dma_start3A_31 = arith.constant 0 : i32
    %dma_start3A_32 = tpu.memref_slice %arg4[%dma_start3A_30, %dma_start3A_31] : memref<10000x128xf32, #tpu.memory_space<hbm>> -> memref<10000x128xf32, #tpu.memory_space<hbm>>
    tpu.enqueue_indirect_dma source(%dma_start3A_32 : memref<10000x128xf32, #tpu.memory_space<hbm>>) target(%arg12 : memref<64x128xf32, #tpu.memory_space<vmem>>) offsets(%dma_start3A_29 : memref<64xi32, #tpu.memory_space<vmem>>) semaphore(%arg17 : memref<!tpu.dma_semaphore, #tpu.memory_space<semaphore_mem>>)
    %scan3A = arith.constant 0 : i32
    %scan3A_33 = arith.constant 0 : i32
    %scan3A_34 = arith.constant 20 : i32
    %scan3A_35 = arith.addi %scan3A_33, %scan3A_34 : i32
    %scan3A_36 = arith.constant 1 : i32
    scf.for %scan3A_53 = %scan3A_33 to %scan3A_35 step %scan3A_36  : i32 {
      %mul3A_54 = arith.constant 2 : i32
      %mul3A_55 = arith.muli %scan3A_53, %mul3A_54 : i32
      %add3A_56 = arith.constant 0 : i32
      %add3A_57 = arith.addi %add3A_56, %mul3A_55 : i32
      %add3A_58 = arith.constant 0 : i32
      %add3A_59 = arith.addi %add3A_57, %add3A_58 : i32
      %dma_wait3A = arith.constant 0 : i32
      %dma_wait3A_60 = tpu.memref_slice %arg7[%add3A_59, %dma_wait3A] : memref<80x128xi32, #tpu.memory_space<vmem>> -> memref<1x64xi32, #tpu.memory_space<vmem>>
      %dma_wait3A_61 = tpu.memref_squeeze %dma_wait3A_60 : memref<1x64xi32, #tpu.memory_space<vmem>> -> memref<64xi32, #tpu.memory_space<vmem>>
      %dma_wait3A_62 = arith.constant 0 : i32
      %dma_wait3A_63 = arith.constant 0 : i32
      %dma_wait3A_64 = tpu.memref_slice %arg4[%dma_wait3A_62, %dma_wait3A_63] : memref<10000x128xf32, #tpu.memory_space<hbm>> -> memref<10000x128xf32, #tpu.memory_space<hbm>>
      tpu.wait_indirect_dma semaphore(%arg14 : memref<!tpu.dma_semaphore, #tpu.memory_space<semaphore_mem>>) src(%dma_wait3A_64 : memref<10000x128xf32, #tpu.memory_space<hbm>>) dst(%arg9 : memref<64x128xf32, #tpu.memory_space<vmem>>)
      %mul3A_65 = arith.constant 2 : i32
      %mul3A_66 = arith.muli %scan3A_53, %mul3A_65 : i32
      %add3A_67 = arith.constant 0 : i32
      %add3A_68 = arith.addi %mul3A_66, %add3A_67 : i32
      "tpu.region"() ({
        %run_scoped3A = tpu.sem_alloc : memref<!tpu.dma_semaphore, #tpu.memory_space<semaphore_mem>>
        %dma_start3A_128 = arith.constant 0 : i32
        %dma_start3A_129 = tpu.memref_slice %arg8[%add3A_68, %dma_start3A_128] : memref<40x128xi32, #tpu.memory_space<vmem>> -> memref<1x64xi32, #tpu.memory_space<vmem>>
        %dma_start3A_130 = tpu.memref_squeeze %dma_start3A_129 : memref<1x64xi32, #tpu.memory_space<vmem>> -> memref<64xi32, #tpu.memory_space<vmem>>
        %dma_start3A_131 = arith.constant 0 : i32
        %dma_start3A_132 = arith.constant 0 : i32
        %dma_start3A_133 = tpu.memref_slice %arg13[%dma_start3A_131, %dma_start3A_132] : memref<10112x128xf32, #tpu.memory_space<vmem_shared>> -> memref<10112x128xf32, #tpu.memory_space<vmem_shared>>
        tpu.enqueue_indirect_dma source(%arg9 : memref<64x128xf32, #tpu.memory_space<vmem>>) target(%dma_start3A_133 : memref<10112x128xf32, #tpu.memory_space<vmem_shared>>) offsets(%dma_start3A_130 : memref<64xi32, #tpu.memory_space<vmem>>) semaphore(%run_scoped3A : memref<!tpu.dma_semaphore, #tpu.memory_space<semaphore_mem>>) {add = true}
        %dma_wait3A_134 = arith.constant 0 : i32
        %dma_wait3A_135 = tpu.memref_slice %arg8[%add3A_68, %dma_wait3A_134] : memref<40x128xi32, #tpu.memory_space<vmem>> -> memref<1x64xi32, #tpu.memory_space<vmem>>
        %dma_wait3A_136 = tpu.memref_squeeze %dma_wait3A_135 : memref<1x64xi32, #tpu.memory_space<vmem>> -> memref<64xi32, #tpu.memory_space<vmem>>
        %dma_wait3A_137 = arith.constant 0 : i32
        %dma_wait3A_138 = arith.constant 0 : i32
        %dma_wait3A_139 = tpu.memref_slice %arg13[%dma_wait3A_137, %dma_wait3A_138] : memref<10112x128xf32, #tpu.memory_space<vmem_shared>> -> memref<10112x128xf32, #tpu.memory_space<vmem_shared>>
        tpu.wait_indirect_dma semaphore(%run_scoped3A : memref<!tpu.dma_semaphore, #tpu.memory_space<semaphore_mem>>) src(%arg9 : memref<64x128xf32, #tpu.memory_space<vmem>>) dst(%dma_wait3A_139 : memref<10112x128xf32, #tpu.memory_space<vmem_shared>>)
        tpu.yield
      }) : () -> ()
      %add3A_69 = arith.constant 2 : i32
      %add3A_70 = arith.addi %add3A_59, %add3A_69 : i32
      %lt3A = arith.constant 80 : i32
      %lt3A_71 = arith.cmpi slt, %add3A_70, %lt3A : i32
      %convert_element_type3A_72 = arith.extui %lt3A_71 : i1 to i32
      %cond3A_73 = arith.constant 0 : i32
      %cond3A_74 = arith.cmpi ne, %convert_element_type3A_72, %cond3A_73 : i32
      scf.if %cond3A_74 {
        %add3A_128 = arith.constant 2 : i32
        %add3A_129 = arith.addi %add3A_59, %add3A_128 : i32
        %dma_start3A_130 = arith.constant 0 : i32
        %dma_start3A_131 = tpu.memref_slice %arg7[%add3A_129, %dma_start3A_130] : memref<80x128xi32, #tpu.memory_space<vmem>> -> memref<1x64xi32, #tpu.memory_space<vmem>>
        %dma_start3A_132 = tpu.memref_squeeze %dma_start3A_131 : memref<1x64xi32, #tpu.memory_space<vmem>> -> memref<64xi32, #tpu.memory_space<vmem>>
        %dma_start3A_133 = arith.constant 0 : i32
        %dma_start3A_134 = arith.constant 0 : i32
        %dma_start3A_135 = tpu.memref_slice %arg4[%dma_start3A_133, %dma_start3A_134] : memref<10000x128xf32, #tpu.memory_space<hbm>> -> memref<10000x128xf32, #tpu.memory_space<hbm>>
        tpu.enqueue_indirect_dma source(%dma_start3A_135 : memref<10000x128xf32, #tpu.memory_space<hbm>>) target(%arg9 : memref<64x128xf32, #tpu.memory_space<vmem>>) offsets(%dma_start3A_132 : memref<64xi32, #tpu.memory_space<vmem>>) semaphore(%arg14 : memref<!tpu.dma_semaphore, #tpu.memory_space<semaphore_mem>>)
      } else {
      }
      %dma_wait3A_75 = arith.constant 64 : i32
      %dma_wait3A_76 = tpu.memref_slice %arg7[%add3A_59, %dma_wait3A_75] : memref<80x128xi32, #tpu.memory_space<vmem>> -> memref<1x64xi32, #tpu.memory_space<vmem>>
      %dma_wait3A_77 = tpu.memref_squeeze %dma_wait3A_76 : memref<1x64xi32, #tpu.memory_space<vmem>> -> memref<64xi32, #tpu.memory_space<vmem>>
      %dma_wait3A_78 = arith.constant 0 : i32
      %dma_wait3A_79 = arith.constant 0 : i32
      %dma_wait3A_80 = tpu.memref_slice %arg4[%dma_wait3A_78, %dma_wait3A_79] : memref<10000x128xf32, #tpu.memory_space<hbm>> -> memref<10000x128xf32, #tpu.memory_space<hbm>>
      tpu.wait_indirect_dma semaphore(%arg15 : memref<!tpu.dma_semaphore, #tpu.memory_space<semaphore_mem>>) src(%dma_wait3A_80 : memref<10000x128xf32, #tpu.memory_space<hbm>>) dst(%arg10 : memref<64x128xf32, #tpu.memory_space<vmem>>)
      %mul3A_81 = arith.constant 2 : i32
      %mul3A_82 = arith.muli %scan3A_53, %mul3A_81 : i32
      %add3A_83 = arith.constant 0 : i32
      %add3A_84 = arith.addi %mul3A_82, %add3A_83 : i32
      "tpu.region"() ({
        %run_scoped3A = tpu.sem_alloc : memref<!tpu.dma_semaphore, #tpu.memory_space<semaphore_mem>>
        %dma_start3A_128 = arith.constant 64 : i32
        %dma_start3A_129 = tpu.memref_slice %arg8[%add3A_84, %dma_start3A_128] : memref<40x128xi32, #tpu.memory_space<vmem>> -> memref<1x64xi32, #tpu.memory_space<vmem>>
        %dma_start3A_130 = tpu.memref_squeeze %dma_start3A_129 : memref<1x64xi32, #tpu.memory_space<vmem>> -> memref<64xi32, #tpu.memory_space<vmem>>
        %dma_start3A_131 = arith.constant 0 : i32
        %dma_start3A_132 = arith.constant 0 : i32
        %dma_start3A_133 = tpu.memref_slice %arg13[%dma_start3A_131, %dma_start3A_132] : memref<10112x128xf32, #tpu.memory_space<vmem_shared>> -> memref<10112x128xf32, #tpu.memory_space<vmem_shared>>
        tpu.enqueue_indirect_dma source(%arg10 : memref<64x128xf32, #tpu.memory_space<vmem>>) target(%dma_start3A_133 : memref<10112x128xf32, #tpu.memory_space<vmem_shared>>) offsets(%dma_start3A_130 : memref<64xi32, #tpu.memory_space<vmem>>) semaphore(%run_scoped3A : memref<!tpu.dma_semaphore, #tpu.memory_space<semaphore_mem>>) {add = true}
        %dma_wait3A_134 = arith.constant 64 : i32
        %dma_wait3A_135 = tpu.memref_slice %arg8[%add3A_84, %dma_wait3A_134] : memref<40x128xi32, #tpu.memory_space<vmem>> -> memref<1x64xi32, #tpu.memory_space<vmem>>
        %dma_wait3A_136 = tpu.memref_squeeze %dma_wait3A_135 : memref<1x64xi32, #tpu.memory_space<vmem>> -> memref<64xi32, #tpu.memory_space<vmem>>
        %dma_wait3A_137 = arith.constant 0 : i32
        %dma_wait3A_138 = arith.constant 0 : i32
        %dma_wait3A_139 = tpu.memref_slice %arg13[%dma_wait3A_137, %dma_wait3A_138] : memref<10112x128xf32, #tpu.memory_space<vmem_shared>> -> memref<10112x128xf32, #tpu.memory_space<vmem_shared>>
        tpu.wait_indirect_dma semaphore(%run_scoped3A : memref<!tpu.dma_semaphore, #tpu.memory_space<semaphore_mem>>) src(%arg10 : memref<64x128xf32, #tpu.memory_space<vmem>>) dst(%dma_wait3A_139 : memref<10112x128xf32, #tpu.memory_space<vmem_shared>>)
        tpu.yield
      }) : () -> ()
      %add3A_85 = arith.constant 2 : i32
      %add3A_86 = arith.addi %add3A_59, %add3A_85 : i32
      %lt3A_87 = arith.constant 80 : i32
      %lt3A_88 = arith.cmpi slt, %add3A_86, %lt3A_87 : i32
      %convert_element_type3A_89 = arith.extui %lt3A_88 : i1 to i32
      %cond3A_90 = arith.constant 0 : i32
      %cond3A_91 = arith.cmpi ne, %convert_element_type3A_89, %cond3A_90 : i32
      scf.if %cond3A_91 {
        %add3A_128 = arith.constant 2 : i32
        %add3A_129 = arith.addi %add3A_59, %add3A_128 : i32
        %dma_start3A_130 = arith.constant 64 : i32
        %dma_start3A_131 = tpu.memref_slice %arg7[%add3A_129, %dma_start3A_130] : memref<80x128xi32, #tpu.memory_space<vmem>> -> memref<1x64xi32, #tpu.memory_space<vmem>>
        %dma_start3A_132 = tpu.memref_squeeze %dma_start3A_131 : memref<1x64xi32, #tpu.memory_space<vmem>> -> memref<64xi32, #tpu.memory_space<vmem>>
        %dma_start3A_133 = arith.constant 0 : i32
        %dma_start3A_134 = arith.constant 0 : i32
        %dma_start3A_135 = tpu.memref_slice %arg4[%dma_start3A_133, %dma_start3A_134] : memref<10000x128xf32, #tpu.memory_space<hbm>> -> memref<10000x128xf32, #tpu.memory_space<hbm>>
        tpu.enqueue_indirect_dma source(%dma_start3A_135 : memref<10000x128xf32, #tpu.memory_space<hbm>>) target(%arg10 : memref<64x128xf32, #tpu.memory_space<vmem>>) offsets(%dma_start3A_132 : memref<64xi32, #tpu.memory_space<vmem>>) semaphore(%arg15 : memref<!tpu.dma_semaphore, #tpu.memory_space<semaphore_mem>>)
      } else {
      }
      %add3A_92 = arith.constant 1 : i32
      %add3A_93 = arith.addi %add3A_57, %add3A_92 : i32
      %dma_wait3A_94 = arith.constant 0 : i32
      %dma_wait3A_95 = tpu.memref_slice %arg7[%add3A_93, %dma_wait3A_94] : memref<80x128xi32, #tpu.memory_space<vmem>> -> memref<1x64xi32, #tpu.memory_space<vmem>>
      %dma_wait3A_96 = tpu.memref_squeeze %dma_wait3A_95 : memref<1x64xi32, #tpu.memory_space<vmem>> -> memref<64xi32, #tpu.memory_space<vmem>>
      %dma_wait3A_97 = arith.constant 0 : i32
      %dma_wait3A_98 = arith.constant 0 : i32
      %dma_wait3A_99 = tpu.memref_slice %arg4[%dma_wait3A_97, %dma_wait3A_98] : memref<10000x128xf32, #tpu.memory_space<hbm>> -> memref<10000x128xf32, #tpu.memory_space<hbm>>
      tpu.wait_indirect_dma semaphore(%arg16 : memref<!tpu.dma_semaphore, #tpu.memory_space<semaphore_mem>>) src(%dma_wait3A_99 : memref<10000x128xf32, #tpu.memory_space<hbm>>) dst(%arg11 : memref<64x128xf32, #tpu.memory_space<vmem>>)
      %mul3A_100 = arith.constant 2 : i32
      %mul3A_101 = arith.muli %scan3A_53, %mul3A_100 : i32
      %add3A_102 = arith.constant 1 : i32
      %add3A_103 = arith.addi %mul3A_101, %add3A_102 : i32
      "tpu.region"() ({
        %run_scoped3A = tpu.sem_alloc : memref<!tpu.dma_semaphore, #tpu.memory_space<semaphore_mem>>
        %dma_start3A_128 = arith.constant 0 : i32
        %dma_start3A_129 = tpu.memref_slice %arg8[%add3A_103, %dma_start3A_128] : memref<40x128xi32, #tpu.memory_space<vmem>> -> memref<1x64xi32, #tpu.memory_space<vmem>>
        %dma_start3A_130 = tpu.memref_squeeze %dma_start3A_129 : memref<1x64xi32, #tpu.memory_space<vmem>> -> memref<64xi32, #tpu.memory_space<vmem>>
        %dma_start3A_131 = arith.constant 0 : i32
        %dma_start3A_132 = arith.constant 0 : i32
        %dma_start3A_133 = tpu.memref_slice %arg13[%dma_start3A_131, %dma_start3A_132] : memref<10112x128xf32, #tpu.memory_space<vmem_shared>> -> memref<10112x128xf32, #tpu.memory_space<vmem_shared>>
        tpu.enqueue_indirect_dma source(%arg11 : memref<64x128xf32, #tpu.memory_space<vmem>>) target(%dma_start3A_133 : memref<10112x128xf32, #tpu.memory_space<vmem_shared>>) offsets(%dma_start3A_130 : memref<64xi32, #tpu.memory_space<vmem>>) semaphore(%run_scoped3A : memref<!tpu.dma_semaphore, #tpu.memory_space<semaphore_mem>>) {add = true}
        %dma_wait3A_134 = arith.constant 0 : i32
        %dma_wait3A_135 = tpu.memref_slice %arg8[%add3A_103, %dma_wait3A_134] : memref<40x128xi32, #tpu.memory_space<vmem>> -> memref<1x64xi32, #tpu.memory_space<vmem>>
        %dma_wait3A_136 = tpu.memref_squeeze %dma_wait3A_135 : memref<1x64xi32, #tpu.memory_space<vmem>> -> memref<64xi32, #tpu.memory_space<vmem>>
        %dma_wait3A_137 = arith.constant 0 : i32
        %dma_wait3A_138 = arith.constant 0 : i32
        %dma_wait3A_139 = tpu.memref_slice %arg13[%dma_wait3A_137, %dma_wait3A_138] : memref<10112x128xf32, #tpu.memory_space<vmem_shared>> -> memref<10112x128xf32, #tpu.memory_space<vmem_shared>>
        tpu.wait_indirect_dma semaphore(%run_scoped3A : memref<!tpu.dma_semaphore, #tpu.memory_space<semaphore_mem>>) src(%arg11 : memref<64x128xf32, #tpu.memory_space<vmem>>) dst(%dma_wait3A_139 : memref<10112x128xf32, #tpu.memory_space<vmem_shared>>)
        tpu.yield
      }) : () -> ()
      %add3A_104 = arith.constant 2 : i32
      %add3A_105 = arith.addi %add3A_93, %add3A_104 : i32
      %lt3A_106 = arith.constant 80 : i32
      %lt3A_107 = arith.cmpi slt, %add3A_105, %lt3A_106 : i32
      %convert_element_type3A_108 = arith.extui %lt3A_107 : i1 to i32
      %cond3A_109 = arith.constant 0 : i32
      %cond3A_110 = arith.cmpi ne, %convert_element_type3A_108, %cond3A_109 : i32
      scf.if %cond3A_110 {
        %add3A_128 = arith.constant 2 : i32
        %add3A_129 = arith.addi %add3A_93, %add3A_128 : i32
        %dma_start3A_130 = arith.constant 0 : i32
        %dma_start3A_131 = tpu.memref_slice %arg7[%add3A_129, %dma_start3A_130] : memref<80x128xi32, #tpu.memory_space<vmem>> -> memref<1x64xi32, #tpu.memory_space<vmem>>
        %dma_start3A_132 = tpu.memref_squeeze %dma_start3A_131 : memref<1x64xi32, #tpu.memory_space<vmem>> -> memref<64xi32, #tpu.memory_space<vmem>>
        %dma_start3A_133 = arith.constant 0 : i32
        %dma_start3A_134 = arith.constant 0 : i32
        %dma_start3A_135 = tpu.memref_slice %arg4[%dma_start3A_133, %dma_start3A_134] : memref<10000x128xf32, #tpu.memory_space<hbm>> -> memref<10000x128xf32, #tpu.memory_space<hbm>>
        tpu.enqueue_indirect_dma source(%dma_start3A_135 : memref<10000x128xf32, #tpu.memory_space<hbm>>) target(%arg11 : memref<64x128xf32, #tpu.memory_space<vmem>>) offsets(%dma_start3A_132 : memref<64xi32, #tpu.memory_space<vmem>>) semaphore(%arg16 : memref<!tpu.dma_semaphore, #tpu.memory_space<semaphore_mem>>)
      } else {
      }
      %dma_wait3A_111 = arith.constant 64 : i32
      %dma_wait3A_112 = tpu.memref_slice %arg7[%add3A_93, %dma_wait3A_111] : memref<80x128xi32, #tpu.memory_space<vmem>> -> memref<1x64xi32, #tpu.memory_space<vmem>>
      %dma_wait3A_113 = tpu.memref_squeeze %dma_wait3A_112 : memref<1x64xi32, #tpu.memory_space<vmem>> -> memref<64xi32, #tpu.memory_space<vmem>>
      %dma_wait3A_114 = arith.constant 0 : i32
      %dma_wait3A_115 = arith.constant 0 : i32
      %dma_wait3A_116 = tpu.memref_slice %arg4[%dma_wait3A_114, %dma_wait3A_115] : memref<10000x128xf32, #tpu.memory_space<hbm>> -> memref<10000x128xf32, #tpu.memory_space<hbm>>
      tpu.wait_indirect_dma semaphore(%arg17 : memref<!tpu.dma_semaphore, #tpu.memory_space<semaphore_mem>>) src(%dma_wait3A_116 : memref<10000x128xf32, #tpu.memory_space<hbm>>) dst(%arg12 : memref<64x128xf32, #tpu.memory_space<vmem>>)
      %mul3A_117 = arith.constant 2 : i32
      %mul3A_118 = arith.muli %scan3A_53, %mul3A_117 : i32
      %add3A_119 = arith.constant 1 : i32
      %add3A_120 = arith.addi %mul3A_118, %add3A_119 : i32
      "tpu.region"() ({
        %run_scoped3A = tpu.sem_alloc : memref<!tpu.dma_semaphore, #tpu.memory_space<semaphore_mem>>
        %dma_start3A_128 = arith.constant 64 : i32
        %dma_start3A_129 = tpu.memref_slice %arg8[%add3A_120, %dma_start3A_128] : memref<40x128xi32, #tpu.memory_space<vmem>> -> memref<1x64xi32, #tpu.memory_space<vmem>>
        %dma_start3A_130 = tpu.memref_squeeze %dma_start3A_129 : memref<1x64xi32, #tpu.memory_space<vmem>> -> memref<64xi32, #tpu.memory_space<vmem>>
        %dma_start3A_131 = arith.constant 0 : i32
        %dma_start3A_132 = arith.constant 0 : i32
        %dma_start3A_133 = tpu.memref_slice %arg13[%dma_start3A_131, %dma_start3A_132] : memref<10112x128xf32, #tpu.memory_space<vmem_shared>> -> memref<10112x128xf32, #tpu.memory_space<vmem_shared>>
        tpu.enqueue_indirect_dma source(%arg12 : memref<64x128xf32, #tpu.memory_space<vmem>>) target(%dma_start3A_133 : memref<10112x128xf32, #tpu.memory_space<vmem_shared>>) offsets(%dma_start3A_130 : memref<64xi32, #tpu.memory_space<vmem>>) semaphore(%run_scoped3A : memref<!tpu.dma_semaphore, #tpu.memory_space<semaphore_mem>>) {add = true}
        %dma_wait3A_134 = arith.constant 64 : i32
        %dma_wait3A_135 = tpu.memref_slice %arg8[%add3A_120, %dma_wait3A_134] : memref<40x128xi32, #tpu.memory_space<vmem>> -> memref<1x64xi32, #tpu.memory_space<vmem>>
        %dma_wait3A_136 = tpu.memref_squeeze %dma_wait3A_135 : memref<1x64xi32, #tpu.memory_space<vmem>> -> memref<64xi32, #tpu.memory_space<vmem>>
        %dma_wait3A_137 = arith.constant 0 : i32
        %dma_wait3A_138 = arith.constant 0 : i32
        %dma_wait3A_139 = tpu.memref_slice %arg13[%dma_wait3A_137, %dma_wait3A_138] : memref<10112x128xf32, #tpu.memory_space<vmem_shared>> -> memref<10112x128xf32, #tpu.memory_space<vmem_shared>>
        tpu.wait_indirect_dma semaphore(%run_scoped3A : memref<!tpu.dma_semaphore, #tpu.memory_space<semaphore_mem>>) src(%arg12 : memref<64x128xf32, #tpu.memory_space<vmem>>) dst(%dma_wait3A_139 : memref<10112x128xf32, #tpu.memory_space<vmem_shared>>)
        tpu.yield
      }) : () -> ()
      %add3A_121 = arith.constant 2 : i32
      %add3A_122 = arith.addi %add3A_93, %add3A_121 : i32
      %lt3A_123 = arith.constant 80 : i32
      %lt3A_124 = arith.cmpi slt, %add3A_122, %lt3A_123 : i32
      %convert_element_type3A_125 = arith.extui %lt3A_124 : i1 to i32
      %cond3A_126 = arith.constant 0 : i32
      %cond3A_127 = arith.cmpi ne, %convert_element_type3A_125, %cond3A_126 : i32
      scf.if %cond3A_127 {
        %add3A_128 = arith.constant 2 : i32
        %add3A_129 = arith.addi %add3A_93, %add3A_128 : i32
        %dma_start3A_130 = arith.constant 64 : i32
        %dma_start3A_131 = tpu.memref_slice %arg7[%add3A_129, %dma_start3A_130] : memref<80x128xi32, #tpu.memory_space<vmem>> -> memref<1x64xi32, #tpu.memory_space<vmem>>
        %dma_start3A_132 = tpu.memref_squeeze %dma_start3A_131 : memref<1x64xi32, #tpu.memory_space<vmem>> -> memref<64xi32, #tpu.memory_space<vmem>>
        %dma_start3A_133 = arith.constant 0 : i32
        %dma_start3A_134 = arith.constant 0 : i32
        %dma_start3A_135 = tpu.memref_slice %arg4[%dma_start3A_133, %dma_start3A_134] : memref<10000x128xf32, #tpu.memory_space<hbm>> -> memref<10000x128xf32, #tpu.memory_space<hbm>>
        tpu.enqueue_indirect_dma source(%dma_start3A_135 : memref<10000x128xf32, #tpu.memory_space<hbm>>) target(%arg12 : memref<64x128xf32, #tpu.memory_space<vmem>>) offsets(%dma_start3A_132 : memref<64xi32, #tpu.memory_space<vmem>>) semaphore(%arg17 : memref<!tpu.dma_semaphore, #tpu.memory_space<semaphore_mem>>)
      } else {
      }
    }
    %scan3A_37 = arith.constant 20 : i32
    %add3A_38 = arith.constant 40 : i32
    %add3A_39 = arith.addi %multiple_of3A_5, %add3A_38 : i32
    "tpu.region"() ({
      %run_scoped3A = tpu.sem_alloc : memref<!tpu.dma_semaphore, #tpu.memory_space<semaphore_mem>>
      %dma_start3A_53 = arith.constant 0 : i32
      %dma_start3A_54 = tpu.memref_slice %arg3[%add3A_39, %dma_start3A_53] : memref<2560x128xi32, #tpu.memory_space<hbm>> -> memref<40x128xi32, #tpu.memory_space<hbm>>
      %dma_start3A_55 = arith.constant 0 : i32
      %dma_start3A_56 = tpu.memref_slice %arg3[%add3A_39, %dma_start3A_55] : memref<2560x128xi32, #tpu.memory_space<hbm>> -> memref<40x128xi32, #tpu.memory_space<hbm>>
      tpu.enqueue_dma source(%dma_start3A_56 : memref<40x128xi32, #tpu.memory_space<hbm>>) target(%arg8 : memref<40x128xi32, #tpu.memory_space<vmem>>) target_semaphore(%run_scoped3A : memref<!tpu.dma_semaphore, #tpu.memory_space<semaphore_mem>>)
      %dma_wait3A = arith.constant 0 : i32
      %dma_wait3A_57 = tpu.memref_slice %arg3[%add3A_39, %dma_wait3A] : memref<2560x128xi32, #tpu.memory_space<hbm>> -> memref<40x128xi32, #tpu.memory_space<hbm>>
      %dma_wait3A_58 = arith.constant 0 : i32
      %dma_wait3A_59 = tpu.memref_slice %arg3[%add3A_39, %dma_wait3A_58] : memref<2560x128xi32, #tpu.memory_space<hbm>> -> memref<40x128xi32, #tpu.memory_space<hbm>>
      tpu.wait_dma2 semaphore(%run_scoped3A : memref<!tpu.dma_semaphore, #tpu.memory_space<semaphore_mem>>) src(%dma_wait3A_59 : memref<40x128xi32, #tpu.memory_space<hbm>>) dst(%arg8 : memref<40x128xi32, #tpu.memory_space<vmem>>)
      tpu.yield
    }) : () -> ()
    %scan3A_40 = arith.constant 0 : i32
    %scan3A_41 = arith.constant 0 : i32
    %scan3A_42 = arith.constant 20 : i32
    %scan3A_43 = arith.addi %scan3A_41, %scan3A_42 : i32
    %scan3A_44 = arith.constant 1 : i32
    scf.for %scan3A_53 = %scan3A_41 to %scan3A_43 step %scan3A_44  : i32 {
      %mul3A_54 = arith.constant 2 : i32
      %mul3A_55 = arith.muli %scan3A_53, %mul3A_54 : i32
      %add3A_56 = arith.constant 40 : i32
      %add3A_57 = arith.addi %add3A_56, %mul3A_55 : i32
      %add3A_58 = arith.constant 0 : i32
      %add3A_59 = arith.addi %add3A_57, %add3A_58 : i32
      %dma_wait3A = arith.constant 0 : i32
      %dma_wait3A_60 = tpu.memref_slice %arg7[%add3A_59, %dma_wait3A] : memref<80x128xi32, #tpu.memory_space<vmem>> -> memref<1x64xi32, #tpu.memory_space<vmem>>
      %dma_wait3A_61 = tpu.memref_squeeze %dma_wait3A_60 : memref<1x64xi32, #tpu.memory_space<vmem>> -> memref<64xi32, #tpu.memory_space<vmem>>
      %dma_wait3A_62 = arith.constant 0 : i32
      %dma_wait3A_63 = arith.constant 0 : i32
      %dma_wait3A_64 = tpu.memref_slice %arg4[%dma_wait3A_62, %dma_wait3A_63] : memref<10000x128xf32, #tpu.memory_space<hbm>> -> memref<10000x128xf32, #tpu.memory_space<hbm>>
      tpu.wait_indirect_dma semaphore(%arg14 : memref<!tpu.dma_semaphore, #tpu.memory_space<semaphore_mem>>) src(%dma_wait3A_64 : memref<10000x128xf32, #tpu.memory_space<hbm>>) dst(%arg9 : memref<64x128xf32, #tpu.memory_space<vmem>>)
      %mul3A_65 = arith.constant 2 : i32
      %mul3A_66 = arith.muli %scan3A_53, %mul3A_65 : i32
      %add3A_67 = arith.constant 0 : i32
      %add3A_68 = arith.addi %mul3A_66, %add3A_67 : i32
      "tpu.region"() ({
        %run_scoped3A = tpu.sem_alloc : memref<!tpu.dma_semaphore, #tpu.memory_space<semaphore_mem>>
        %dma_start3A_128 = arith.constant 0 : i32
        %dma_start3A_129 = tpu.memref_slice %arg8[%add3A_68, %dma_start3A_128] : memref<40x128xi32, #tpu.memory_space<vmem>> -> memref<1x64xi32, #tpu.memory_space<vmem>>
        %dma_start3A_130 = tpu.memref_squeeze %dma_start3A_129 : memref<1x64xi32, #tpu.memory_space<vmem>> -> memref<64xi32, #tpu.memory_space<vmem>>
        %dma_start3A_131 = arith.constant 0 : i32
        %dma_start3A_132 = arith.constant 0 : i32
        %dma_start3A_133 = tpu.memref_slice %arg13[%dma_start3A_131, %dma_start3A_132] : memref<10112x128xf32, #tpu.memory_space<vmem_shared>> -> memref<10112x128xf32, #tpu.memory_space<vmem_shared>>
        tpu.enqueue_indirect_dma source(%arg9 : memref<64x128xf32, #tpu.memory_space<vmem>>) target(%dma_start3A_133 : memref<10112x128xf32, #tpu.memory_space<vmem_shared>>) offsets(%dma_start3A_130 : memref<64xi32, #tpu.memory_space<vmem>>) semaphore(%run_scoped3A : memref<!tpu.dma_semaphore, #tpu.memory_space<semaphore_mem>>) {add = true}
        %dma_wait3A_134 = arith.constant 0 : i32
        %dma_wait3A_135 = tpu.memref_slice %arg8[%add3A_68, %dma_wait3A_134] : memref<40x128xi32, #tpu.memory_space<vmem>> -> memref<1x64xi32, #tpu.memory_space<vmem>>
        %dma_wait3A_136 = tpu.memref_squeeze %dma_wait3A_135 : memref<1x64xi32, #tpu.memory_space<vmem>> -> memref<64xi32, #tpu.memory_space<vmem>>
        %dma_wait3A_137 = arith.constant 0 : i32
        %dma_wait3A_138 = arith.constant 0 : i32
        %dma_wait3A_139 = tpu.memref_slice %arg13[%dma_wait3A_137, %dma_wait3A_138] : memref<10112x128xf32, #tpu.memory_space<vmem_shared>> -> memref<10112x128xf32, #tpu.memory_space<vmem_shared>>
        tpu.wait_indirect_dma semaphore(%run_scoped3A : memref<!tpu.dma_semaphore, #tpu.memory_space<semaphore_mem>>) src(%arg9 : memref<64x128xf32, #tpu.memory_space<vmem>>) dst(%dma_wait3A_139 : memref<10112x128xf32, #tpu.memory_space<vmem_shared>>)
        tpu.yield
      }) : () -> ()
      %add3A_69 = arith.constant 2 : i32
      %add3A_70 = arith.addi %add3A_59, %add3A_69 : i32
      %lt3A = arith.constant 80 : i32
      %lt3A_71 = arith.cmpi slt, %add3A_70, %lt3A : i32
      %convert_element_type3A_72 = arith.extui %lt3A_71 : i1 to i32
      %cond3A_73 = arith.constant 0 : i32
      %cond3A_74 = arith.cmpi ne, %convert_element_type3A_72, %cond3A_73 : i32
      scf.if %cond3A_74 {
        %add3A_128 = arith.constant 2 : i32
        %add3A_129 = arith.addi %add3A_59, %add3A_128 : i32
        %dma_start3A_130 = arith.constant 0 : i32
        %dma_start3A_131 = tpu.memref_slice %arg7[%add3A_129, %dma_start3A_130] : memref<80x128xi32, #tpu.memory_space<vmem>> -> memref<1x64xi32, #tpu.memory_space<vmem>>
        %dma_start3A_132 = tpu.memref_squeeze %dma_start3A_131 : memref<1x64xi32, #tpu.memory_space<vmem>> -> memref<64xi32, #tpu.memory_space<vmem>>
        %dma_start3A_133 = arith.constant 0 : i32
        %dma_start3A_134 = arith.constant 0 : i32
        %dma_start3A_135 = tpu.memref_slice %arg4[%dma_start3A_133, %dma_start3A_134] : memref<10000x128xf32, #tpu.memory_space<hbm>> -> memref<10000x128xf32, #tpu.memory_space<hbm>>
        tpu.enqueue_indirect_dma source(%dma_start3A_135 : memref<10000x128xf32, #tpu.memory_space<hbm>>) target(%arg9 : memref<64x128xf32, #tpu.memory_space<vmem>>) offsets(%dma_start3A_132 : memref<64xi32, #tpu.memory_space<vmem>>) semaphore(%arg14 : memref<!tpu.dma_semaphore, #tpu.memory_space<semaphore_mem>>)
      } else {
      }
      %dma_wait3A_75 = arith.constant 64 : i32
      %dma_wait3A_76 = tpu.memref_slice %arg7[%add3A_59, %dma_wait3A_75] : memref<80x128xi32, #tpu.memory_space<vmem>> -> memref<1x64xi32, #tpu.memory_space<vmem>>
      %dma_wait3A_77 = tpu.memref_squeeze %dma_wait3A_76 : memref<1x64xi32, #tpu.memory_space<vmem>> -> memref<64xi32, #tpu.memory_space<vmem>>
      %dma_wait3A_78 = arith.constant 0 : i32
      %dma_wait3A_79 = arith.constant 0 : i32
      %dma_wait3A_80 = tpu.memref_slice %arg4[%dma_wait3A_78, %dma_wait3A_79] : memref<10000x128xf32, #tpu.memory_space<hbm>> -> memref<10000x128xf32, #tpu.memory_space<hbm>>
      tpu.wait_indirect_dma semaphore(%arg15 : memref<!tpu.dma_semaphore, #tpu.memory_space<semaphore_mem>>) src(%dma_wait3A_80 : memref<10000x128xf32, #tpu.memory_space<hbm>>) dst(%arg10 : memref<64x128xf32, #tpu.memory_space<vmem>>)
      %mul3A_81 = arith.constant 2 : i32
      %mul3A_82 = arith.muli %scan3A_53, %mul3A_81 : i32
      %add3A_83 = arith.constant 0 : i32
      %add3A_84 = arith.addi %mul3A_82, %add3A_83 : i32
      "tpu.region"() ({
        %run_scoped3A = tpu.sem_alloc : memref<!tpu.dma_semaphore, #tpu.memory_space<semaphore_mem>>
        %dma_start3A_128 = arith.constant 64 : i32
        %dma_start3A_129 = tpu.memref_slice %arg8[%add3A_84, %dma_start3A_128] : memref<40x128xi32, #tpu.memory_space<vmem>> -> memref<1x64xi32, #tpu.memory_space<vmem>>
        %dma_start3A_130 = tpu.memref_squeeze %dma_start3A_129 : memref<1x64xi32, #tpu.memory_space<vmem>> -> memref<64xi32, #tpu.memory_space<vmem>>
        %dma_start3A_131 = arith.constant 0 : i32
        %dma_start3A_132 = arith.constant 0 : i32
        %dma_start3A_133 = tpu.memref_slice %arg13[%dma_start3A_131, %dma_start3A_132] : memref<10112x128xf32, #tpu.memory_space<vmem_shared>> -> memref<10112x128xf32, #tpu.memory_space<vmem_shared>>
        tpu.enqueue_indirect_dma source(%arg10 : memref<64x128xf32, #tpu.memory_space<vmem>>) target(%dma_start3A_133 : memref<10112x128xf32, #tpu.memory_space<vmem_shared>>) offsets(%dma_start3A_130 : memref<64xi32, #tpu.memory_space<vmem>>) semaphore(%run_scoped3A : memref<!tpu.dma_semaphore, #tpu.memory_space<semaphore_mem>>) {add = true}
        %dma_wait3A_134 = arith.constant 64 : i32
        %dma_wait3A_135 = tpu.memref_slice %arg8[%add3A_84, %dma_wait3A_134] : memref<40x128xi32, #tpu.memory_space<vmem>> -> memref<1x64xi32, #tpu.memory_space<vmem>>
        %dma_wait3A_136 = tpu.memref_squeeze %dma_wait3A_135 : memref<1x64xi32, #tpu.memory_space<vmem>> -> memref<64xi32, #tpu.memory_space<vmem>>
        %dma_wait3A_137 = arith.constant 0 : i32
        %dma_wait3A_138 = arith.constant 0 : i32
        %dma_wait3A_139 = tpu.memref_slice %arg13[%dma_wait3A_137, %dma_wait3A_138] : memref<10112x128xf32, #tpu.memory_space<vmem_shared>> -> memref<10112x128xf32, #tpu.memory_space<vmem_shared>>
        tpu.wait_indirect_dma semaphore(%run_scoped3A : memref<!tpu.dma_semaphore, #tpu.memory_space<semaphore_mem>>) src(%arg10 : memref<64x128xf32, #tpu.memory_space<vmem>>) dst(%dma_wait3A_139 : memref<10112x128xf32, #tpu.memory_space<vmem_shared>>)
        tpu.yield
      }) : () -> ()
      %add3A_85 = arith.constant 2 : i32
      %add3A_86 = arith.addi %add3A_59, %add3A_85 : i32
      %lt3A_87 = arith.constant 80 : i32
      %lt3A_88 = arith.cmpi slt, %add3A_86, %lt3A_87 : i32
      %convert_element_type3A_89 = arith.extui %lt3A_88 : i1 to i32
      %cond3A_90 = arith.constant 0 : i32
      %cond3A_91 = arith.cmpi ne, %convert_element_type3A_89, %cond3A_90 : i32
      scf.if %cond3A_91 {
        %add3A_128 = arith.constant 2 : i32
        %add3A_129 = arith.addi %add3A_59, %add3A_128 : i32
        %dma_start3A_130 = arith.constant 64 : i32
        %dma_start3A_131 = tpu.memref_slice %arg7[%add3A_129, %dma_start3A_130] : memref<80x128xi32, #tpu.memory_space<vmem>> -> memref<1x64xi32, #tpu.memory_space<vmem>>
        %dma_start3A_132 = tpu.memref_squeeze %dma_start3A_131 : memref<1x64xi32, #tpu.memory_space<vmem>> -> memref<64xi32, #tpu.memory_space<vmem>>
        %dma_start3A_133 = arith.constant 0 : i32
        %dma_start3A_134 = arith.constant 0 : i32
        %dma_start3A_135 = tpu.memref_slice %arg4[%dma_start3A_133, %dma_start3A_134] : memref<10000x128xf32, #tpu.memory_space<hbm>> -> memref<10000x128xf32, #tpu.memory_space<hbm>>
        tpu.enqueue_indirect_dma source(%dma_start3A_135 : memref<10000x128xf32, #tpu.memory_space<hbm>>) target(%arg10 : memref<64x128xf32, #tpu.memory_space<vmem>>) offsets(%dma_start3A_132 : memref<64xi32, #tpu.memory_space<vmem>>) semaphore(%arg15 : memref<!tpu.dma_semaphore, #tpu.memory_space<semaphore_mem>>)
      } else {
      }
      %add3A_92 = arith.constant 1 : i32
      %add3A_93 = arith.addi %add3A_57, %add3A_92 : i32
      %dma_wait3A_94 = arith.constant 0 : i32
      %dma_wait3A_95 = tpu.memref_slice %arg7[%add3A_93, %dma_wait3A_94] : memref<80x128xi32, #tpu.memory_space<vmem>> -> memref<1x64xi32, #tpu.memory_space<vmem>>
      %dma_wait3A_96 = tpu.memref_squeeze %dma_wait3A_95 : memref<1x64xi32, #tpu.memory_space<vmem>> -> memref<64xi32, #tpu.memory_space<vmem>>
      %dma_wait3A_97 = arith.constant 0 : i32
      %dma_wait3A_98 = arith.constant 0 : i32
      %dma_wait3A_99 = tpu.memref_slice %arg4[%dma_wait3A_97, %dma_wait3A_98] : memref<10000x128xf32, #tpu.memory_space<hbm>> -> memref<10000x128xf32, #tpu.memory_space<hbm>>
      tpu.wait_indirect_dma semaphore(%arg16 : memref<!tpu.dma_semaphore, #tpu.memory_space<semaphore_mem>>) src(%dma_wait3A_99 : memref<10000x128xf32, #tpu.memory_space<hbm>>) dst(%arg11 : memref<64x128xf32, #tpu.memory_space<vmem>>)
      %mul3A_100 = arith.constant 2 : i32
      %mul3A_101 = arith.muli %scan3A_53, %mul3A_100 : i32
      %add3A_102 = arith.constant 1 : i32
      %add3A_103 = arith.addi %mul3A_101, %add3A_102 : i32
      "tpu.region"() ({
        %run_scoped3A = tpu.sem_alloc : memref<!tpu.dma_semaphore, #tpu.memory_space<semaphore_mem>>
        %dma_start3A_128 = arith.constant 0 : i32
        %dma_start3A_129 = tpu.memref_slice %arg8[%add3A_103, %dma_start3A_128] : memref<40x128xi32, #tpu.memory_space<vmem>> -> memref<1x64xi32, #tpu.memory_space<vmem>>
        %dma_start3A_130 = tpu.memref_squeeze %dma_start3A_129 : memref<1x64xi32, #tpu.memory_space<vmem>> -> memref<64xi32, #tpu.memory_space<vmem>>
        %dma_start3A_131 = arith.constant 0 : i32
        %dma_start3A_132 = arith.constant 0 : i32
        %dma_start3A_133 = tpu.memref_slice %arg13[%dma_start3A_131, %dma_start3A_132] : memref<10112x128xf32, #tpu.memory_space<vmem_shared>> -> memref<10112x128xf32, #tpu.memory_space<vmem_shared>>
        tpu.enqueue_indirect_dma source(%arg11 : memref<64x128xf32, #tpu.memory_space<vmem>>) target(%dma_start3A_133 : memref<10112x128xf32, #tpu.memory_space<vmem_shared>>) offsets(%dma_start3A_130 : memref<64xi32, #tpu.memory_space<vmem>>) semaphore(%run_scoped3A : memref<!tpu.dma_semaphore, #tpu.memory_space<semaphore_mem>>) {add = true}
        %dma_wait3A_134 = arith.constant 0 : i32
        %dma_wait3A_135 = tpu.memref_slice %arg8[%add3A_103, %dma_wait3A_134] : memref<40x128xi32, #tpu.memory_space<vmem>> -> memref<1x64xi32, #tpu.memory_space<vmem>>
        %dma_wait3A_136 = tpu.memref_squeeze %dma_wait3A_135 : memref<1x64xi32, #tpu.memory_space<vmem>> -> memref<64xi32, #tpu.memory_space<vmem>>
        %dma_wait3A_137 = arith.constant 0 : i32
        %dma_wait3A_138 = arith.constant 0 : i32
        %dma_wait3A_139 = tpu.memref_slice %arg13[%dma_wait3A_137, %dma_wait3A_138] : memref<10112x128xf32, #tpu.memory_space<vmem_shared>> -> memref<10112x128xf32, #tpu.memory_space<vmem_shared>>
        tpu.wait_indirect_dma semaphore(%run_scoped3A : memref<!tpu.dma_semaphore, #tpu.memory_space<semaphore_mem>>) src(%arg11 : memref<64x128xf32, #tpu.memory_space<vmem>>) dst(%dma_wait3A_139 : memref<10112x128xf32, #tpu.memory_space<vmem_shared>>)
        tpu.yield
      }) : () -> ()
      %add3A_104 = arith.constant 2 : i32
      %add3A_105 = arith.addi %add3A_93, %add3A_104 : i32
      %lt3A_106 = arith.constant 80 : i32
      %lt3A_107 = arith.cmpi slt, %add3A_105, %lt3A_106 : i32
      %convert_element_type3A_108 = arith.extui %lt3A_107 : i1 to i32
      %cond3A_109 = arith.constant 0 : i32
      %cond3A_110 = arith.cmpi ne, %convert_element_type3A_108, %cond3A_109 : i32
      scf.if %cond3A_110 {
        %add3A_128 = arith.constant 2 : i32
        %add3A_129 = arith.addi %add3A_93, %add3A_128 : i32
        %dma_start3A_130 = arith.constant 0 : i32
        %dma_start3A_131 = tpu.memref_slice %arg7[%add3A_129, %dma_start3A_130] : memref<80x128xi32, #tpu.memory_space<vmem>> -> memref<1x64xi32, #tpu.memory_space<vmem>>
        %dma_start3A_132 = tpu.memref_squeeze %dma_start3A_131 : memref<1x64xi32, #tpu.memory_space<vmem>> -> memref<64xi32, #tpu.memory_space<vmem>>
        %dma_start3A_133 = arith.constant 0 : i32
        %dma_start3A_134 = arith.constant 0 : i32
        %dma_start3A_135 = tpu.memref_slice %arg4[%dma_start3A_133, %dma_start3A_134] : memref<10000x128xf32, #tpu.memory_space<hbm>> -> memref<10000x128xf32, #tpu.memory_space<hbm>>
        tpu.enqueue_indirect_dma source(%dma_start3A_135 : memref<10000x128xf32, #tpu.memory_space<hbm>>) target(%arg11 : memref<64x128xf32, #tpu.memory_space<vmem>>) offsets(%dma_start3A_132 : memref<64xi32, #tpu.memory_space<vmem>>) semaphore(%arg16 : memref<!tpu.dma_semaphore, #tpu.memory_space<semaphore_mem>>)
      } else {
      }
      %dma_wait3A_111 = arith.constant 64 : i32
      %dma_wait3A_112 = tpu.memref_slice %arg7[%add3A_93, %dma_wait3A_111] : memref<80x128xi32, #tpu.memory_space<vmem>> -> memref<1x64xi32, #tpu.memory_space<vmem>>
      %dma_wait3A_113 = tpu.memref_squeeze %dma_wait3A_112 : memref<1x64xi32, #tpu.memory_space<vmem>> -> memref<64xi32, #tpu.memory_space<vmem>>
      %dma_wait3A_114 = arith.constant 0 : i32
      %dma_wait3A_115 = arith.constant 0 : i32
      %dma_wait3A_116 = tpu.memref_slice %arg4[%dma_wait3A_114, %dma_wait3A_115] : memref<10000x128xf32, #tpu.memory_space<hbm>> -> memref<10000x128xf32, #tpu.memory_space<hbm>>
      tpu.wait_indirect_dma semaphore(%arg17 : memref<!tpu.dma_semaphore, #tpu.memory_space<semaphore_mem>>) src(%dma_wait3A_116 : memref<10000x128xf32, #tpu.memory_space<hbm>>) dst(%arg12 : memref<64x128xf32, #tpu.memory_space<vmem>>)
      %mul3A_117 = arith.constant 2 : i32
      %mul3A_118 = arith.muli %scan3A_53, %mul3A_117 : i32
      %add3A_119 = arith.constant 1 : i32
      %add3A_120 = arith.addi %mul3A_118, %add3A_119 : i32
      "tpu.region"() ({
        %run_scoped3A = tpu.sem_alloc : memref<!tpu.dma_semaphore, #tpu.memory_space<semaphore_mem>>
        %dma_start3A_128 = arith.constant 64 : i32
        %dma_start3A_129 = tpu.memref_slice %arg8[%add3A_120, %dma_start3A_128] : memref<40x128xi32, #tpu.memory_space<vmem>> -> memref<1x64xi32, #tpu.memory_space<vmem>>
        %dma_start3A_130 = tpu.memref_squeeze %dma_start3A_129 : memref<1x64xi32, #tpu.memory_space<vmem>> -> memref<64xi32, #tpu.memory_space<vmem>>
        %dma_start3A_131 = arith.constant 0 : i32
        %dma_start3A_132 = arith.constant 0 : i32
        %dma_start3A_133 = tpu.memref_slice %arg13[%dma_start3A_131, %dma_start3A_132] : memref<10112x128xf32, #tpu.memory_space<vmem_shared>> -> memref<10112x128xf32, #tpu.memory_space<vmem_shared>>
        tpu.enqueue_indirect_dma source(%arg12 : memref<64x128xf32, #tpu.memory_space<vmem>>) target(%dma_start3A_133 : memref<10112x128xf32, #tpu.memory_space<vmem_shared>>) offsets(%dma_start3A_130 : memref<64xi32, #tpu.memory_space<vmem>>) semaphore(%run_scoped3A : memref<!tpu.dma_semaphore, #tpu.memory_space<semaphore_mem>>) {add = true}
        %dma_wait3A_134 = arith.constant 64 : i32
        %dma_wait3A_135 = tpu.memref_slice %arg8[%add3A_120, %dma_wait3A_134] : memref<40x128xi32, #tpu.memory_space<vmem>> -> memref<1x64xi32, #tpu.memory_space<vmem>>
        %dma_wait3A_136 = tpu.memref_squeeze %dma_wait3A_135 : memref<1x64xi32, #tpu.memory_space<vmem>> -> memref<64xi32, #tpu.memory_space<vmem>>
        %dma_wait3A_137 = arith.constant 0 : i32
        %dma_wait3A_138 = arith.constant 0 : i32
        %dma_wait3A_139 = tpu.memref_slice %arg13[%dma_wait3A_137, %dma_wait3A_138] : memref<10112x128xf32, #tpu.memory_space<vmem_shared>> -> memref<10112x128xf32, #tpu.memory_space<vmem_shared>>
        tpu.wait_indirect_dma semaphore(%run_scoped3A : memref<!tpu.dma_semaphore, #tpu.memory_space<semaphore_mem>>) src(%arg12 : memref<64x128xf32, #tpu.memory_space<vmem>>) dst(%dma_wait3A_139 : memref<10112x128xf32, #tpu.memory_space<vmem_shared>>)
        tpu.yield
      }) : () -> ()
      %add3A_121 = arith.constant 2 : i32
      %add3A_122 = arith.addi %add3A_93, %add3A_121 : i32
      %lt3A_123 = arith.constant 80 : i32
      %lt3A_124 = arith.cmpi slt, %add3A_122, %lt3A_123 : i32
      %convert_element_type3A_125 = arith.extui %lt3A_124 : i1 to i32
      %cond3A_126 = arith.constant 0 : i32
      %cond3A_127 = arith.cmpi ne, %convert_element_type3A_125, %cond3A_126 : i32
      scf.if %cond3A_127 {
        %add3A_128 = arith.constant 2 : i32
        %add3A_129 = arith.addi %add3A_93, %add3A_128 : i32
        %dma_start3A_130 = arith.constant 64 : i32
        %dma_start3A_131 = tpu.memref_slice %arg7[%add3A_129, %dma_start3A_130] : memref<80x128xi32, #tpu.memory_space<vmem>> -> memref<1x64xi32, #tpu.memory_space<vmem>>
        %dma_start3A_132 = tpu.memref_squeeze %dma_start3A_131 : memref<1x64xi32, #tpu.memory_space<vmem>> -> memref<64xi32, #tpu.memory_space<vmem>>
        %dma_start3A_133 = arith.constant 0 : i32
        %dma_start3A_134 = arith.constant 0 : i32
        %dma_start3A_135 = tpu.memref_slice %arg4[%dma_start3A_133, %dma_start3A_134] : memref<10000x128xf32, #tpu.memory_space<hbm>> -> memref<10000x128xf32, #tpu.memory_space<hbm>>
        tpu.enqueue_indirect_dma source(%dma_start3A_135 : memref<10000x128xf32, #tpu.memory_space<hbm>>) target(%arg12 : memref<64x128xf32, #tpu.memory_space<vmem>>) offsets(%dma_start3A_132 : memref<64xi32, #tpu.memory_space<vmem>>) semaphore(%arg17 : memref<!tpu.dma_semaphore, #tpu.memory_space<semaphore_mem>>)
      } else {
      }
    }
    %scan3A_45 = arith.constant 20 : i32
    %barrier3A_46 = arith.constant 0 : index
    tpu.barrier barrier_id(%barrier3A_46)
    %ne3A = arith.constant 15 : i32
    %ne3A_47 = arith.cmpi ne, %arg1, %ne3A : i32
    %convert_element_type3A = arith.extui %ne3A_47 : i1 to i32
    %cond3A = arith.constant 0 : i32
    %cond3A_48 = arith.cmpi ne, %convert_element_type3A, %cond3A : i32
    scf.if %cond3A_48 {
      "tpu.region"() ({
        %run_scoped3A = tpu.sem_alloc : memref<!tpu.dma_semaphore, #tpu.memory_space<semaphore_mem>>
        %dma_start3A_53 = arith.constant 0 : i32
        %dma_start3A_54 = tpu.memref_slice %arg6[%arg0, %multiple_of3A, %dma_start3A_53] : memref<2x10000x128xf32, #tpu.memory_space<hbm>> -> memref<1x632x128xf32, #tpu.memory_space<hbm>>
        %dma_start3A_55 = tpu.memref_squeeze %dma_start3A_54 : memref<1x632x128xf32, #tpu.memory_space<hbm>> -> memref<632x128xf32, #tpu.memory_space<hbm>>
        %dma_start3A_56 = arith.constant 0 : i32
        %dma_start3A_57 = tpu.memref_slice %arg13[%multiple_of3A, %dma_start3A_56] : memref<10112x128xf32, #tpu.memory_space<vmem_shared>> -> memref<632x128xf32, #tpu.memory_space<vmem_shared>>
        tpu.enqueue_dma source(%dma_start3A_57 : memref<632x128xf32, #tpu.memory_space<vmem_shared>>) target(%dma_start3A_55 : memref<632x128xf32, #tpu.memory_space<hbm>>) target_semaphore(%run_scoped3A : memref<!tpu.dma_semaphore, #tpu.memory_space<semaphore_mem>>)
        %dma_wait3A = arith.constant 0 : i32
        %dma_wait3A_58 = tpu.memref_slice %arg6[%arg0, %multiple_of3A, %dma_wait3A] : memref<2x10000x128xf32, #tpu.memory_space<hbm>> -> memref<1x632x128xf32, #tpu.memory_space<hbm>>
        %dma_wait3A_59 = tpu.memref_squeeze %dma_wait3A_58 : memref<1x632x128xf32, #tpu.memory_space<hbm>> -> memref<632x128xf32, #tpu.memory_space<hbm>>
        %dma_wait3A_60 = arith.constant 0 : i32
        %dma_wait3A_61 = tpu.memref_slice %arg13[%multiple_of3A, %dma_wait3A_60] : memref<10112x128xf32, #tpu.memory_space<vmem_shared>> -> memref<632x128xf32, #tpu.memory_space<vmem_shared>>
        tpu.wait_dma2 semaphore(%run_scoped3A : memref<!tpu.dma_semaphore, #tpu.memory_space<semaphore_mem>>) src(%dma_wait3A_61 : memref<632x128xf32, #tpu.memory_space<vmem_shared>>) dst(%dma_wait3A_59 : memref<632x128xf32, #tpu.memory_space<hbm>>)
        tpu.yield
      }) : () -> ()
    } else {
    }
    %eq3A = arith.constant 15 : i32
    %eq3A_49 = arith.cmpi eq, %arg1, %eq3A : i32
    %convert_element_type3A_50 = arith.extui %eq3A_49 : i1 to i32
    %cond3A_51 = arith.constant 0 : i32
    %cond3A_52 = arith.cmpi ne, %convert_element_type3A_50, %cond3A_51 : i32
    scf.if %cond3A_52 {
      "tpu.region"() ({
        %run_scoped3A = tpu.sem_alloc : memref<!tpu.dma_semaphore, #tpu.memory_space<semaphore_mem>>
        %dma_start3A_53 = arith.constant 0 : i32
        %dma_start3A_54 = tpu.memref_slice %arg6[%arg0, %multiple_of3A, %dma_start3A_53] : memref<2x10000x128xf32, #tpu.memory_space<hbm>> -> memref<1x520x128xf32, #tpu.memory_space<hbm>>
        %dma_start3A_55 = tpu.memref_squeeze %dma_start3A_54 : memref<1x520x128xf32, #tpu.memory_space<hbm>> -> memref<520x128xf32, #tpu.memory_space<hbm>>
        %dma_start3A_56 = arith.constant 0 : i32
        %dma_start3A_57 = tpu.memref_slice %arg13[%multiple_of3A, %dma_start3A_56] : memref<10112x128xf32, #tpu.memory_space<vmem_shared>> -> memref<520x128xf32, #tpu.memory_space<vmem_shared>>
        tpu.enqueue_dma source(%dma_start3A_57 : memref<520x128xf32, #tpu.memory_space<vmem_shared>>) target(%dma_start3A_55 : memref<520x128xf32, #tpu.memory_space<hbm>>) target_semaphore(%run_scoped3A : memref<!tpu.dma_semaphore, #tpu.memory_space<semaphore_mem>>)
        %dma_wait3A = arith.constant 0 : i32
        %dma_wait3A_58 = tpu.memref_slice %arg6[%arg0, %multiple_of3A, %dma_wait3A] : memref<2x10000x128xf32, #tpu.memory_space<hbm>> -> memref<1x520x128xf32, #tpu.memory_space<hbm>>
        %dma_wait3A_59 = tpu.memref_squeeze %dma_wait3A_58 : memref<1x520x128xf32, #tpu.memory_space<hbm>> -> memref<520x128xf32, #tpu.memory_space<hbm>>
        %dma_wait3A_60 = arith.constant 0 : i32
        %dma_wait3A_61 = tpu.memref_slice %arg13[%multiple_of3A, %dma_wait3A_60] : memref<10112x128xf32, #tpu.memory_space<vmem_shared>> -> memref<520x128xf32, #tpu.memory_space<vmem_shared>>
        tpu.wait_dma2 semaphore(%run_scoped3A : memref<!tpu.dma_semaphore, #tpu.memory_space<semaphore_mem>>) src(%dma_wait3A_61 : memref<520x128xf32, #tpu.memory_space<vmem_shared>>) dst(%dma_wait3A_59 : memref<520x128xf32, #tpu.memory_space<hbm>>)
        tpu.yield
      }) : () -> ()
    } else {
    }
    return
  }
}

module attributes {stable_mosaic.version = 14 : i64} {
  func.func @body(%arg0: i32, %arg1: memref<1000x128xf32, #tpu.memory_space<vmem>>, %arg2: memref<128x128xf32, #tpu.memory_space<vmem>>, %arg3: memref<1000x128xf32, #tpu.memory_space<vmem>>) attributes {dimension_semantics = [#tpu.dimension_semantics<arbitrary>], iteration_bounds = array<i64: 10>, scalar_prefetch = 0 : i64, scratch_operands = 0 : i64, tpu.core_type = #tpu.core_type<tc>, window_params = [{transform_indices = @transform_0, window_bounds = array<i64: 1000, 128>}, {pipeline_mode = #tpu.pipeline_mode<synchronous>, transform_indices = @transform_1, window_bounds = array<i64: 128, 128>}, {transform_indices = @transform_2, window_bounds = array<i64: 1000, 128>}]} {
    %get3A = arith.constant 0 : index
    %get3A_0 = arith.constant 0 : index
    %get3A_1 = vector.load %arg1[%get3A, %get3A_0] : memref<1000x128xf32, #tpu.memory_space<vmem>>, vector<1000x128xf32>
    %get3A_2 = arith.constant 0 : index
    %get3A_3 = arith.constant 0 : index
    %get3A_4 = vector.load %arg2[%get3A_2, %get3A_3] : memref<128x128xf32, #tpu.memory_space<vmem>>, vector<128x128xf32>
    %dot_general3A = arith.constant dense<0.000000e+00> : vector<1000x128xf32>
    %dot_general3A_5 = tpu.matmul %get3A_1, %get3A_4, %dot_general3A {dimension_numbers = #tpu.dot_dimension_numbers<[1], [0], [0], [1], [0, 0, 1, 1], [], []>, transpose_lhs_hint = false} : vector<1000x128xf32>, vector<128x128xf32>, vector<1000x128xf32> -> vector<1000x128xf32>
    %swap3A = arith.constant 0 : index
    %swap3A_6 = arith.constant 0 : index
    %swap3A_7 = vector.load %arg3[%swap3A, %swap3A_6] : memref<1000x128xf32, #tpu.memory_space<vmem>>, vector<1000x128xf32>
    tpu.vector_store %arg3[%swap3A, %swap3A_6], %dot_general3A_5 {strides = array<i32>} : memref<1000x128xf32, #tpu.memory_space<vmem>>, vector<1000x128xf32>,
    return
  }
  func.func @transform_0(%arg0: i32) -> (i32, i32) {
    %c0_i32 = arith.constant 0 : i32
    %c0_i32_0 = arith.constant 0 : i32
    return %arg0, %c0_i32 : i32, i32
  }
  func.func @transform_1(%arg0: i32) -> (i32, i32) {
    %c0_i32 = arith.constant 0 : i32
    %c0_i32_0 = arith.constant 0 : i32
    %c0_i32_1 = arith.constant 0 : i32
    return %c0_i32, %c0_i32_0 : i32, i32
  }
  func.func @transform_2(%arg0: i32) -> (i32, i32) {
    %c0_i32 = arith.constant 0 : i32
    %c0_i32_0 = arith.constant 0 : i32
    return %arg0, %c0_i32 : i32, i32
  }
}

module attributes {stable_mosaic.version = 14 : i64} {
  func.func @body(%arg0: i32, %arg1: memref<2x1000x64xf32, #tpu.memory_space<vmem>>, %arg2: memref<1000x128xf32, #tpu.memory_space<vmem>>, %arg3: memref<1000x128xf32, #tpu.memory_space<vmem>>, %arg4: memref<1000x1xf32, #tpu.memory_space<vmem>>) attributes {dimension_semantics = [#tpu.dimension_semantics<arbitrary>], iteration_bounds = array<i64: 10>, scalar_prefetch = 0 : i64, scratch_operands = 0 : i64, tpu.core_type = #tpu.core_type<tc>, window_params = [{transform_indices = @transform_0, window_bounds = array<i64: 2, 1000, 64>}, {transform_indices = @transform_1, window_bounds = array<i64: 1000, 128>}, {transform_indices = @transform_2, window_bounds = array<i64: 1000, 128>}, {transform_indices = @transform_3, window_bounds = array<i64: 1000, 1>}]} {
    %get3A = arith.constant 0 : index
    %get3A_0 = arith.constant 0 : index
    %get3A_1 = arith.constant 0 : index
    %get3A_2 = vector.load %arg1[%get3A, %get3A_0, %get3A_1] : memref<2x1000x64xf32, #tpu.memory_space<vmem>>, vector<1x1000x1xf32>
    %get3A_3 = vector.shape_cast %get3A_2 : vector<1x1000x1xf32> to vector<1000x1xf32>
    %get3A_4 = arith.constant 1 : index
    %get3A_5 = arith.constant 0 : index
    %get3A_6 = arith.constant 0 : index
    %get3A_7 = vector.load %arg1[%get3A_4, %get3A_5, %get3A_6] : memref<2x1000x64xf32, #tpu.memory_space<vmem>>, vector<1x1000x1xf32>
    %get3A_8 = vector.shape_cast %get3A_7 : vector<1x1000x1xf32> to vector<1000x1xf32>
    %add3A = arith.addf %get3A_3, %get3A_8 : vector<1000x1xf32>
    %add3A_9 = arith.constant 1.000000e+00 : f32
    %add3A_10 = vector.broadcast %add3A_9 : f32 to vector<1000x1xf32>
    %add3A_11 = arith.addf %add3A, %add3A_10 : vector<1000x1xf32>
    %get3A_12 = arith.constant 0 : index
    %get3A_13 = arith.constant 0 : index
    %get3A_14 = vector.load %arg2[%get3A_12, %get3A_13] : memref<1000x128xf32, #tpu.memory_space<vmem>>, vector<1000x128xf32>
    %rsqrt3A = math.rsqrt %add3A_11 : vector<1000x1xf32>
    %mul3A = vector.broadcast %rsqrt3A : vector<1000x1xf32> to vector<1000x128xf32>
    %mul3A_15 = arith.mulf %get3A_14, %mul3A : vector<1000x128xf32>
    %swap3A = arith.constant 0 : index
    %swap3A_16 = arith.constant 0 : index
    %swap3A_17 = vector.load %arg3[%swap3A, %swap3A_16] : memref<1000x128xf32, #tpu.memory_space<vmem>>, vector<1000x128xf32>
    tpu.vector_store %arg3[%swap3A, %swap3A_16], %mul3A_15 {strides = array<i32>} : memref<1000x128xf32, #tpu.memory_space<vmem>>, vector<1000x128xf32>,
    %swap3A_18 = arith.constant 0 : index
    %swap3A_19 = arith.constant 0 : index
    %swap3A_20 = vector.load %arg4[%swap3A_18, %swap3A_19] : memref<1000x1xf32, #tpu.memory_space<vmem>>, vector<1000x1xf32>
    tpu.vector_store %arg4[%swap3A_18, %swap3A_19], %add3A_11 {strides = array<i32>} : memref<1000x1xf32, #tpu.memory_space<vmem>>, vector<1000x1xf32>,
    return
  }
  func.func @transform_0(%arg0: i32) -> (i32, i32, i32) {
    %c0_i32 = arith.constant 0 : i32
    %c0_i32_0 = arith.constant 0 : i32
    %c0_i32_1 = arith.constant 0 : i32
    return %c0_i32, %arg0, %c0_i32_0 : i32, i32, i32
  }
  func.func @transform_1(%arg0: i32) -> (i32, i32) {
    %c0_i32 = arith.constant 0 : i32
    %c0_i32_0 = arith.constant 0 : i32
    return %arg0, %c0_i32 : i32, i32
  }
  func.func @transform_2(%arg0: i32) -> (i32, i32) {
    %c0_i32 = arith.constant 0 : i32
    %c0_i32_0 = arith.constant 0 : i32
    return %arg0, %c0_i32 : i32, i32
  }
  func.func @transform_3(%arg0: i32) -> (i32, i32) {
    %c0_i32 = arith.constant 0 : i32
    %c0_i32_0 = arith.constant 0 : i32
    return %arg0, %c0_i32 : i32, i32
  }
}

module attributes {stable_mosaic.version = 14 : i64} {
  func.func @body(%arg0: i32, %arg1: memref<2x1000x128xf32, #tpu.memory_space<vmem>>, %arg2: memref<1000x1xf32, #tpu.memory_space<vmem>>, %arg3: memref<1000x128xf32, #tpu.memory_space<vmem>>, %arg4: memref<1x128xf32, #tpu.memory_space<vmem>>, %arg5: memref<128x64xf32, #tpu.memory_space<vmem>>, %arg6: memref<1000x64xf32, #tpu.memory_space<vmem>>) attributes {dimension_semantics = [#tpu.dimension_semantics<arbitrary>], iteration_bounds = array<i64: 10>, scalar_prefetch = 0 : i64, scratch_operands = 0 : i64, tpu.core_type = #tpu.core_type<tc>, window_params = [{transform_indices = @transform_0, window_bounds = array<i64: 2, 1000, 128>}, {transform_indices = @transform_1, window_bounds = array<i64: 1000, 1>}, {transform_indices = @transform_2, window_bounds = array<i64: 1000, 128>}, {pipeline_mode = #tpu.pipeline_mode<synchronous>, transform_indices = @transform_3, window_bounds = array<i64: 1, 128>}, {pipeline_mode = #tpu.pipeline_mode<synchronous>, transform_indices = @transform_4, window_bounds = array<i64: 128, 64>}, {transform_indices = @transform_5, window_bounds = array<i64: 1000, 64>}]} {
    %get3A = arith.constant 0 : index
    %get3A_0 = arith.constant 0 : index
    %get3A_1 = vector.load %arg2[%get3A, %get3A_0] : memref<1000x1xf32, #tpu.memory_space<vmem>>, vector<1000x1xf32>
    %rsqrt3A = math.rsqrt %get3A_1 : vector<1000x1xf32>
    %get3A_2 = arith.constant 0 : index
    %get3A_3 = arith.constant 0 : index
    %get3A_4 = arith.constant 0 : index
    %get3A_5 = vector.load %arg1[%get3A_2, %get3A_3, %get3A_4] : memref<2x1000x128xf32, #tpu.memory_space<vmem>>, vector<1x1000x128xf32>
    %get3A_6 = vector.shape_cast %get3A_5 : vector<1x1000x128xf32> to vector<1000x128xf32>
    %get3A_7 = arith.constant 1 : index
    %get3A_8 = arith.constant 0 : index
    %get3A_9 = arith.constant 0 : index
    %get3A_10 = vector.load %arg1[%get3A_7, %get3A_8, %get3A_9] : memref<2x1000x128xf32, #tpu.memory_space<vmem>>, vector<1x1000x128xf32>
    %get3A_11 = vector.shape_cast %get3A_10 : vector<1x1000x128xf32> to vector<1000x128xf32>
    %add3A = arith.addf %get3A_6, %get3A_11 : vector<1000x128xf32>
    %get3A_12 = arith.constant 0 : index
    %get3A_13 = arith.constant 0 : index
    %get3A_14 = vector.load %arg3[%get3A_12, %get3A_13] : memref<1000x128xf32, #tpu.memory_space<vmem>>, vector<1000x128xf32>
    %add3A_15 = arith.addf %add3A, %get3A_14 : vector<1000x128xf32>
    %mul3A = vector.broadcast %rsqrt3A : vector<1000x1xf32> to vector<1000x128xf32>
    %mul3A_16 = arith.mulf %add3A_15, %mul3A : vector<1000x128xf32>
    %get3A_17 = arith.constant 0 : index
    %get3A_18 = arith.constant 0 : index
    %get3A_19 = vector.load %arg4[%get3A_17, %get3A_18] : memref<1x128xf32, #tpu.memory_space<vmem>>, vector<1x128xf32>
    %add3A_20 = vector.broadcast %get3A_19 : vector<1x128xf32> to vector<1000x128xf32>
    %add3A_21 = arith.addf %mul3A_16, %add3A_20 : vector<1000x128xf32>
    %max3A = arith.constant 0.000000e+00 : f32
    %max3A_22 = vector.broadcast %max3A : f32 to vector<1000x128xf32>
    %max3A_23 = arith.maximumf %add3A_21, %max3A_22 : vector<1000x128xf32>
    %get3A_24 = arith.constant 0 : index
    %get3A_25 = arith.constant 0 : index
    %get3A_26 = vector.load %arg5[%get3A_24, %get3A_25] : memref<128x64xf32, #tpu.memory_space<vmem>>, vector<128x64xf32>
    %dot_general3A = arith.constant dense<0.000000e+00> : vector<1000x64xf32>
    %dot_general3A_27 = tpu.matmul %max3A_23, %get3A_26, %dot_general3A {dimension_numbers = #tpu.dot_dimension_numbers<[1], [0], [0], [1], [0, 0, 1, 1], [], []>, transpose_lhs_hint = false} : vector<1000x128xf32>, vector<128x64xf32>, vector<1000x64xf32> -> vector<1000x64xf32>
    %mul3A_28 = vector.broadcast %rsqrt3A : vector<1000x1xf32> to vector<1000x64xf32>
    %mul3A_29 = arith.mulf %dot_general3A_27, %mul3A_28 : vector<1000x64xf32>
    %swap3A = arith.constant 0 : index
    %swap3A_30 = arith.constant 0 : index
    %swap3A_31 = vector.load %arg6[%swap3A, %swap3A_30] : memref<1000x64xf32, #tpu.memory_space<vmem>>, vector<1000x64xf32>
    tpu.vector_store %arg6[%swap3A, %swap3A_30], %mul3A_29 {strides = array<i32>} : memref<1000x64xf32, #tpu.memory_space<vmem>>, vector<1000x64xf32>,
    return
  }
  func.func @transform_0(%arg0: i32) -> (i32, i32, i32) {
    %c0_i32 = arith.constant 0 : i32
    %c0_i32_0 = arith.constant 0 : i32
    %c0_i32_1 = arith.constant 0 : i32
    return %c0_i32, %arg0, %c0_i32_0 : i32, i32, i32
  }
  func.func @transform_1(%arg0: i32) -> (i32, i32) {
    %c0_i32 = arith.constant 0 : i32
    %c0_i32_0 = arith.constant 0 : i32
    return %arg0, %c0_i32 : i32, i32
  }
  func.func @transform_2(%arg0: i32) -> (i32, i32) {
    %c0_i32 = arith.constant 0 : i32
    %c0_i32_0 = arith.constant 0 : i32
    return %arg0, %c0_i32 : i32, i32
  }
  func.func @transform_3(%arg0: i32) -> (i32, i32) {
    %c0_i32 = arith.constant 0 : i32
    %c0_i32_0 = arith.constant 0 : i32
    %c0_i32_1 = arith.constant 0 : i32
    return %c0_i32, %c0_i32_0 : i32, i32
  }
  func.func @transform_4(%arg0: i32) -> (i32, i32) {
    %c0_i32 = arith.constant 0 : i32
    %c0_i32_0 = arith.constant 0 : i32
    %c0_i32_1 = arith.constant 0 : i32
    return %c0_i32, %c0_i32_0 : i32, i32
  }
  func.func @transform_5(%arg0: i32) -> (i32, i32) {
    %c0_i32 = arith.constant 0 : i32
    %c0_i32_0 = arith.constant 0 : i32
    return %arg0, %c0_i32 : i32, i32
  }
}

module attributes {stable_mosaic.version = 14 : i64} {
  func.func @body(%arg0: i32, %arg1: memref<2x1000x64xf32, #tpu.memory_space<vmem>>, %arg2: memref<1000x1xf32, #tpu.memory_space<vmem>>, %arg3: memref<1000x64xf32, #tpu.memory_space<vmem>>, %arg4: memref<1x64xf32, #tpu.memory_space<vmem>>, %arg5: memref<1000x64xf32, #tpu.memory_space<vmem>>) attributes {dimension_semantics = [#tpu.dimension_semantics<arbitrary>], iteration_bounds = array<i64: 10>, scalar_prefetch = 0 : i64, scratch_operands = 0 : i64, tpu.core_type = #tpu.core_type<tc>, window_params = [{transform_indices = @transform_0, window_bounds = array<i64: 2, 1000, 64>}, {transform_indices = @transform_1, window_bounds = array<i64: 1000, 1>}, {transform_indices = @transform_2, window_bounds = array<i64: 1000, 64>}, {pipeline_mode = #tpu.pipeline_mode<synchronous>, transform_indices = @transform_3, window_bounds = array<i64: 1, 64>}, {transform_indices = @transform_4, window_bounds = array<i64: 1000, 64>}]} {
    %get3A = arith.constant 0 : index
    %get3A_0 = arith.constant 0 : index
    %get3A_1 = vector.load %arg2[%get3A, %get3A_0] : memref<1000x1xf32, #tpu.memory_space<vmem>>, vector<1000x1xf32>
    %rsqrt3A = math.rsqrt %get3A_1 : vector<1000x1xf32>
    %get3A_2 = arith.constant 0 : index
    %get3A_3 = arith.constant 0 : index
    %get3A_4 = arith.constant 0 : index
    %get3A_5 = vector.load %arg1[%get3A_2, %get3A_3, %get3A_4] : memref<2x1000x64xf32, #tpu.memory_space<vmem>>, vector<1x1000x64xf32>
    %get3A_6 = vector.shape_cast %get3A_5 : vector<1x1000x64xf32> to vector<1000x64xf32>
    %get3A_7 = arith.constant 1 : index
    %get3A_8 = arith.constant 0 : index
    %get3A_9 = arith.constant 0 : index
    %get3A_10 = vector.load %arg1[%get3A_7, %get3A_8, %get3A_9] : memref<2x1000x64xf32, #tpu.memory_space<vmem>>, vector<1x1000x64xf32>
    %get3A_11 = vector.shape_cast %get3A_10 : vector<1x1000x64xf32> to vector<1000x64xf32>
    %add3A = arith.addf %get3A_6, %get3A_11 : vector<1000x64xf32>
    %get3A_12 = arith.constant 0 : index
    %get3A_13 = arith.constant 0 : index
    %get3A_14 = vector.load %arg3[%get3A_12, %get3A_13] : memref<1000x64xf32, #tpu.memory_space<vmem>>, vector<1000x64xf32>
    %add3A_15 = arith.addf %add3A, %get3A_14 : vector<1000x64xf32>
    %mul3A = vector.broadcast %rsqrt3A : vector<1000x1xf32> to vector<1000x64xf32>
    %mul3A_16 = arith.mulf %add3A_15, %mul3A : vector<1000x64xf32>
    %get3A_17 = arith.constant 0 : index
    %get3A_18 = arith.constant 0 : index
    %get3A_19 = vector.load %arg4[%get3A_17, %get3A_18] : memref<1x64xf32, #tpu.memory_space<vmem>>, vector<1x64xf32>
    %add3A_20 = vector.broadcast %get3A_19 : vector<1x64xf32> to vector<1000x64xf32>
    %add3A_21 = arith.addf %mul3A_16, %add3A_20 : vector<1000x64xf32>
    %swap3A = arith.constant 0 : index
    %swap3A_22 = arith.constant 0 : index
    %swap3A_23 = vector.load %arg5[%swap3A, %swap3A_22] : memref<1000x64xf32, #tpu.memory_space<vmem>>, vector<1000x64xf32>
    tpu.vector_store %arg5[%swap3A, %swap3A_22], %add3A_21 {strides = array<i32>} : memref<1000x64xf32, #tpu.memory_space<vmem>>, vector<1000x64xf32>,
    return
  }
  func.func @transform_0(%arg0: i32) -> (i32, i32, i32) {
    %c0_i32 = arith.constant 0 : i32
    %c0_i32_0 = arith.constant 0 : i32
    %c0_i32_1 = arith.constant 0 : i32
    return %c0_i32, %arg0, %c0_i32_0 : i32, i32, i32
  }
  func.func @transform_1(%arg0: i32) -> (i32, i32) {
    %c0_i32 = arith.constant 0 : i32
    %c0_i32_0 = arith.constant 0 : i32
    return %arg0, %c0_i32 : i32, i32
  }
  func.func @transform_2(%arg0: i32) -> (i32, i32) {
    %c0_i32 = arith.constant 0 : i32
    %c0_i32_0 = arith.constant 0 : i32
    return %arg0, %c0_i32 : i32, i32
  }
  func.func @transform_3(%arg0: i32) -> (i32, i32) {
    %c0_i32 = arith.constant 0 : i32
    %c0_i32_0 = arith.constant 0 : i32
    %c0_i32_1 = arith.constant 0 : i32
    return %c0_i32, %c0_i32_0 : i32, i32
  }
  func.func @transform_4(%arg0: i32) -> (i32, i32) {
    %c0_i32 = arith.constant 0 : i32
    %c0_i32_0 = arith.constant 0 : i32
    return %arg0, %c0_i32 : i32, i32
  }
}

</mosaic_0001>

<sc_bundles>
// kernel: kernel.12.cloned.1.call-start
scs
__scs_entry_jumppad:
0x0: {  	(pc) =	sbr.rel $0x88, $3  }
0x1: {  	(tag) =	ssettag $0x0;
	lr =	simm.s32 $0x1  }
0x2: {  	[smem:$0x3F9B] =	sst lr;
	_ =	strace $0xD0000000  }
0x3: {  	_ = 	snop  }
0x4: {  	_ = 	snop  }
0x5: {  	_ = 	snop  }
0x6: {  	_ = 	snop  }
0x7: {  	_ = 	snop  }
__scs_overlays_trampoline_lowered:
0x8: {  	[smem:$0x3FAA] =	sst s0  }
0x9: {  	[smem:$0x3FAB] =	sst s1  }
0xa: {  	[smem:$0x3FAC] =	sst s2  }
0xb: {  	[smem:$0x3FAD] =	sst s3  }
0xc: {  	[smem:$0x3FAE] =	sst s4  }
0xd: {  	[smem:$0x3FAF] =	sst s5  }
0xe: {  	[smem:$0x3FB0] =	sst s6  }
0xf: {  	[smem:$0x3FB1] =	sst s7  }
0x10: {  	[smem:$0x3FB2] =	sst s8  }
0x11: {  	[smem:$0x3FB3] =	sst s9;
	s0 =	simm.s32 @!p0 $0x0  }
0x12: {  	s1 =	sld [smem:$0x3F99];
	s0 =	simm.s32 @p0 $0x1  }
0x13: {  	[smem:$0x3FB4] =	sst s0;
	s0 =	simm.s32 @!p1 $0x0  }
0x14: {  	s2 =	sld [smem:$0x3F98];
	s0 =	simm.s32 @p1 $0x1  }
0x15: {  	[smem:$0x3FB5] =	sst s0;
	s0 =	simm.s32 @!p2 $0x0  }
0x16: {  	s3 =	sld [smem:$0x3FDB];
	s0 =	simm.s32 @p2 $0x1  }
0x17: {  	s4 =	simm.s32 $0x1BF5;
	[smem:$0x3FB7] =	sst s0  }
0x18: {  	s0 =	sld [smem:$0x3F9A];
	_ =	swait.ge [sflag:s4], $0x0  }
0x19: {  	s7 =	sld [smem:$0x3F9B]  }
0x1a: {  	s8 =	sadd.s32 $0xFFFFE003, lr  }
0x1b: {  	s9 =	sadd.s32 $0xFFFFFEF7, lr;
	s5 =	simm.s32 $0xFFFFFFFF;
	p2 =	slt.u32 s8, $0xFFFFF086  }
0x1c: {  	p1 =	slt.u32 s9, $0xF7A;
	s5 =	simm.s32 @!p2 $0x0  }
0x1d: {  	s5 =	simm.s32 @p1 $0x1;
	p0 =	seq.s32 s7, s2  }
0x1e: {  	s7 =	smul.u32 @!p0 $0xF7A, s2;
	p2 =	seq.s32 @!p0 s5, $0x0  }
0x1f: {  	s9 =	smul.u32 $0xF7A, s1;
	s8 =	simm.s32 @!p0 $0x1BF5;
	p2 =	por !p2, p0  }
0x20: {  	[sflag:s8] =	ssyncset.s32 @!p0 $0xFFFFF086;
	s6 =	sadd.s32 @!p0 s3, s7;
	s7 =	simm.s32 @!p0 $0x108  }
0x21: {  	s3 =	sadd.s32 s3, s9;
	s6 =	sadd.s32 @!p0 $0x88, s6;
	s7 =	simm.s32 @p2 $0x1082  }
0x22: {  	[simem:s7], [sflag:s8] =	dma.local @!p0 [hbm:s6], $0xF7A  }
0x23: {  	s9 =	sor.u32 $0xD0000000, s2;
	s6 =	simm.s32 $0x108;
	_ =	swait.ge @!p0 [sflag:s8], $0x0  }
0x24: {  	s3 =	sadd.s32 $0x88, s3;
	s6 =	simm.s32 @!p1 $0x1082;
	[sflag:s4] =	ssyncset.s32 $0xFFFFF086  }
0x25: {  	[simem:s6], [sflag:s4] =	dma.local [hbm:s3], $0xF7A  }
0x26: {  	[smem:$0x3F9B] =	sst s1;
	(tag) =	ssettag s2;
	_ =	strace s9  }
0x27: {  	s1 =	sld [smem:$0x3FAB]  }
0x28: {  	s2 =	sld [smem:$0x3FAC]  }
0x29: {  	s4 =	sld [smem:$0x3FAE]  }
0x2a: {  	p0 =	seq.s32 s5, $0x0;
	s5 =	sld [smem:$0x3FAF]  }
0x2b: {  	s6 =	sld [smem:$0x3FB0]  }
0x2c: {  	s7 =	sld [smem:$0x3FB1]  }
0x2d: {  	s3 =	simm.s32 $0x108;
	s8 =	sld [smem:$0x3FB2]  }
0x2e: {  	s3 =	simm.s32 @!p0 $0x1082;
	s9 =	sld [smem:$0x3FB3]  }
0x2f: {  	lr =	sadd.s32 s0, s3;
	s0 =	sld [smem:$0x3FAA]  }
0x30: {  	s3 =	sld [smem:$0x3FAD]  }
0x31: {  	[smem:$0x3FB6] =	sst s10  }
0x32: {  	s10 =	sld [smem:$0x3FB4];
	_ =	sdelay $0x3  }
0x33: {  	p0 =	seq.s32 s10, $0x1;
	s10 =	sld [smem:$0x3FB6];
	_ =	sdelay $0x3  }
0x34: {  	[smem:$0x3FB6] =	sst s10  }
0x35: {  	s10 =	sld [smem:$0x3FB5];
	_ =	sdelay $0x3  }
0x36: {  	p1 =	seq.s32 s10, $0x1;
	s10 =	sld [smem:$0x3FB6];
	_ =	sdelay $0x3  }
0x37: {  	[smem:$0x3FB6] =	sst s10  }
0x38: {  	s10 =	sld [smem:$0x3FB7]  }
0x39: {  	_ = 	snop;
	(pc) =	sbr.ind lr, $3  }
0x3a: {  	_ = 	snop  }
0x3b: {  	_ = 	snop  }
0x3c: {  	p2 =	seq.s32 s10, $0x1;
	s10 =	sld [smem:$0x3FB6]  }
0x3d: {  	_ =	shalt  }
0x3e: {  	_ =	shalt  }
0x3f: {  	_ =	shalt  }
0x40: {  	_ =	shalt  }
0x41: {  	_ =	shalt  }
0x42: {  	_ =	shalt  }
0x43: {  	_ =	shalt  }
0x44: {  	_ =	shalt  }
0x45: {  	_ =	shalt  }
0x46: {  	_ =	shalt  }
0x47: {  	_ =	shalt  }
0x48: {  	_ =	shalt  }
0x49: {  	_ =	shalt  }
0x4a: {  	_ =	shalt  }
0x4b: {  	_ =	shalt  }
0x4c: {  	_ =	shalt  }
0x4d: {  	_ =	shalt  }
0x4e: {  	_ =	shalt  }
0x4f: {  	_ =	shalt  }
0x50: {  	_ =	shalt  }
0x51: {  	_ =	shalt  }
0x52: {  	_ =	shalt  }
0x53: {  	_ =	shalt  }
0x54: {  	_ =	shalt  }
0x55: {  	_ =	shalt  }
0x56: {  	_ =	shalt  }
0x57: {  	_ =	shalt  }
0x58: {  	_ =	shalt  }
0x59: {  	_ =	shalt  }
0x5a: {  	_ =	shalt  }
0x5b: {  	_ =	shalt  }
0x5c: {  	_ =	shalt  }
0x5d: {  	_ =	shalt  }
0x5e: {  	_ =	shalt  }
0x5f: {  	_ =	shalt  }
0x60: {  	_ =	shalt  }
0x61: {  	_ =	shalt  }
0x62: {  	_ =	shalt  }
0x63: {  	_ =	shalt  }
0x64: {  	_ =	shalt  }
0x65: {  	_ =	shalt  }
0x66: {  	_ =	shalt  }
0x67: {  	_ =	shalt  }
0x68: {  	_ =	shalt  }
0x69: {  	_ =	shalt  }
0x6a: {  	_ =	shalt  }
0x6b: {  	_ =	shalt  }
0x6c: {  	_ =	shalt  }
0x6d: {  	_ =	shalt  }
0x6e: {  	_ =	shalt  }
0x6f: {  	_ =	shalt  }
0x70: {  	_ =	shalt  }
0x71: {  	_ =	shalt  }
0x72: {  	_ =	shalt  }
0x73: {  	_ =	shalt  }
0x74: {  	_ =	shalt  }
0x75: {  	_ =	shalt  }
0x76: {  	_ =	shalt  }
0x77: {  	_ =	shalt  }
0x78: {  	_ =	shalt  }
0x79: {  	_ =	shalt  }
0x7a: {  	_ =	shalt  }
0x7b: {  	_ =	shalt  }
0x7c: {  	_ =	shalt  }
0x7d: {  	_ =	shalt  }
0x7e: {  	_ =	shalt  }
0x7f: {  	_ =	shalt  }
0x80: {  	_ =	shalt  }
0x81: {  	_ =	shalt  }
0x82: {  	_ =	shalt  }
0x83: {  	_ =	shalt  }
0x84: {  	_ =	shalt  }
0x85: {  	_ =	shalt  }
0x86: {  	_ =	shalt  }
0x87: {  	_ =	shalt  }
.Lfunc_end0:
.L_simem_size_0:
called_computation.1_lowered:
.L_overlay_start_0:
0x88: {  	s2 =	sld [smem:$0x3FD9]  }
0x89: {  	s3 =	sld [smem:$0x3FFE];
	_ =	sdelay $0x1  }
0x8a: {  	s1 =	srdreg.scid  }
0x8b: {  	s0 =	sand.u32 $0x1, s1  }
0x8c: {  	s16 =	sshll.u32 s0, $0xA;
	s2 =	sadd.s32 s3, s2  }
0x8d: {  	s2 =	sadd.s32 s2, s16  }
0x8e: {  	[smem:$0x3FC2] =	sst s2  }
0x8f: {  	_ = 	snop  }
0x90: {  	(tm) =	ssettm $0x1  }
0x91: {  	s17 =	sld [smem:$0x3FFB];
	_ =	sdelay $0x3  }
0x92: {  	_ =	strace s17  }
0x93: {  	s2 =	sld [smem:$0x3FFC];
	_ =	sdelay $0x3  }
0x94: {  	_ =	strace s2  }
0x95: {  	s2 =	sld [smem:$0x3FFD];
	_ =	sdelay $0x3  }
0x96: {  	_ =	strace s2  }
0x97: {  	_ =	strace $0x8FFFFFFF  }
0x98: {  	s18 =	sld [smem:$0x3FDB];
	_ =	sdelay $0x1  }
0x99: {  	s19 =	simm.s32 $_scs_section_size  }
0x9a: {  	s4 =	simm.s32 $_size__tile_overlayer_lowered;
	s5 =	simm.s32 $_tile_overlayer_lowered  }
0x9b: {  	s22 =	simm.s32 $0x1BFF;
	s21 =	sshll.u32 s5, $0x1;
	s2 =	sadd.s32 s19, s18  }
0x9c: {  	s6 =	simm.s32 $0x0;
	s20 =	sshll.u32 s4, $0x1;
	s4 =	sadd.s32 s21, s2  }
0x9d: {  	[timem:s6], [sflag:s22] =	dma.local [hbm:s4], s20  }
0x9e: {  	_ =	swait.ge [sflag:s22], s20  }
0x9f: {  	s3 =	ssub.s32 $0x0, s20;
	[sflag:s22] =	ssyncset.done $0x0  }
0xa0: {  	[sflag:s22] =	ssyncadd.s32 s3;
	_ =	sdelay $0x1  }
0xa1: {  	s23 =	simm.s32 $0x1B8B  }
0xa2: {  	_ =	swait.ge [sflag:s23], $0x1  }
0xa3: {  	[sflag:s23] =	ssyncset.done $0x0  }
0xa4: {  	s25 =	simm.s32 $0x1B8E;
	s24 =	sld [smem:$0x3FFE];
	[sflag:s23] =	ssyncadd.s32 $0xFFFFFFFF  }
0xa5: {  	s26 =	simm.s32 $execute0_lowered;
	[smem:$0x3FD2] =	sst s25  }
0xa6: {  	s4 =	sshll.u32 s26, $0x1;
	_ =	strace $0x80000049;
	[dreg:$0x1] =	wrdreg $0xFFFFFFFF  }
0xa7: {  	s28 =	simm.s32 $_size_execute0_lowered;
	s2 =	sadd.s32 s2, s4;
	[dreg:$0x0] =	wrdreg $0x0  }
0xa8: {  	s4 =	sshll.u32 s28, $0x1;
	[dreg:$0x2] =	wrdreg s2  }
0xa9: {  	[dreg:$0x3] =	wrdreg s4  }
0xaa: {  	[dreg:$0x4] =	wrdreg $0xC0  }
0xab: {  	_ =	task [dreg:s6], $0x5FFFF  }
0xac: {  	[dreg:$0x1] =	wrdreg $0xFFFFFFFF  }
0xad: {  	[dreg:$0x0] =	wrdreg $0x60  }
0xae: {  	[dreg:$0x2] =	wrdreg s24  }
0xaf: {  	[dreg:$0x3] =	wrdreg $0xBC000  }
0xb0: {  	[dreg:$0x4] =	wrdreg $0x9  }
0xb1: {  	_ =	task.clear_ibuf [dreg:s6], $0x5FFFF;
	_ =	strace $0x90000049  }
0xb2: {  	s29 =	simm.s32 $0x9;
	_ =	strace $0x8000004B  }
0xb3: {  	_ =	swait.ge [sflag:s29], $0x1  }
0xb4: {  	[sflag:s29] =	ssyncadd.s32 $0xFFFFFFFF  }
0xb5: {  	_ =	strace $0x9000004B  }
0xb6: {  	_ =	sfence  }
0xb7: {  	s30 =	sld [smem:$0x0];
	_ =	sdelay $0x2  }
0xb8: {  	s31 =	sshll.u32 s1, $0xD;
	s1 =	sshrl.u32 s1, $0x2  }
0xb9: {  	s3 =	sand.u32 $0x4000, s31;
	s1 =	sadd.s32 s1, s30  }
0xba: {  	s0 =	sor.u32 s3, s0;
	s1 =	sshll.u32 s1, $0x11  }
0xbb: {  	s0 =	sor.u32 s1, s0  }
0xbc: {  	s0 =	sadd.s32 $0x8F2B, s0  }
0xbd: {  	[sflag:s0] =	ssyncadd.remote.s32 $0x1  }
0xbe: {  	_ =	sfence.sel $0xFFFF  }
0xbf: {  	[dreg:$0x0] =	wrdreg $0xFFFFFFFF;
	(pc) =	sbr.abs _section_cstart, $3  }
0xc0: {  	[dreg:$0x1] =	wrdreg $0xFFFFFFFF  }
0xc1: {  	_ =	task.clear_ibuf [dreg:s6], $0x2FFFF;
	_ =	strace $0x9FFFFFFF  }
0xc2: {  	(tm) =	ssettm $0x7FFFFFFF  }
0xc3: {  	_ =	shalt  }
tec
execute0_lowered:
.L_overlay_start_1:
0x0: {  	(tag) =	ssettag $0x1  }
0x1: {  	s0 =	srdreg.scid;
	s1 =	rddreg [dreg:$0x0]  }
0x2: {  	s20 =	stileid.u32;
	s2 =	rddreg [dreg:$0x1]  }
0x3: {  	s15 =	simm.s32 $0x5;
	s16 =	simm.s32 $0x2800;
	s17 =	simm.s32 $0x40  }
0x4: {  	s18 =	simm.s32 $0x3C00;
	s19 =	simm.s32 $0x5C00;
	s21 =	simm.s32 $0x7C00  }
0x5: {  	s23 =	simm.s32 $0x9C00;
	s28 =	simm.s32 $0x4;
	s30 =	simm.s32 $0x3B40  }
0x6: {  	s31 =	simm.s32 $0x3B80;
	s0 =	sand.u32 $0x1, s0;
	s10 =	smul.u32 $0x13C00, s20  }
0x7: {  	s11 =	sadd.s32 $0xBC00, s1;
	s7 =	smul.u32 $0x4F000, s20;
	s4 =	sadd.s32 $0x15C00, s1  }
0x8: {  	s25 =	sshll.u32 s20, $0x6;
	p0 =	seq.s32 s20, $0xF;
	s3 =	sshll.u32 s0, $0x4  }
0x9: {  	s24 =	ssub.s32 $0x2, s0;
	s0 =	smul.u32 $0x138800, s0;
	s6 =	sor.u32 s20, s3  }
0xa: {  	s3 =	simm.s32 $0x0;
	s5 =	sshrl.u32 s10, $0x3;
	s13 =	sshrl.u32 s24, $0x1  }
0xb: {  	s7 =	sshrl.u32 s7, $0x2;
	s9 =	smul.u32 $0x500, s6;
	[smem:$0x7FF] =	sst s3  }
0xc: {  	s12 =	sadd.s32 s5, s1;
	s13 =	ssub.s32 s24, s13;
	s5 =	sadd.s32 s7, s2  }
0xd: {  	s14 =	smul.u32 $0x2800, s6;
	s7 =	sor.u32 $0x1C05, s25;
	s10 =	sadd.s32 s10, s0  }
0xe: {  	s0 =	sshrl.u32 s0, $0x3;
	s24 =	simm.s32 $0x1;
	s25 =	simm.s32 $0x2  }
0xf: {  	_ =	strace $0x8000004A;
	s6 =	sadd.s32 $0x3CE00, s12;
	s29 =	sshrl.u32 s10, $0x3  }
0x10: {  	s13 =	smax.u32 s13, $0x1;
	s8 =	sadd.s32 s9, s1;
	s1 =	sadd.s32 $0x64600, s1  }
0x11: {  	s9 =	sadd.s32 s11, s9;
	s26 =	sshrl.u32 s14, $0x3;
	s14 =	sshrl.u32 s5, $0x3  }
0x12: {  	s8 =	sadd.s32 $0x1C00, s8;
	s11 =	sadd.s32 s11, s26;
	s0 =	sadd.s32 s1, s0  }
0x13: {  	s26 =	simm.s32 $0x3;
	s10 =	sadd.s32 $0x280, s11;
	s11 =	sadd.s32 s1, s29  }
0x14: {  	s12 =	sadd.s32 $0x25080, s0;
	s1 =	simm.s32 $0x3BC0;
	s0 =	simm.s32 $0x0  }
.LBB2_1:
0x15: {  	[spmem:s14], [sflag:s7] =	dma.local [hbm:s6], $0x2780  }
0x16: {  	_ =	swait.ge [sflag:s15], $0x2780  }
0x17: {  	[sflag:s15] =	ssyncset.done $0x0  }
0x18: {  	[sflag:s15] =	ssyncadd.s32 $0xFFFFD880  }
0x19: {  	[tilespmem:s3], [sflag:$0x5] =	stream.linear.gather [hbm4b:s8+s3], $0x2800, $0x38;
	[tilespmem:$0x1F800] =	vst v63  }
0x1a: {  	_ =	swait.ge [sflag:s15], $0x2800  }
0x1b: {  	[sflag:s15] =	ssyncset.done $0x0  }
0x1c: {  	[sflag:s15] =	ssyncadd.s32 $0xFFFFD800  }
0x1d: {  	[tilespmem:s16], [sflag:$0x5] =	stream.linear.gather [hbm4b:s9+s3], $0x1400, $0x38;
	[tilespmem:$0x1F800] =	vst v63  }
0x1e: {  	_ =	swait.ge [sflag:s15], $0x1400  }
0x1f: {  	[sflag:s15] =	ssyncset.done $0x0  }
0x20: {  	[sflag:s15] =	ssyncadd.s32 $0xFFFFEC00  }
0x21: {  	[bflag:$0x0] =	sbarrier.arrive $0xFFFF  }
0x22: {  	[tilespmem:s18], [sflag:$0x1] =	stream.indirect.gather [hbm4b:s4+s17], $0x80, s3, s17, $0xb8;
	[tilespmem:$0x1F800] =	vst v63  }
0x23: {  	_ = 	snop  }
0x24: {  	[tilespmem:s19], [sflag:$0x2] =	stream.indirect.gather [hbm4b:s4+s17], $0x80, s17, s17, $0xb8;
	[tilespmem:$0x1F800] =	vst v63  }
0x25: {  	s20 =	simm.s32 $0x80  }
0x26: {  	[tilespmem:s21], [sflag:$0x3] =	stream.indirect.gather [hbm4b:s4+s17], $0x80, s20, s17, $0xb8;
	[tilespmem:$0x1F800] =	vst v63  }
0x27: {  	s22 =	simm.s32 $0xC0  }
0x28: {  	[tilespmem:s23], [sflag:$0x4] =	stream.indirect.gather [hbm4b:s4+s17], $0x80, s22, s17, $0xb8;
	[tilespmem:$0x1F800] =	vst v63  }
0x29: {  	_ =	swait.ge [sflag:s24], $0x2000  }
0x2a: {  	[sflag:s24] =	ssyncset.done $0x0  }
0x2b: {  	s29 =	simm.s32 $0x2800;
	[sflag:s24] =	ssyncadd.s32 $0xFFFFE000  }
0x2c: {  	[spmem:s2] =	stream.indirect.scatter.add.f32 [tilespmem:s18], [sflag:$0x5], $0x80, s29, s17, $0xb8;
	[tilespmem:$0x1F800] =	vst v63  }
0x2d: {  	_ =	swait.ge [sflag:s15], $0x2000  }
0x2e: {  	[sflag:s15] =	ssyncset.done $0x0  }
0x2f: {  	s22 =	simm.s32 $0x100;
	[sflag:s15] =	ssyncadd.s32 $0xFFFFE000  }
0x30: {  	[tilespmem:s18], [sflag:$0x1] =	stream.indirect.gather [hbm4b:s4+s17], $0x80, s22, s17, $0xb8;
	[tilespmem:$0x1F800] =	vst v63  }
0x31: {  	_ =	swait.ge [sflag:s25], $0x2000  }
0x32: {  	[sflag:s25] =	ssyncset.done $0x0  }
0x33: {  	s29 =	simm.s32 $0x2840;
	[sflag:s25] =	ssyncadd.s32 $0xFFFFE000  }
0x34: {  	[spmem:s2] =	stream.indirect.scatter.add.f32 [tilespmem:s19], [sflag:$0x5], $0x80, s29, s17, $0xb8;
	[tilespmem:$0x1F800] =	vst v63  }
0x35: {  	_ =	swait.ge [sflag:s15], $0x2000  }
0x36: {  	[sflag:s15] =	ssyncset.done $0x0  }
0x37: {  	s22 =	simm.s32 $0x140;
	[sflag:s15] =	ssyncadd.s32 $0xFFFFE000  }
0x38: {  	[tilespmem:s19], [sflag:$0x2] =	stream.indirect.gather [hbm4b:s4+s17], $0x80, s22, s17, $0xb8;
	[tilespmem:$0x1F800] =	vst v63  }
0x39: {  	_ =	swait.ge [sflag:s26], $0x2000  }
0x3a: {  	[sflag:s26] =	ssyncset.done $0x0  }
0x3b: {  	s29 =	simm.s32 $0x2880;
	[sflag:s26] =	ssyncadd.s32 $0xFFFFE000  }
0x3c: {  	[spmem:s2] =	stream.indirect.scatter.add.f32 [tilespmem:s21], [sflag:$0x5], $0x80, s29, s17, $0xb8;
	[tilespmem:$0x1F800] =	vst v63  }
0x3d: {  	_ =	swait.ge [sflag:s15], $0x2000  }
0x3e: {  	[sflag:s15] =	ssyncset.done $0x0  }
0x3f: {  	s22 =	simm.s32 $0x180;
	[sflag:s15] =	ssyncadd.s32 $0xFFFFE000  }
0x40: {  	[tilespmem:s21], [sflag:$0x3] =	stream.indirect.gather [hbm4b:s4+s17], $0x80, s22, s17, $0xb8;
	[tilespmem:$0x1F800] =	vst v63  }
0x41: {  	_ =	swait.ge [sflag:s28], $0x2000  }
0x42: {  	[sflag:s28] =	ssyncset.done $0x0  }
0x43: {  	s29 =	simm.s32 $0x28C0;
	[sflag:s28] =	ssyncadd.s32 $0xFFFFE000  }
0x44: {  	[spmem:s2] =	stream.indirect.scatter.add.f32 [tilespmem:s23], [sflag:$0x5], $0x80, s29, s17, $0xb8;
	[tilespmem:$0x1F800] =	vst v63  }
0x45: {  	_ =	swait.ge [sflag:s15], $0x2000  }
0x46: {  	[sflag:s15] =	ssyncset.done $0x0  }
0x47: {  	s20 =	simm.s32 $0x400;
	s22 =	simm.s32 $0x1C0;
	[sflag:s15] =	ssyncadd.s32 $0xFFFFE000  }
.LBB2_2:
0x48: {  	[tilespmem:s23], [sflag:$0x4] =	stream.indirect.gather [hbm4b:s4+s17], $0x80, s22, s17, $0xb8;
	[tilespmem:$0x1F800] =	vst v63  }
0x49: {  	s22 =	smov.u32 s20  }
0x4a: {  	p1 =	sne.s32 s20, $0x4C00;
	s20 =	sadd.s32 $0x400, s20;
	_ =	swait.ge [sflag:s24], $0x2000  }
0x4b: {  	s22 =	sshra.s32 s22, $0x2;
	[sflag:s24] =	ssyncset.done $0x0  }
0x4c: {  	s29 =	sadd.s32 $0x2800, s22;
	[sflag:s24] =	ssyncadd.s32 $0xFFFFE000  }
0x4d: {  	[spmem:s2] =	stream.indirect.scatter.add.f32 [tilespmem:s18], [sflag:$0x5], $0x80, s29, s17, $0xb8;
	[tilespmem:$0x1F800] =	vst v63  }
0x4e: {  	_ =	swait.ge [sflag:s15], $0x2000  }
0x4f: {  	[sflag:s15] =	ssyncset.done $0x0  }
0x50: {  	s29 =	sadd.s32 $0x100, s22;
	[sflag:s15] =	ssyncadd.s32 $0xFFFFE000  }
0x51: {  	[tilespmem:s18], [sflag:$0x1] =	stream.indirect.gather [hbm4b:s4+s17], $0x80, s29, s17, $0xb8;
	[tilespmem:$0x1F800] =	vst v63  }
0x52: {  	_ =	swait.ge [sflag:s25], $0x2000  }
0x53: {  	[sflag:s25] =	ssyncset.done $0x0  }
0x54: {  	s29 =	sadd.s32 $0x2840, s22;
	[sflag:s25] =	ssyncadd.s32 $0xFFFFE000  }
0x55: {  	[spmem:s2] =	stream.indirect.scatter.add.f32 [tilespmem:s19], [sflag:$0x5], $0x80, s29, s17, $0xb8;
	[tilespmem:$0x1F800] =	vst v63  }
0x56: {  	_ =	swait.ge [sflag:s15], $0x2000  }
0x57: {  	[sflag:s15] =	ssyncset.done $0x0  }
0x58: {  	s29 =	sadd.s32 $0x140, s22;
	[sflag:s15] =	ssyncadd.s32 $0xFFFFE000  }
0x59: {  	[tilespmem:s19], [sflag:$0x2] =	stream.indirect.gather [hbm4b:s4+s17], $0x80, s29, s17, $0xb8;
	[tilespmem:$0x1F800] =	vst v63  }
0x5a: {  	_ =	swait.ge [sflag:s26], $0x2000  }
0x5b: {  	[sflag:s26] =	ssyncset.done $0x0  }
0x5c: {  	s29 =	sadd.s32 $0x2880, s22;
	[sflag:s26] =	ssyncadd.s32 $0xFFFFE000  }
0x5d: {  	[spmem:s2] =	stream.indirect.scatter.add.f32 [tilespmem:s21], [sflag:$0x5], $0x80, s29, s17, $0xb8;
	[tilespmem:$0x1F800] =	vst v63  }
0x5e: {  	_ =	swait.ge [sflag:s15], $0x2000  }
0x5f: {  	[sflag:s15] =	ssyncset.done $0x0  }
0x60: {  	s29 =	sadd.s32 $0x180, s22;
	[sflag:s15] =	ssyncadd.s32 $0xFFFFE000  }
0x61: {  	[tilespmem:s21], [sflag:$0x3] =	stream.indirect.gather [hbm4b:s4+s17], $0x80, s29, s17, $0xb8;
	[tilespmem:$0x1F800] =	vst v63  }
0x62: {  	_ =	swait.ge [sflag:s28], $0x2000  }
0x63: {  	[sflag:s28] =	ssyncset.done $0x0  }
.Ltmp0:
0x64: {  	s29 =	sadd.s32 $0x28C0, s22;
	[sflag:s28] =	ssyncadd.s32 $0xFFFFE000;
	(pc) =	sbr.rel @p1 .LBB2_2-.Ltmp0, $4  }
0x65: {  	[spmem:s2] =	stream.indirect.scatter.add.f32 [tilespmem:s23], [sflag:$0x5], $0x80, s29, s17, $0xb8;
	[tilespmem:$0x1F800] =	vst v63  }
0x66: {  	_ =	swait.ge [sflag:s15], $0x2000  }
0x67: {  	[sflag:s15] =	ssyncset.done $0x0  }
0x68: {  	s22 =	sadd.s32 $0x1C0, s22;
	[sflag:s15] =	ssyncadd.s32 $0xFFFFE000  }
0x69: {  	[tilespmem:s23], [sflag:$0x4] =	stream.indirect.gather [hbm4b:s4+s17], $0x80, s22, s17, $0xb8;
	[tilespmem:$0x1F800] =	vst v63  }
0x6a: {  	s20 =	simm.s32 $0x0  }
0x6b: {  	[tilespmem:s16], [sflag:$0x5] =	stream.linear.gather [hbm4b:s10+s20], $0x1400, $0x38;
	[tilespmem:$0x1F800] =	vst v63  }
0x6c: {  	_ =	swait.ge [sflag:s15], $0x1400  }
0x6d: {  	[sflag:s15] =	ssyncset.done $0x0  }
0x6e: {  	[sflag:s15] =	ssyncadd.s32 $0xFFFFEC00  }
0x6f: {  	_ =	swait.ge [sflag:s24], $0x2000  }
0x70: {  	[sflag:s24] =	ssyncset.done $0x0  }
0x71: {  	s29 =	simm.s32 $0x2800;
	[sflag:s24] =	ssyncadd.s32 $0xFFFFE000  }
0x72: {  	[spmem:s2] =	stream.indirect.scatter.add.f32 [tilespmem:s18], [sflag:$0x5], $0x80, s29, s17, $0xb8;
	[tilespmem:$0x1F800] =	vst v63  }
0x73: {  	_ =	swait.ge [sflag:s15], $0x2000  }
0x74: {  	[sflag:s15] =	ssyncset.done $0x0  }
0x75: {  	s22 =	simm.s32 $0x1500;
	[sflag:s15] =	ssyncadd.s32 $0xFFFFE000  }
0x76: {  	[tilespmem:s18], [sflag:$0x1] =	stream.indirect.gather [hbm4b:s4+s17], $0x80, s22, s17, $0xb8;
	[tilespmem:$0x1F800] =	vst v63  }
0x77: {  	_ =	swait.ge [sflag:s25], $0x2000  }
0x78: {  	[sflag:s25] =	ssyncset.done $0x0  }
0x79: {  	s29 =	simm.s32 $0x2840;
	[sflag:s25] =	ssyncadd.s32 $0xFFFFE000  }
0x7a: {  	[spmem:s2] =	stream.indirect.scatter.add.f32 [tilespmem:s19], [sflag:$0x5], $0x80, s29, s17, $0xb8;
	[tilespmem:$0x1F800] =	vst v63  }
0x7b: {  	_ =	swait.ge [sflag:s15], $0x2000  }
0x7c: {  	[sflag:s15] =	ssyncset.done $0x0  }
0x7d: {  	s22 =	simm.s32 $0x1540;
	[sflag:s15] =	ssyncadd.s32 $0xFFFFE000  }
0x7e: {  	[tilespmem:s19], [sflag:$0x2] =	stream.indirect.gather [hbm4b:s4+s17], $0x80, s22, s17, $0xb8;
	[tilespmem:$0x1F800] =	vst v63  }
0x7f: {  	_ =	swait.ge [sflag:s26], $0x2000  }
0x80: {  	[sflag:s26] =	ssyncset.done $0x0  }
0x81: {  	s29 =	simm.s32 $0x2880;
	[sflag:s26] =	ssyncadd.s32 $0xFFFFE000  }
0x82: {  	[spmem:s2] =	stream.indirect.scatter.add.f32 [tilespmem:s21], [sflag:$0x5], $0x80, s29, s17, $0xb8;
	[tilespmem:$0x1F800] =	vst v63  }
0x83: {  	_ =	swait.ge [sflag:s15], $0x2000  }
0x84: {  	[sflag:s15] =	ssyncset.done $0x0  }
0x85: {  	s22 =	simm.s32 $0x1580;
	[sflag:s15] =	ssyncadd.s32 $0xFFFFE000  }
0x86: {  	[tilespmem:s21], [sflag:$0x3] =	stream.indirect.gather [hbm4b:s4+s17], $0x80, s22, s17, $0xb8;
	[tilespmem:$0x1F800] =	vst v63  }
0x87: {  	_ =	swait.ge [sflag:s28], $0x2000  }
0x88: {  	[sflag:s28] =	ssyncset.done $0x0  }
0x89: {  	s29 =	simm.s32 $0x28C0;
	[sflag:s28] =	ssyncadd.s32 $0xFFFFE000  }
0x8a: {  	[spmem:s2] =	stream.indirect.scatter.add.f32 [tilespmem:s23], [sflag:$0x5], $0x80, s29, s17, $0xb8;
	[tilespmem:$0x1F800] =	vst v63  }
0x8b: {  	_ =	swait.ge [sflag:s15], $0x2000  }
0x8c: {  	[sflag:s15] =	ssyncset.done $0x0  }
0x8d: {  	s20 =	simm.s32 $0x400;
	s22 =	simm.s32 $0x15C0;
	[sflag:s15] =	ssyncadd.s32 $0xFFFFE000  }
.LBB2_4:
0x8e: {  	[tilespmem:s23], [sflag:$0x4] =	stream.indirect.gather [hbm4b:s4+s17], $0x80, s22, s17, $0xb8;
	[tilespmem:$0x1F800] =	vst v63  }
0x8f: {  	s22 =	smov.u32 s20  }
0x90: {  	p1 =	sne.s32 s20, $0x4800;
	s20 =	sadd.s32 $0x400, s20;
	_ =	swait.ge [sflag:s24], $0x2000  }
0x91: {  	s22 =	sshra.s32 s22, $0x2;
	[sflag:s24] =	ssyncset.done $0x0  }
0x92: {  	s29 =	sadd.s32 $0x2800, s22;
	[sflag:s24] =	ssyncadd.s32 $0xFFFFE000  }
0x93: {  	[spmem:s2] =	stream.indirect.scatter.add.f32 [tilespmem:s18], [sflag:$0x5], $0x80, s29, s17, $0xb8;
	[tilespmem:$0x1F800] =	vst v63  }
0x94: {  	_ =	swait.ge [sflag:s15], $0x2000  }
0x95: {  	[sflag:s15] =	ssyncset.done $0x0  }
0x96: {  	s29 =	sadd.s32 $0x1500, s22;
	[sflag:s15] =	ssyncadd.s32 $0xFFFFE000  }
0x97: {  	[tilespmem:s18], [sflag:$0x1] =	stream.indirect.gather [hbm4b:s4+s17], $0x80, s29, s17, $0xb8;
	[tilespmem:$0x1F800] =	vst v63  }
0x98: {  	_ =	swait.ge [sflag:s25], $0x2000  }
0x99: {  	[sflag:s25] =	ssyncset.done $0x0  }
0x9a: {  	s29 =	sadd.s32 $0x2840, s22;
	[sflag:s25] =	ssyncadd.s32 $0xFFFFE000  }
0x9b: {  	[spmem:s2] =	stream.indirect.scatter.add.f32 [tilespmem:s19], [sflag:$0x5], $0x80, s29, s17, $0xb8;
	[tilespmem:$0x1F800] =	vst v63  }
0x9c: {  	_ =	swait.ge [sflag:s15], $0x2000  }
0x9d: {  	[sflag:s15] =	ssyncset.done $0x0  }
0x9e: {  	s29 =	sadd.s32 $0x1540, s22;
	[sflag:s15] =	ssyncadd.s32 $0xFFFFE000  }
0x9f: {  	[tilespmem:s19], [sflag:$0x2] =	stream.indirect.gather [hbm4b:s4+s17], $0x80, s29, s17, $0xb8;
	[tilespmem:$0x1F800] =	vst v63  }
0xa0: {  	_ =	swait.ge [sflag:s26], $0x2000  }
0xa1: {  	[sflag:s26] =	ssyncset.done $0x0  }
0xa2: {  	s29 =	sadd.s32 $0x2880, s22;
	[sflag:s26] =	ssyncadd.s32 $0xFFFFE000  }
0xa3: {  	[spmem:s2] =	stream.indirect.scatter.add.f32 [tilespmem:s21], [sflag:$0x5], $0x80, s29, s17, $0xb8;
	[tilespmem:$0x1F800] =	vst v63  }
0xa4: {  	_ =	swait.ge [sflag:s15], $0x2000  }
0xa5: {  	[sflag:s15] =	ssyncset.done $0x0  }
0xa6: {  	s29 =	sadd.s32 $0x1580, s22;
	[sflag:s15] =	ssyncadd.s32 $0xFFFFE000  }
0xa7: {  	[tilespmem:s21], [sflag:$0x3] =	stream.indirect.gather [hbm4b:s4+s17], $0x80, s29, s17, $0xb8;
	[tilespmem:$0x1F800] =	vst v63  }
0xa8: {  	_ =	swait.ge [sflag:s28], $0x2000  }
0xa9: {  	[sflag:s28] =	ssyncset.done $0x0  }
.Ltmp1:
0xaa: {  	s29 =	sadd.s32 $0x28C0, s22;
	[sflag:s28] =	ssyncadd.s32 $0xFFFFE000;
	(pc) =	sbr.rel @p1 .LBB2_4-.Ltmp1, $4  }
0xab: {  	[spmem:s2] =	stream.indirect.scatter.add.f32 [tilespmem:s23], [sflag:$0x5], $0x80, s29, s17, $0xb8;
	[tilespmem:$0x1F800] =	vst v63  }
0xac: {  	_ =	swait.ge [sflag:s15], $0x2000  }
0xad: {  	[sflag:s15] =	ssyncset.done $0x0  }
0xae: {  	s22 =	sadd.s32 $0x15C0, s22;
	[sflag:s15] =	ssyncadd.s32 $0xFFFFE000  }
0xaf: {  	[tilespmem:s23], [sflag:$0x4] =	stream.indirect.gather [hbm4b:s4+s17], $0x80, s22, s17, $0xb8;
	[tilespmem:$0x1F800] =	vst v63  }
0xb0: {  	_ =	swait.ge [sflag:s24], $0x2000  }
0xb1: {  	[sflag:s24] =	ssyncset.done $0x0  }
0xb2: {  	s20 =	simm.s32 $0x3B00;
	[sflag:s24] =	ssyncadd.s32 $0xFFFFE000  }
0xb3: {  	[spmem:s2] =	stream.indirect.scatter.add.f32 [tilespmem:s18], [sflag:$0x5], $0x80, s20, s17, $0xb8;
	[tilespmem:$0x1F800] =	vst v63  }
0xb4: {  	_ =	swait.ge [sflag:s15], $0x2000  }
0xb5: {  	[sflag:s15] =	ssyncset.done $0x0  }
0xb6: {  	[sflag:s15] =	ssyncadd.s32 $0xFFFFE000  }
0xb7: {  	_ =	swait.ge [sflag:s25], $0x2000  }
0xb8: {  	[sflag:s25] =	ssyncset.done $0x0  }
0xb9: {  	[sflag:s25] =	ssyncadd.s32 $0xFFFFE000  }
0xba: {  	[spmem:s2] =	stream.indirect.scatter.add.f32 [tilespmem:s19], [sflag:$0x5], $0x80, s30, s17, $0xb8;
	[tilespmem:$0x1F800] =	vst v63  }
0xbb: {  	_ =	swait.ge [sflag:s15], $0x2000  }
0xbc: {  	[sflag:s15] =	ssyncset.done $0x0  }
0xbd: {  	[sflag:s15] =	ssyncadd.s32 $0xFFFFE000  }
0xbe: {  	_ =	swait.ge [sflag:s26], $0x2000  }
0xbf: {  	[sflag:s26] =	ssyncset.done $0x0  }
0xc0: {  	[sflag:s26] =	ssyncadd.s32 $0xFFFFE000  }
0xc1: {  	[spmem:s2] =	stream.indirect.scatter.add.f32 [tilespmem:s21], [sflag:$0x5], $0x80, s31, s17, $0xb8;
	[tilespmem:$0x1F800] =	vst v63  }
0xc2: {  	_ =	swait.ge [sflag:s15], $0x2000  }
0xc3: {  	[sflag:s15] =	ssyncset.done $0x0  }
0xc4: {  	[sflag:s15] =	ssyncadd.s32 $0xFFFFE000  }
0xc5: {  	_ =	swait.ge [sflag:s28], $0x2000  }
0xc6: {  	[sflag:s28] =	ssyncset.done $0x0  }
0xc7: {  	[sflag:s28] =	ssyncadd.s32 $0xFFFFE000  }
0xc8: {  	[spmem:s2] =	stream.indirect.scatter.add.f32 [tilespmem:s23], [sflag:$0x5], $0x80, s1, s17, $0xb8;
	[tilespmem:$0x1F800] =	vst v63  }
0xc9: {  	_ =	swait.ge [sflag:s15], $0x2000  }
0xca: {  	[sflag:s15] =	ssyncset.done $0x0  }
0xcb: {  	[sflag:s15] =	ssyncadd.s32 $0xFFFFE000  }
0xcc: {  	s20 =	sshrl.u32 @p0 s5, $0x3;
	[bflag:$0x0] =	sbarrier.arrive $0xFFFF  }
0xcd: {  	[hbm:s12], [sflag:s7] =	dma.local @p0 [spmem:s20], $0x2080  }
0xce: {  	s20 =	simm.s32 @p0 $0x5  }
0xcf: {  	_ =	swait.ge @p0 [sflag:s20], $0x2080  }
0xd0: {  	s0 =	sadd.s32 $0x1, s0;
	[sflag:s20] =	ssyncset.done @p0 $0x0  }
0xd1: {  	p1 =	sne.s32 s0, s13;
	[sflag:s20] =	ssyncadd.s32 @p0 $0xFFFFDF80;
	s20 =	sshrl.u32 @!p0 s5, $0x3  }
0xd2: {  	[hbm:s11], [sflag:s7] =	dma.local @!p0 [spmem:s20], $0x2780  }
.Ltmp2:
0xd3: {  	_ = 	snop;
	(pc) =	sbr.rel @p1 .LBB2_1-.Ltmp2, $4  }
0xd4: {  	s20 =	simm.s32 @!p0 $0x5  }
0xd5: {  	_ =	swait.ge @!p0 [sflag:s20], $0x2780  }
0xd6: {  	[sflag:s20] =	ssyncset.done @!p0 $0x0  }
0xd7: {  	[sflag:s20] =	ssyncadd.s32 @!p0 $0xFFFFD880  }
0xd8: {  	_ =	sfence.sel $0x180000  }
0xd9: {  	[bflag:$0x0] =	sbarrier.arrive $0xFFFF  }
0xda: {  	_ =	strace $0x9000004A  }
0xdb: {  	s0 =	stileid.u32;
	[bflag:$0x2] =	sbarrier.arrive $0xFFFF  }
0xdc: {  	p0 =	sne.s32 s0, $0x0;
	s0 =	rddreg [dreg:$0x2]  }
0xdd: {  	s0 =	sadd.s32 @!p0 $0x100000, s0  }
0xde: {  	[sflag:s0] =	ssyncadd.tile.s32 @!p0 $0x1;
	_ =	shalt  }
.Lfunc_end2:
_tile_overlayer_lowered:
.L_overlay_start_2:
0xdf: {  	(tag) =	ssettag $0x2  }
0xe0: {  	s0 =	rddreg [dreg:$0x0];
	s2 =	stileid.u32  }
0xe1: {  	s1 =	rddreg [dreg:$0x1];
	p0 =	sne.s32 s2, $0x0  }
0xe2: {  	s3 =	rddreg [dreg:$0x2];
	[bflag:$0x3] =	sbarrier.arrive $0xFFFF;
	s2 =	simm.s32 @!p0 $0x1C05  }
0xe3: {  	[timem:s3], [sflag:s2] =	dma.local @!p0 [hbm:s0], s1  }
0xe4: {  	s0 =	simm.s32 @!p0 $0x5  }
0xe5: {  	_ =	swait.ge @!p0 [sflag:s0], s1  }
0xe6: {  	s1 =	ssub.s32 @!p0 $0x0, s1;
	[sflag:s0] =	ssyncset.done @!p0 $0x0  }
0xe7: {  	[sflag:s0] =	ssyncadd.s32 @!p0 s1  }
0xe8: {  	[bflag:$0x3] =	sbarrier.arrive $0xFFFF  }
0xe9: {  	_ =	shalt  }

// kernel: kernel.15.cloned.1.call-start
scs
__scs_entry_jumppad:
0x0: {  	(pc) =	sbr.rel $0x88, $3  }
0x1: {  	(tag) =	ssettag $0x0;
	lr =	simm.s32 $0x1  }
0x2: {  	[smem:$0x3F9B] =	sst lr;
	_ =	strace $0xD0000000  }
0x3: {  	_ = 	snop  }
0x4: {  	_ = 	snop  }
0x5: {  	_ = 	snop  }
0x6: {  	_ = 	snop  }
0x7: {  	_ = 	snop  }
__scs_overlays_trampoline_lowered:
0x8: {  	[smem:$0x3FAA] =	sst s0  }
0x9: {  	[smem:$0x3FAB] =	sst s1  }
0xa: {  	[smem:$0x3FAC] =	sst s2  }
0xb: {  	[smem:$0x3FAD] =	sst s3  }
0xc: {  	[smem:$0x3FAE] =	sst s4  }
0xd: {  	[smem:$0x3FAF] =	sst s5  }
0xe: {  	[smem:$0x3FB0] =	sst s6  }
0xf: {  	[smem:$0x3FB1] =	sst s7  }
0x10: {  	[smem:$0x3FB2] =	sst s8  }
0x11: {  	[smem:$0x3FB3] =	sst s9;
	s0 =	simm.s32 @!p0 $0x0  }
0x12: {  	s1 =	sld [smem:$0x3F99];
	s0 =	simm.s32 @p0 $0x1  }
0x13: {  	[smem:$0x3FB4] =	sst s0;
	s0 =	simm.s32 @!p1 $0x0  }
0x14: {  	s2 =	sld [smem:$0x3F98];
	s0 =	simm.s32 @p1 $0x1  }
0x15: {  	[smem:$0x3FB5] =	sst s0;
	s0 =	simm.s32 @!p2 $0x0  }
0x16: {  	s3 =	sld [smem:$0x3FDB];
	s0 =	simm.s32 @p2 $0x1  }
0x17: {  	s4 =	simm.s32 $0x1BF5;
	[smem:$0x3FB7] =	sst s0  }
0x18: {  	s0 =	sld [smem:$0x3F9A];
	_ =	swait.ge [sflag:s4], $0x0  }
0x19: {  	s7 =	sld [smem:$0x3F9B]  }
0x1a: {  	s8 =	sadd.s32 $0xFFFFE003, lr  }
0x1b: {  	s9 =	sadd.s32 $0xFFFFFEF7, lr;
	s5 =	simm.s32 $0xFFFFFFFF;
	p2 =	slt.u32 s8, $0xFFFFF086  }
0x1c: {  	p1 =	slt.u32 s9, $0xF7A;
	s5 =	simm.s32 @!p2 $0x0  }
0x1d: {  	s5 =	simm.s32 @p1 $0x1;
	p0 =	seq.s32 s7, s2  }
0x1e: {  	s7 =	smul.u32 @!p0 $0xF7A, s2;
	p2 =	seq.s32 @!p0 s5, $0x0  }
0x1f: {  	s9 =	smul.u32 $0xF7A, s1;
	s8 =	simm.s32 @!p0 $0x1BF5;
	p2 =	por !p2, p0  }
0x20: {  	[sflag:s8] =	ssyncset.s32 @!p0 $0xFFFFF086;
	s6 =	sadd.s32 @!p0 s3, s7;
	s7 =	simm.s32 @!p0 $0x108  }
0x21: {  	s3 =	sadd.s32 s3, s9;
	s6 =	sadd.s32 @!p0 $0x88, s6;
	s7 =	simm.s32 @p2 $0x1082  }
0x22: {  	[simem:s7], [sflag:s8] =	dma.local @!p0 [hbm:s6], $0xF7A  }
0x23: {  	s9 =	sor.u32 $0xD0000000, s2;
	s6 =	simm.s32 $0x108;
	_ =	swait.ge @!p0 [sflag:s8], $0x0  }
0x24: {  	s3 =	sadd.s32 $0x88, s3;
	s6 =	simm.s32 @!p1 $0x1082;
	[sflag:s4] =	ssyncset.s32 $0xFFFFF086  }
0x25: {  	[simem:s6], [sflag:s4] =	dma.local [hbm:s3], $0xF7A  }
0x26: {  	[smem:$0x3F9B] =	sst s1;
	(tag) =	ssettag s2;
	_ =	strace s9  }
0x27: {  	s1 =	sld [smem:$0x3FAB]  }
0x28: {  	s2 =	sld [smem:$0x3FAC]  }
0x29: {  	s4 =	sld [smem:$0x3FAE]  }
0x2a: {  	p0 =	seq.s32 s5, $0x0;
	s5 =	sld [smem:$0x3FAF]  }
0x2b: {  	s6 =	sld [smem:$0x3FB0]  }
0x2c: {  	s7 =	sld [smem:$0x3FB1]  }
0x2d: {  	s3 =	simm.s32 $0x108;
	s8 =	sld [smem:$0x3FB2]  }
0x2e: {  	s3 =	simm.s32 @!p0 $0x1082;
	s9 =	sld [smem:$0x3FB3]  }
0x2f: {  	lr =	sadd.s32 s0, s3;
	s0 =	sld [smem:$0x3FAA]  }
0x30: {  	s3 =	sld [smem:$0x3FAD]  }
0x31: {  	[smem:$0x3FB6] =	sst s10  }
0x32: {  	s10 =	sld [smem:$0x3FB4];
	_ =	sdelay $0x3  }
0x33: {  	p0 =	seq.s32 s10, $0x1;
	s10 =	sld [smem:$0x3FB6];
	_ =	sdelay $0x3  }
0x34: {  	[smem:$0x3FB6] =	sst s10  }
0x35: {  	s10 =	sld [smem:$0x3FB5];
	_ =	sdelay $0x3  }
0x36: {  	p1 =	seq.s32 s10, $0x1;
	s10 =	sld [smem:$0x3FB6];
	_ =	sdelay $0x3  }
0x37: {  	[smem:$0x3FB6] =	sst s10  }
0x38: {  	s10 =	sld [smem:$0x3FB7]  }
0x39: {  	_ = 	snop;
	(pc) =	sbr.ind lr, $3  }
0x3a: {  	_ = 	snop  }
0x3b: {  	_ = 	snop  }
0x3c: {  	p2 =	seq.s32 s10, $0x1;
	s10 =	sld [smem:$0x3FB6]  }
0x3d: {  	_ =	shalt  }
0x3e: {  	_ =	shalt  }
0x3f: {  	_ =	shalt  }
0x40: {  	_ =	shalt  }
0x41: {  	_ =	shalt  }
0x42: {  	_ =	shalt  }
0x43: {  	_ =	shalt  }
0x44: {  	_ =	shalt  }
0x45: {  	_ =	shalt  }
0x46: {  	_ =	shalt  }
0x47: {  	_ =	shalt  }
0x48: {  	_ =	shalt  }
0x49: {  	_ =	shalt  }
0x4a: {  	_ =	shalt  }
0x4b: {  	_ =	shalt  }
0x4c: {  	_ =	shalt  }
0x4d: {  	_ =	shalt  }
0x4e: {  	_ =	shalt  }
0x4f: {  	_ =	shalt  }
0x50: {  	_ =	shalt  }
0x51: {  	_ =	shalt  }
0x52: {  	_ =	shalt  }
0x53: {  	_ =	shalt  }
0x54: {  	_ =	shalt  }
0x55: {  	_ =	shalt  }
0x56: {  	_ =	shalt  }
0x57: {  	_ =	shalt  }
0x58: {  	_ =	shalt  }
0x59: {  	_ =	shalt  }
0x5a: {  	_ =	shalt  }
0x5b: {  	_ =	shalt  }
0x5c: {  	_ =	shalt  }
0x5d: {  	_ =	shalt  }
0x5e: {  	_ =	shalt  }
0x5f: {  	_ =	shalt  }
0x60: {  	_ =	shalt  }
0x61: {  	_ =	shalt  }
0x62: {  	_ =	shalt  }
0x63: {  	_ =	shalt  }
0x64: {  	_ =	shalt  }
0x65: {  	_ =	shalt  }
0x66: {  	_ =	shalt  }
0x67: {  	_ =	shalt  }
0x68: {  	_ =	shalt  }
0x69: {  	_ =	shalt  }
0x6a: {  	_ =	shalt  }
0x6b: {  	_ =	shalt  }
0x6c: {  	_ =	shalt  }
0x6d: {  	_ =	shalt  }
0x6e: {  	_ =	shalt  }
0x6f: {  	_ =	shalt  }
0x70: {  	_ =	shalt  }
0x71: {  	_ =	shalt  }
0x72: {  	_ =	shalt  }
0x73: {  	_ =	shalt  }
0x74: {  	_ =	shalt  }
0x75: {  	_ =	shalt  }
0x76: {  	_ =	shalt  }
0x77: {  	_ =	shalt  }
0x78: {  	_ =	shalt  }
0x79: {  	_ =	shalt  }
0x7a: {  	_ =	shalt  }
0x7b: {  	_ =	shalt  }
0x7c: {  	_ =	shalt  }
0x7d: {  	_ =	shalt  }
0x7e: {  	_ =	shalt  }
0x7f: {  	_ =	shalt  }
0x80: {  	_ =	shalt  }
0x81: {  	_ =	shalt  }
0x82: {  	_ =	shalt  }
0x83: {  	_ =	shalt  }
0x84: {  	_ =	shalt  }
0x85: {  	_ =	shalt  }
0x86: {  	_ =	shalt  }
0x87: {  	_ =	shalt  }
.Lfunc_end0:
.L_simem_size_0:
called_computation.2_lowered:
.L_overlay_start_0:
0x88: {  	s2 =	sld [smem:$0x3FD9]  }
0x89: {  	s3 =	sld [smem:$0x3FFE];
	_ =	sdelay $0x1  }
0x8a: {  	s1 =	srdreg.scid  }
0x8b: {  	s0 =	sand.u32 $0x1, s1  }
0x8c: {  	s17 =	sshll.u32 s0, $0xA;
	s2 =	sadd.s32 s3, s2  }
0x8d: {  	s2 =	sadd.s32 s2, s17  }
0x8e: {  	[smem:$0x3FC2] =	sst s2  }
0x8f: {  	_ = 	snop  }
0x90: {  	s2 =	sld [smem:$0x3FD0];
	(tm) =	ssettm $0x1  }
0x91: {  	s18 =	sld [smem:$0x3FFB];
	_ =	sdelay $0x3  }
0x92: {  	_ =	strace s18  }
0x93: {  	s3 =	sld [smem:$0x3FFC];
	_ =	sdelay $0x3  }
0x94: {  	_ =	strace s3  }
0x95: {  	s3 =	sld [smem:$0x3FFD];
	_ =	sdelay $0x3  }
0x96: {  	_ =	strace s3  }
0x97: {  	_ =	strace $0x8FFFFFFF  }
0x98: {  	s19 =	sld [smem:$0x3FDB];
	_ =	sdelay $0x1  }
0x99: {  	s4 =	simm.s32 $_scs_section_size  }
0x9a: {  	s5 =	simm.s32 $_size__tile_overlayer_lowered;
	s6 =	simm.s32 $_tile_overlayer_lowered  }
0x9b: {  	s22 =	simm.s32 $0x1BFF;
	s21 =	sshll.u32 s6, $0x1;
	s3 =	sadd.s32 s4, s19  }
0x9c: {  	s7 =	simm.s32 $0x0;
	s20 =	sshll.u32 s5, $0x1;
	s5 =	sadd.s32 s21, s3  }
0x9d: {  	[timem:s7], [sflag:s22] =	dma.local [hbm:s5], s20  }
0x9e: {  	_ =	swait.ge [sflag:s22], s20  }
0x9f: {  	s4 =	ssub.s32 $0x0, s20;
	[sflag:s22] =	ssyncset.done $0x0  }
0xa0: {  	[sflag:s22] =	ssyncadd.s32 s4;
	_ =	sdelay $0x1  }
0xa1: {  	s23 =	simm.s32 $0x1B8B  }
0xa2: {  	_ =	swait.ge [sflag:s23], $0x1  }
0xa3: {  	[sflag:s23] =	ssyncset.done $0x0  }
0xa4: {  	s25 =	simm.s32 $0x1B8E;
	s24 =	sld [smem:$0x3FFE];
	[sflag:s23] =	ssyncadd.s32 $0xFFFFFFFF  }
0xa5: {  	s26 =	simm.s32 $execute0_lowered;
	[smem:$0x3FD2] =	sst s25  }
0xa6: {  	s5 =	sshll.u32 s26, $0x1;
	_ =	strace $0x8000004C;
	[dreg:$0x1] =	wrdreg $0xFFFFFFFF  }
0xa7: {  	s28 =	simm.s32 $_size_execute0_lowered;
	s3 =	sadd.s32 s3, s5;
	[dreg:$0x0] =	wrdreg $0x0  }
0xa8: {  	s5 =	sshll.u32 s28, $0x1;
	[dreg:$0x2] =	wrdreg s3  }
0xa9: {  	[dreg:$0x3] =	wrdreg s5  }
0xaa: {  	[dreg:$0x4] =	wrdreg $0xC0  }
0xab: {  	_ =	task [dreg:s7], $0x5FFFF  }
0xac: {  	[dreg:$0x1] =	wrdreg $0xFFFFFFFF  }
0xad: {  	[dreg:$0x0] =	wrdreg $0x60  }
0xae: {  	[dreg:$0x2] =	wrdreg s24  }
0xaf: {  	[dreg:$0x3] =	wrdreg s2  }
0xb0: {  	[dreg:$0x4] =	wrdreg $0xBC000  }
0xb1: {  	[dreg:$0x5] =	wrdreg $0x9  }
0xb2: {  	_ =	task.clear_ibuf [dreg:s7], $0x6FFFF;
	_ =	strace $0x9000004C  }
0xb3: {  	s29 =	simm.s32 $0x9;
	_ =	strace $0x8000004E  }
0xb4: {  	_ =	swait.ge [sflag:s29], $0x1  }
0xb5: {  	[sflag:s29] =	ssyncadd.s32 $0xFFFFFFFF  }
0xb6: {  	_ =	strace $0x9000004E  }
0xb7: {  	_ =	sfence  }
0xb8: {  	s30 =	sld [smem:$0x0];
	_ =	sdelay $0x2  }
0xb9: {  	s31 =	sshll.u32 s1, $0xD;
	s1 =	sshrl.u32 s1, $0x2  }
0xba: {  	s3 =	sand.u32 $0x4000, s31;
	s1 =	sadd.s32 s1, s30  }
0xbb: {  	s0 =	sor.u32 s3, s0;
	s1 =	sshll.u32 s1, $0x11  }
0xbc: {  	s0 =	sor.u32 s1, s0  }
0xbd: {  	s0 =	sadd.s32 $0x8F2B, s0  }
0xbe: {  	[sflag:s0] =	ssyncadd.remote.s32 $0x1  }
0xbf: {  	_ =	sfence.sel $0xFFFF  }
0xc0: {  	[dreg:$0x0] =	wrdreg $0xFFFFFFFF;
	(pc) =	sbr.abs _section_cstart, $3  }
0xc1: {  	[dreg:$0x1] =	wrdreg $0xFFFFFFFF  }
0xc2: {  	_ =	task.clear_ibuf [dreg:s7], $0x2FFFF;
	_ =	strace $0x9FFFFFFF  }
0xc3: {  	(tm) =	ssettm $0x7FFFFFFF  }
tec
execute0_lowered:
.L_overlay_start_1:
0x0: {  	(tag) =	ssettag $0x1  }
0x1: {  	s1 =	rddreg [dreg:$0x0]  }
0x2: {  	s0 =	srdreg.scid;
	s3 =	rddreg [dreg:$0x1]  }
0x3: {  	s14 =	stileid.u32;
	s2 =	rddreg [dreg:$0x2];
	s17 =	simm.s32 $0x0  }
0x4: {  	s15 =	simm.s32 $0x9;
	s28 =	simm.s32 $0x8C00;
	s30 =	simm.s32 $0x9C00  }
0x5: {  	s29 =	simm.s32 $0x6;
	s31 =	simm.s32 $0x7;
	s0 =	sand.u32 $0x1, s0  }
0x6: {  	[smem:$0x7FF] =	sst s17;
	s10 =	sadd.s32 $0xBC00, s1;
	s11 =	smul.u32 $0x9E00, s14  }
0x7: {  	s13 =	sshll.u32 s14, $0x6;
	s17 =	simm.s32 $0x40;
	p0 =	seq.s32 s14, $0xF  }
0x8: {  	s4 =	sshll.u32 s0, $0x4;
	_ =	strace $0x8000004D;
	s5 =	ssub.s32 $0x2, s0  }
0x9: {  	s0 =	smul.u32 $0x9C400, s0;
	s6 =	sor.u32 s14, s4;
	s4 =	sadd.s32 $0x15C00, s1  }
0xa: {  	s7 =	sshrl.u32 s5, $0x1;
	s18 =	sadd.s32 s11, s2;
	s8 =	smul.u32 $0x500, s6  }
0xb: {  	s19 =	sshrl.u32 s11, $0x3;
	s12 =	ssub.s32 s5, s7;
	s6 =	smul.u32 $0x2800, s6  }
0xc: {  	s3 =	sadd.s32 s3, s19;
	s7 =	sor.u32 $0x1C09, s13;
	s23 =	sadd.s32 s11, s0  }
0xd: {  	s0 =	sshrl.u32 s0, $0x3;
	[dreg:$0x4] =	wrdreg s18;
	s26 =	sshrl.u32 s18, $0x3  }
0xe: {  	s18 =	simm.s32 $0x3C00;
	s19 =	simm.s32 $0x4C00;
	[dreg:$0x5] =	wrdreg s3  }
0xf: {  	s25 =	smax.u32 s12, $0x1;
	[dreg:$0xd] =	wrdreg s26;
	s26 =	simm.s32 $0x5  }
0x10: {  	[dreg:$0x6] =	wrdreg s7;
	s9 =	sadd.s32 s8, s1;
	s1 =	sadd.s32 $0x29600, s1  }
0x11: {  	s21 =	sadd.s32 s10, s8;
	s22 =	sshrl.u32 s6, $0x3;
	s6 =	sshrl.u32 s23, $0x3  }
0x12: {  	[dreg:$0xc] =	wrdreg s25;
	s23 =	simm.s32 $0x6C00;
	s25 =	simm.s32 $0x7C00  }
0x13: {  	s8 =	simm.s32 $0x0;
	s20 =	sadd.s32 $0x1C00, s9;
	[dreg:$0x8] =	wrdreg s21  }
0x14: {  	s3 =	sadd.s32 s10, s22;
	s24 =	sadd.s32 s1, s6;
	s0 =	sadd.s32 s1, s0  }
.Ltmp0:
0x15: {  	s10 =	simm.s32 $0x2800;
	s21 =	simm.s32 $0x5C00;
	(pc) =	sbr.rel .LBB2_1-.Ltmp0, $4  }
0x16: {  	s1 =	simm.s32 $0xAC00;
	s22 =	simm.s32 $0x3;
	[dreg:$0x7] =	wrdreg s20  }
0x17: {  	s6 =	simm.s32 $0x8;
	s3 =	sadd.s32 $0x280, s3;
	[dreg:$0xa] =	wrdreg s24  }
0x18: {  	s0 =	sadd.s32 $0x12840, s0;
	s20 =	simm.s32 $0x2;
	[dreg:$0x9] =	wrdreg s3  }
0x19: {  	s24 =	simm.s32 $0x4;
	[dreg:$0xb] =	wrdreg s0;
	s0 =	simm.s32 $0x1  }
.LBB2_6:
0x1a: {  	_ =	swait.ge [sflag:s6], $0x1000  }
0x1b: {  	[sflag:s6] =	ssyncset.done $0x0  }
0x1c: {  	[sflag:s6] =	ssyncadd.s32 $0xFFFFF000  }
0x1d: {  	[spmem:s2] =	stream.indirect.scatter.add.f32 [tilespmem:s1], [sflag:$0x9], $0x40, s3, s17, $0xb8;
	[tilespmem:$0x15A00] =	vst v63  }
0x1e: {  	_ =	swait.ge [sflag:s15], $0x1000  }
0x1f: {  	[sflag:s15] =	ssyncset.done $0x0  }
0x20: {  	[sflag:s15] =	ssyncadd.s32 $0xFFFFF000  }
0x21: {  	[bflag:$0x0] =	sbarrier.arrive $0xFFFF  }
0x22: {  	s5 =	rddreg [dreg:$0x4]  }
0x23: {  	s7 =	rddreg [dreg:$0x6]  }
0x24: {  	s9 =	rddreg [dreg:$0xb];
	s3 =	sshrl.u32 @p0 s5, $0x3  }
0x25: {  	[hbm:s9], [sflag:s7] =	dma.local @p0 [spmem:s3], $0x1040  }
0x26: {  	s3 =	simm.s32 @p0 $0x9  }
0x27: {  	_ =	swait.ge @p0 [sflag:s3], $0x1040  }
0x28: {  	[sflag:s3] =	ssyncset.done @p0 $0x0  }
0x29: {  	[sflag:s3] =	ssyncadd.s32 @p0 $0xFFFFEFC0;
	s3 =	sshrl.u32 @!p0 s5, $0x3;
	s5 =	rddreg [dreg:$0xa]  }
0x2a: {  	[hbm:s5], [sflag:s7] =	dma.local @!p0 [spmem:s3], $0x13C0  }
0x2b: {  	s3 =	simm.s32 @!p0 $0x9  }
0x2c: {  	_ =	swait.ge @!p0 [sflag:s3], $0x13C0  }
0x2d: {  	s8 =	sadd.s32 $0x1, s8;
	s16 =	rddreg [dreg:$0xc]  }
0x2e: {  	p1 =	sne.s32 s8, s16  }
.Ltmp1:
0x2f: {  	_ = 	snop;
	(pc) =	sbr.rel @!p1 .LBB2_7-.Ltmp1, $3  }
0x30: {  	_ =	sdelay $0x1  }
0x31: {  	[sflag:s3] =	ssyncset.done @!p0 $0x0  }
0x32: {  	s10 =	simm.s32 $0x2800;
	[sflag:s3] =	ssyncadd.s32 @!p0 $0xFFFFEC40  }
.LBB2_1:
0x33: {  	s3 =	rddreg [dreg:$0x5]  }
0x34: {  	s5 =	rddreg [dreg:$0xd]  }
0x35: {  	[spmem:s5], [sflag:s7] =	dma.local [hbm:s3], $0x13C0  }
0x36: {  	_ =	swait.ge [sflag:s15], $0x13C0  }
0x37: {  	[sflag:s15] =	ssyncset.done $0x0  }
0x38: {  	s16 =	simm.s32 $0x0;
	s7 =	rddreg [dreg:$0x7];
	[sflag:s15] =	ssyncadd.s32 $0xFFFFEC40  }
0x39: {  	[tilespmem:s16], [sflag:$0x9] =	stream.linear.gather [hbm4b:s7+s16], $0x2800, $0x38;
	[tilespmem:$0x15A00] =	vst v63  }
0x3a: {  	_ =	swait.ge [sflag:s15], $0x2800  }
0x3b: {  	[sflag:s15] =	ssyncset.done $0x0  }
0x3c: {  	s9 =	rddreg [dreg:$0x8];
	[sflag:s15] =	ssyncadd.s32 $0xFFFFD800  }
0x3d: {  	[tilespmem:s10], [sflag:$0x9] =	stream.linear.gather [hbm4b:s9+s16], $0x1400, $0x38;
	[tilespmem:$0x15A00] =	vst v63  }
0x3e: {  	_ =	swait.ge [sflag:s15], $0x1400  }
0x3f: {  	[sflag:s15] =	ssyncset.done $0x0  }
0x40: {  	[sflag:s15] =	ssyncadd.s32 $0xFFFFEC00  }
0x41: {  	[bflag:$0x0] =	sbarrier.arrive $0xFFFF  }
0x42: {  	[tilespmem:s18], [sflag:$0x1] =	stream.indirect.gather [hbm4b:s4+s17], $0x40, s16, s17, $0xb8;
	[tilespmem:$0x15A00] =	vst v63  }
0x43: {  	_ = 	snop  }
0x44: {  	[tilespmem:s19], [sflag:$0x2] =	stream.indirect.gather [hbm4b:s4+s17], $0x40, s17, s17, $0xb8;
	[tilespmem:$0x15A00] =	vst v63  }
0x45: {  	s11 =	simm.s32 $0x80  }
0x46: {  	[tilespmem:s21], [sflag:$0x3] =	stream.indirect.gather [hbm4b:s4+s17], $0x40, s11, s17, $0xb8;
	[tilespmem:$0x15A00] =	vst v63  }
0x47: {  	s12 =	simm.s32 $0xC0  }
0x48: {  	[tilespmem:s23], [sflag:$0x4] =	stream.indirect.gather [hbm4b:s4+s17], $0x40, s12, s17, $0xb8;
	[tilespmem:$0x15A00] =	vst v63  }
0x49: {  	s13 =	simm.s32 $0x100  }
0x4a: {  	[tilespmem:s25], [sflag:$0x5] =	stream.indirect.gather [hbm4b:s4+s17], $0x40, s13, s17, $0xb8;
	[tilespmem:$0x15A00] =	vst v63  }
0x4b: {  	s14 =	simm.s32 $0x140  }
0x4c: {  	[tilespmem:s28], [sflag:$0x6] =	stream.indirect.gather [hbm4b:s4+s17], $0x40, s14, s17, $0xb8;
	[tilespmem:$0x15A00] =	vst v63  }
0x4d: {  	s16 =	simm.s32 $0x180  }
0x4e: {  	[tilespmem:s30], [sflag:$0x7] =	stream.indirect.gather [hbm4b:s4+s17], $0x40, s16, s17, $0xb8;
	[tilespmem:$0x15A00] =	vst v63  }
0x4f: {  	s5 =	simm.s32 $0x1C0  }
0x50: {  	[tilespmem:s1], [sflag:$0x8] =	stream.indirect.gather [hbm4b:s4+s17], $0x40, s5, s17, $0xb8;
	[tilespmem:$0x15A00] =	vst v63  }
0x51: {  	_ =	swait.ge [sflag:s0], $0x1000  }
0x52: {  	[sflag:s0] =	ssyncset.done $0x0  }
0x53: {  	s7 =	simm.s32 $0x2800;
	[sflag:s0] =	ssyncadd.s32 $0xFFFFF000  }
0x54: {  	[spmem:s2] =	stream.indirect.scatter.add.f32 [tilespmem:s18], [sflag:$0x9], $0x40, s7, s17, $0xb8;
	[tilespmem:$0x15A00] =	vst v63  }
0x55: {  	_ =	swait.ge [sflag:s15], $0x1000  }
0x56: {  	[sflag:s15] =	ssyncset.done $0x0  }
0x57: {  	s9 =	simm.s32 $0x200;
	[sflag:s15] =	ssyncadd.s32 $0xFFFFF000  }
0x58: {  	[tilespmem:s18], [sflag:$0x1] =	stream.indirect.gather [hbm4b:s4+s17], $0x40, s9, s17, $0xb8;
	[tilespmem:$0x15A00] =	vst v63  }
0x59: {  	_ =	swait.ge [sflag:s20], $0x1000  }
0x5a: {  	[sflag:s20] =	ssyncset.done $0x0  }
0x5b: {  	s11 =	simm.s32 $0x2840;
	[sflag:s20] =	ssyncadd.s32 $0xFFFFF000  }
0x5c: {  	[spmem:s2] =	stream.indirect.scatter.add.f32 [tilespmem:s19], [sflag:$0x9], $0x40, s11, s17, $0xb8;
	[tilespmem:$0x15A00] =	vst v63  }
0x5d: {  	_ =	swait.ge [sflag:s15], $0x1000  }
0x5e: {  	[sflag:s15] =	ssyncset.done $0x0  }
0x5f: {  	s12 =	simm.s32 $0x240;
	[sflag:s15] =	ssyncadd.s32 $0xFFFFF000  }
0x60: {  	[tilespmem:s19], [sflag:$0x2] =	stream.indirect.gather [hbm4b:s4+s17], $0x40, s12, s17, $0xb8;
	[tilespmem:$0x15A00] =	vst v63  }
0x61: {  	_ =	swait.ge [sflag:s22], $0x1000  }
0x62: {  	[sflag:s22] =	ssyncset.done $0x0  }
0x63: {  	s13 =	simm.s32 $0x2880;
	[sflag:s22] =	ssyncadd.s32 $0xFFFFF000  }
0x64: {  	[spmem:s2] =	stream.indirect.scatter.add.f32 [tilespmem:s21], [sflag:$0x9], $0x40, s13, s17, $0xb8;
	[tilespmem:$0x15A00] =	vst v63  }
0x65: {  	_ =	swait.ge [sflag:s15], $0x1000  }
0x66: {  	[sflag:s15] =	ssyncset.done $0x0  }
0x67: {  	s14 =	simm.s32 $0x280;
	[sflag:s15] =	ssyncadd.s32 $0xFFFFF000  }
0x68: {  	[tilespmem:s21], [sflag:$0x3] =	stream.indirect.gather [hbm4b:s4+s17], $0x40, s14, s17, $0xb8;
	[tilespmem:$0x15A00] =	vst v63  }
0x69: {  	_ =	swait.ge [sflag:s24], $0x1000  }
0x6a: {  	[sflag:s24] =	ssyncset.done $0x0  }
0x6b: {  	s16 =	simm.s32 $0x28C0;
	[sflag:s24] =	ssyncadd.s32 $0xFFFFF000  }
0x6c: {  	[spmem:s2] =	stream.indirect.scatter.add.f32 [tilespmem:s23], [sflag:$0x9], $0x40, s16, s17, $0xb8;
	[tilespmem:$0x15A00] =	vst v63  }
0x6d: {  	_ =	swait.ge [sflag:s15], $0x1000  }
0x6e: {  	[sflag:s15] =	ssyncset.done $0x0  }
0x6f: {  	s5 =	simm.s32 $0x2C0;
	[sflag:s15] =	ssyncadd.s32 $0xFFFFF000  }
0x70: {  	[tilespmem:s23], [sflag:$0x4] =	stream.indirect.gather [hbm4b:s4+s17], $0x40, s5, s17, $0xb8;
	[tilespmem:$0x15A00] =	vst v63  }
0x71: {  	_ =	swait.ge [sflag:s26], $0x1000  }
0x72: {  	[sflag:s26] =	ssyncset.done $0x0  }
0x73: {  	s7 =	simm.s32 $0x2900;
	[sflag:s26] =	ssyncadd.s32 $0xFFFFF000  }
0x74: {  	[spmem:s2] =	stream.indirect.scatter.add.f32 [tilespmem:s25], [sflag:$0x9], $0x40, s7, s17, $0xb8;
	[tilespmem:$0x15A00] =	vst v63  }
0x75: {  	_ =	swait.ge [sflag:s15], $0x1000  }
0x76: {  	[sflag:s15] =	ssyncset.done $0x0  }
0x77: {  	s9 =	simm.s32 $0x300;
	[sflag:s15] =	ssyncadd.s32 $0xFFFFF000  }
0x78: {  	[tilespmem:s25], [sflag:$0x5] =	stream.indirect.gather [hbm4b:s4+s17], $0x40, s9, s17, $0xb8;
	[tilespmem:$0x15A00] =	vst v63  }
0x79: {  	_ =	swait.ge [sflag:s29], $0x1000  }
0x7a: {  	[sflag:s29] =	ssyncset.done $0x0  }
0x7b: {  	s11 =	simm.s32 $0x2940;
	[sflag:s29] =	ssyncadd.s32 $0xFFFFF000  }
0x7c: {  	[spmem:s2] =	stream.indirect.scatter.add.f32 [tilespmem:s28], [sflag:$0x9], $0x40, s11, s17, $0xb8;
	[tilespmem:$0x15A00] =	vst v63  }
0x7d: {  	_ =	swait.ge [sflag:s15], $0x1000  }
0x7e: {  	[sflag:s15] =	ssyncset.done $0x0  }
0x7f: {  	s12 =	simm.s32 $0x340;
	[sflag:s15] =	ssyncadd.s32 $0xFFFFF000  }
0x80: {  	[tilespmem:s28], [sflag:$0x6] =	stream.indirect.gather [hbm4b:s4+s17], $0x40, s12, s17, $0xb8;
	[tilespmem:$0x15A00] =	vst v63  }
0x81: {  	_ =	swait.ge [sflag:s31], $0x1000  }
0x82: {  	[sflag:s31] =	ssyncset.done $0x0  }
0x83: {  	s13 =	simm.s32 $0x2980;
	[sflag:s31] =	ssyncadd.s32 $0xFFFFF000  }
0x84: {  	[spmem:s2] =	stream.indirect.scatter.add.f32 [tilespmem:s30], [sflag:$0x9], $0x40, s13, s17, $0xb8;
	[tilespmem:$0x15A00] =	vst v63  }
0x85: {  	_ =	swait.ge [sflag:s15], $0x1000  }
0x86: {  	[sflag:s15] =	ssyncset.done $0x0  }
0x87: {  	s14 =	simm.s32 $0x380;
	[sflag:s15] =	ssyncadd.s32 $0xFFFFF000  }
0x88: {  	[tilespmem:s30], [sflag:$0x7] =	stream.indirect.gather [hbm4b:s4+s17], $0x40, s14, s17, $0xb8;
	[tilespmem:$0x15A00] =	vst v63  }
0x89: {  	_ =	swait.ge [sflag:s6], $0x1000  }
0x8a: {  	[sflag:s6] =	ssyncset.done $0x0  }
0x8b: {  	s16 =	simm.s32 $0x29C0;
	[sflag:s6] =	ssyncadd.s32 $0xFFFFF000  }
0x8c: {  	[spmem:s2] =	stream.indirect.scatter.add.f32 [tilespmem:s1], [sflag:$0x9], $0x40, s16, s17, $0xb8;
	[tilespmem:$0x15A00] =	vst v63  }
0x8d: {  	_ =	swait.ge [sflag:s15], $0x1000  }
0x8e: {  	[sflag:s15] =	ssyncset.done $0x0  }
0x8f: {  	s3 =	simm.s32 $0x3C0;
	s9 =	simm.s32 $0x800;
	[sflag:s15] =	ssyncadd.s32 $0xFFFFF000  }
.LBB2_2:
0x90: {  	[tilespmem:s1], [sflag:$0x8] =	stream.indirect.gather [hbm4b:s4+s17], $0x40, s3, s17, $0xb8;
	[tilespmem:$0x15A00] =	vst v63  }
0x91: {  	s3 =	smov.u32 s9  }
0x92: {  	p1 =	sne.s32 s9, $0x4800;
	s9 =	sadd.s32 $0x800, s9;
	_ =	swait.ge [sflag:s0], $0x1000  }
0x93: {  	s16 =	sshra.s32 s3, $0x2;
	[sflag:s0] =	ssyncset.done $0x0  }
0x94: {  	s3 =	sadd.s32 $0x2800, s16;
	[sflag:s0] =	ssyncadd.s32 $0xFFFFF000  }
0x95: {  	[spmem:s2] =	stream.indirect.scatter.add.f32 [tilespmem:s18], [sflag:$0x9], $0x40, s3, s17, $0xb8;
	[tilespmem:$0x15A00] =	vst v63  }
0x96: {  	_ =	swait.ge [sflag:s15], $0x1000  }
0x97: {  	[sflag:s15] =	ssyncset.done $0x0  }
0x98: {  	s3 =	sadd.s32 $0x200, s16;
	[sflag:s15] =	ssyncadd.s32 $0xFFFFF000  }
0x99: {  	[tilespmem:s18], [sflag:$0x1] =	stream.indirect.gather [hbm4b:s4+s17], $0x40, s3, s17, $0xb8;
	[tilespmem:$0x15A00] =	vst v63  }
0x9a: {  	_ =	swait.ge [sflag:s20], $0x1000  }
0x9b: {  	[sflag:s20] =	ssyncset.done $0x0  }
0x9c: {  	s3 =	sadd.s32 $0x2840, s16;
	[sflag:s20] =	ssyncadd.s32 $0xFFFFF000  }
0x9d: {  	[spmem:s2] =	stream.indirect.scatter.add.f32 [tilespmem:s19], [sflag:$0x9], $0x40, s3, s17, $0xb8;
	[tilespmem:$0x15A00] =	vst v63  }
0x9e: {  	_ =	swait.ge [sflag:s15], $0x1000  }
0x9f: {  	[sflag:s15] =	ssyncset.done $0x0  }
0xa0: {  	s3 =	sadd.s32 $0x240, s16;
	[sflag:s15] =	ssyncadd.s32 $0xFFFFF000  }
0xa1: {  	[tilespmem:s19], [sflag:$0x2] =	stream.indirect.gather [hbm4b:s4+s17], $0x40, s3, s17, $0xb8;
	[tilespmem:$0x15A00] =	vst v63  }
0xa2: {  	_ =	swait.ge [sflag:s22], $0x1000  }
0xa3: {  	[sflag:s22] =	ssyncset.done $0x0  }
0xa4: {  	s3 =	sadd.s32 $0x2880, s16;
	[sflag:s22] =	ssyncadd.s32 $0xFFFFF000  }
0xa5: {  	[spmem:s2] =	stream.indirect.scatter.add.f32 [tilespmem:s21], [sflag:$0x9], $0x40, s3, s17, $0xb8;
	[tilespmem:$0x15A00] =	vst v63  }
0xa6: {  	_ =	swait.ge [sflag:s15], $0x1000  }
0xa7: {  	[sflag:s15] =	ssyncset.done $0x0  }
0xa8: {  	s3 =	sadd.s32 $0x280, s16;
	[sflag:s15] =	ssyncadd.s32 $0xFFFFF000  }
0xa9: {  	[tilespmem:s21], [sflag:$0x3] =	stream.indirect.gather [hbm4b:s4+s17], $0x40, s3, s17, $0xb8;
	[tilespmem:$0x15A00] =	vst v63  }
0xaa: {  	_ =	swait.ge [sflag:s24], $0x1000  }
0xab: {  	[sflag:s24] =	ssyncset.done $0x0  }
0xac: {  	s3 =	sadd.s32 $0x28C0, s16;
	[sflag:s24] =	ssyncadd.s32 $0xFFFFF000  }
0xad: {  	[spmem:s2] =	stream.indirect.scatter.add.f32 [tilespmem:s23], [sflag:$0x9], $0x40, s3, s17, $0xb8;
	[tilespmem:$0x15A00] =	vst v63  }
0xae: {  	_ =	swait.ge [sflag:s15], $0x1000  }
0xaf: {  	[sflag:s15] =	ssyncset.done $0x0  }
0xb0: {  	s3 =	sadd.s32 $0x2C0, s16;
	[sflag:s15] =	ssyncadd.s32 $0xFFFFF000  }
0xb1: {  	[tilespmem:s23], [sflag:$0x4] =	stream.indirect.gather [hbm4b:s4+s17], $0x40, s3, s17, $0xb8;
	[tilespmem:$0x15A00] =	vst v63  }
0xb2: {  	_ =	swait.ge [sflag:s26], $0x1000  }
0xb3: {  	[sflag:s26] =	ssyncset.done $0x0  }
0xb4: {  	s3 =	sadd.s32 $0x2900, s16;
	[sflag:s26] =	ssyncadd.s32 $0xFFFFF000  }
0xb5: {  	[spmem:s2] =	stream.indirect.scatter.add.f32 [tilespmem:s25], [sflag:$0x9], $0x40, s3, s17, $0xb8;
	[tilespmem:$0x15A00] =	vst v63  }
0xb6: {  	_ =	swait.ge [sflag:s15], $0x1000  }
0xb7: {  	[sflag:s15] =	ssyncset.done $0x0  }
0xb8: {  	s3 =	sadd.s32 $0x300, s16;
	[sflag:s15] =	ssyncadd.s32 $0xFFFFF000  }
0xb9: {  	[tilespmem:s25], [sflag:$0x5] =	stream.indirect.gather [hbm4b:s4+s17], $0x40, s3, s17, $0xb8;
	[tilespmem:$0x15A00] =	vst v63  }
0xba: {  	_ =	swait.ge [sflag:s29], $0x1000  }
0xbb: {  	[sflag:s29] =	ssyncset.done $0x0  }
0xbc: {  	s3 =	sadd.s32 $0x2940, s16;
	[sflag:s29] =	ssyncadd.s32 $0xFFFFF000  }
0xbd: {  	[spmem:s2] =	stream.indirect.scatter.add.f32 [tilespmem:s28], [sflag:$0x9], $0x40, s3, s17, $0xb8;
	[tilespmem:$0x15A00] =	vst v63  }
0xbe: {  	_ =	swait.ge [sflag:s15], $0x1000  }
0xbf: {  	[sflag:s15] =	ssyncset.done $0x0  }
0xc0: {  	s3 =	sadd.s32 $0x340, s16;
	[sflag:s15] =	ssyncadd.s32 $0xFFFFF000  }
0xc1: {  	[tilespmem:s28], [sflag:$0x6] =	stream.indirect.gather [hbm4b:s4+s17], $0x40, s3, s17, $0xb8;
	[tilespmem:$0x15A00] =	vst v63  }
0xc2: {  	_ =	swait.ge [sflag:s31], $0x1000  }
0xc3: {  	[sflag:s31] =	ssyncset.done $0x0  }
0xc4: {  	s3 =	sadd.s32 $0x2980, s16;
	[sflag:s31] =	ssyncadd.s32 $0xFFFFF000  }
0xc5: {  	[spmem:s2] =	stream.indirect.scatter.add.f32 [tilespmem:s30], [sflag:$0x9], $0x40, s3, s17, $0xb8;
	[tilespmem:$0x15A00] =	vst v63  }
0xc6: {  	_ =	swait.ge [sflag:s15], $0x1000  }
0xc7: {  	[sflag:s15] =	ssyncset.done $0x0  }
0xc8: {  	s3 =	sadd.s32 $0x380, s16;
	[sflag:s15] =	ssyncadd.s32 $0xFFFFF000  }
0xc9: {  	[tilespmem:s30], [sflag:$0x7] =	stream.indirect.gather [hbm4b:s4+s17], $0x40, s3, s17, $0xb8;
	[tilespmem:$0x15A00] =	vst v63  }
0xca: {  	_ =	swait.ge [sflag:s6], $0x1000  }
0xcb: {  	[sflag:s6] =	ssyncset.done $0x0  }
.Ltmp2:
0xcc: {  	s3 =	sadd.s32 $0x29C0, s16;
	[sflag:s6] =	ssyncadd.s32 $0xFFFFF000;
	(pc) =	sbr.rel @p1 .LBB2_2-.Ltmp2, $4  }
0xcd: {  	[spmem:s2] =	stream.indirect.scatter.add.f32 [tilespmem:s1], [sflag:$0x9], $0x40, s3, s17, $0xb8;
	[tilespmem:$0x15A00] =	vst v63  }
0xce: {  	_ =	swait.ge [sflag:s15], $0x1000  }
0xcf: {  	[sflag:s15] =	ssyncset.done $0x0  }
0xd0: {  	s3 =	sadd.s32 $0x3C0, s16;
	[sflag:s15] =	ssyncadd.s32 $0xFFFFF000  }
0xd1: {  	[tilespmem:s1], [sflag:$0x8] =	stream.indirect.gather [hbm4b:s4+s17], $0x40, s3, s17, $0xb8;
	[tilespmem:$0x15A00] =	vst v63  }
0xd2: {  	s9 =	simm.s32 $0x0;
	s16 =	rddreg [dreg:$0x9]  }
0xd3: {  	[tilespmem:s10], [sflag:$0x9] =	stream.linear.gather [hbm4b:s16+s9], $0x1400, $0x38;
	[tilespmem:$0x15A00] =	vst v63  }
0xd4: {  	_ =	swait.ge [sflag:s15], $0x1400  }
0xd5: {  	[sflag:s15] =	ssyncset.done $0x0  }
0xd6: {  	[sflag:s15] =	ssyncadd.s32 $0xFFFFEC00  }
.LBB2_4:
0xd7: {  	_ =	swait.ge [sflag:s0], $0x1000  }
0xd8: {  	s16 =	sshra.s32 s9, $0x2;
	[sflag:s0] =	ssyncset.done $0x0  }
0xd9: {  	s3 =	sadd.s32 $0x2800, s16;
	[sflag:s0] =	ssyncadd.s32 $0xFFFFF000  }
0xda: {  	[spmem:s2] =	stream.indirect.scatter.add.f32 [tilespmem:s18], [sflag:$0x9], $0x40, s3, s17, $0xb8;
	[tilespmem:$0x15A00] =	vst v63  }
0xdb: {  	_ =	swait.ge [sflag:s15], $0x1000  }
0xdc: {  	p1 =	seq.s32 s9, $0x4800;
	[sflag:s15] =	ssyncset.done $0x0  }
0xdd: {  	s3 =	simm.s32 @p1 $0x2;
	[sflag:s15] =	ssyncadd.s32 $0xFFFFF000  }
0xde: {  	s12 =	sshra.s32 @p1 s9, $0x2;
	_ =	swait.ge @p1 [sflag:s3], $0x1000  }
0xdf: {  	s13 =	simm.s32 @p1 $0x40;
	s10 =	simm.s32 @p1 $0x4C00;
	[sflag:s3] =	ssyncset.done @p1 $0x0  }
0xe0: {  	s14 =	simm.s32 @p1 $0x9;
	[sflag:s3] =	ssyncadd.s32 @p1 $0xFFFFF000;
	s3 =	sadd.s32 @p1 $0x2840, s12  }
0xe1: {  	[spmem:s2] =	stream.indirect.scatter.add.f32 @p1 [tilespmem:s10], [sflag:$0x9], $0x40, s3, s13, $0xb8;
	[tilespmem:$0x15A00] =	vst v63  }
0xe2: {  	_ =	swait.ge @p1 [sflag:s14], $0x1000  }
0xe3: {  	s11 =	simm.s32 @!p1 $0x40;
	s10 =	sshra.s32 @!p1 s9, $0x2;
	[sflag:s14] =	ssyncset.done @p1 $0x0  }
0xe4: {  	s5 =	simm.s32 @!p1 $0x3C00;
	s3 =	sadd.s32 @!p1 $0x1600, s10;
	[sflag:s14] =	ssyncadd.s32 @p1 $0xFFFFF000  }
0xe5: {  	[tilespmem:s5], [sflag:$0x1] =	stream.indirect.gather @!p1 [hbm4b:s4+s11], $0x40, s3, s11, $0xb8;
	[tilespmem:$0x15A00] =	vst v63  }
0xe6: {  	s3 =	simm.s32 @!p1 $0x2  }
0xe7: {  	_ =	swait.ge @!p1 [sflag:s3], $0x1000  }
0xe8: {  	[sflag:s3] =	ssyncset.done @!p1 $0x0  }
0xe9: {  	s5 =	simm.s32 @!p1 $0x4C00;
	[sflag:s3] =	ssyncadd.s32 @!p1 $0xFFFFF000;
	s3 =	sadd.s32 @!p1 $0x2840, s10  }
0xea: {  	[spmem:s2] =	stream.indirect.scatter.add.f32 @!p1 [tilespmem:s5], [sflag:$0x9], $0x40, s3, s11, $0xb8;
	[tilespmem:$0x15A00] =	vst v63  }
0xeb: {  	s3 =	simm.s32 @!p1 $0x9  }
0xec: {  	_ =	swait.ge @!p1 [sflag:s3], $0x1000  }
0xed: {  	[sflag:s3] =	ssyncset.done @!p1 $0x0  }
0xee: {  	s7 =	sadd.s32 @!p1 $0x1640, s10;
	[sflag:s3] =	ssyncadd.s32 @!p1 $0xFFFFF000  }
0xef: {  	[tilespmem:s5], [sflag:$0x2] =	stream.indirect.gather @!p1 [hbm4b:s4+s11], $0x40, s7, s11, $0xb8;
	[tilespmem:$0x15A00] =	vst v63  }
0xf0: {  	_ =	swait.ge [sflag:s22], $0x1000  }
0xf1: {  	[sflag:s22] =	ssyncset.done $0x0  }
0xf2: {  	s7 =	sadd.s32 $0x2880, s16;
	[sflag:s22] =	ssyncadd.s32 $0xFFFFF000  }
0xf3: {  	[spmem:s2] =	stream.indirect.scatter.add.f32 [tilespmem:s21], [sflag:$0x9], $0x40, s7, s17, $0xb8;
	[tilespmem:$0x15A00] =	vst v63  }
0xf4: {  	_ =	swait.ge [sflag:s15], $0x1000  }
0xf5: {  	[sflag:s15] =	ssyncset.done $0x0  }
0xf6: {  	s5 =	simm.s32 @p1 $0x4;
	[sflag:s15] =	ssyncadd.s32 $0xFFFFF000  }
0xf7: {  	_ =	swait.ge @p1 [sflag:s5], $0x1000  }
0xf8: {  	[sflag:s5] =	ssyncset.done @p1 $0x0  }
0xf9: {  	s7 =	simm.s32 @p1 $0x6C00;
	[sflag:s5] =	ssyncadd.s32 @p1 $0xFFFFF000;
	s5 =	sadd.s32 @p1 $0x28C0, s12  }
0xfa: {  	[spmem:s2] =	stream.indirect.scatter.add.f32 @p1 [tilespmem:s7], [sflag:$0x9], $0x40, s5, s13, $0xb8;
	[tilespmem:$0x15A00] =	vst v63  }
0xfb: {  	_ =	swait.ge @p1 [sflag:s14], $0x1000  }
0xfc: {  	[sflag:s14] =	ssyncset.done @p1 $0x0  }
0xfd: {  	s5 =	sadd.s32 @!p1 $0x1680, s10;
	s7 =	simm.s32 @!p1 $0x5C00;
	[sflag:s14] =	ssyncadd.s32 @p1 $0xFFFFF000  }
0xfe: {  	[tilespmem:s7], [sflag:$0x3] =	stream.indirect.gather @!p1 [hbm4b:s4+s11], $0x40, s5, s11, $0xb8;
	[tilespmem:$0x15A00] =	vst v63  }
0xff: {  	s5 =	simm.s32 @!p1 $0x4  }
0x100: {  	_ =	swait.ge @!p1 [sflag:s5], $0x1000  }
0x101: {  	[sflag:s5] =	ssyncset.done @!p1 $0x0  }
0x102: {  	s7 =	simm.s32 @!p1 $0x6C00;
	[sflag:s5] =	ssyncadd.s32 @!p1 $0xFFFFF000;
	s5 =	sadd.s32 @!p1 $0x28C0, s10  }
0x103: {  	[spmem:s2] =	stream.indirect.scatter.add.f32 @!p1 [tilespmem:s7], [sflag:$0x9], $0x40, s5, s11, $0xb8;
	[tilespmem:$0x15A00] =	vst v63  }
0x104: {  	_ =	swait.ge @!p1 [sflag:s3], $0x1000  }
0x105: {  	[sflag:s3] =	ssyncset.done @!p1 $0x0  }
0x106: {  	s5 =	sadd.s32 @!p1 $0x16C0, s10;
	[sflag:s3] =	ssyncadd.s32 @!p1 $0xFFFFF000  }
0x107: {  	[tilespmem:s7], [sflag:$0x4] =	stream.indirect.gather @!p1 [hbm4b:s4+s11], $0x40, s5, s11, $0xb8;
	[tilespmem:$0x15A00] =	vst v63  }
0x108: {  	_ =	swait.ge [sflag:s26], $0x1000  }
0x109: {  	[sflag:s26] =	ssyncset.done $0x0  }
0x10a: {  	s7 =	sadd.s32 $0x2900, s16;
	[sflag:s26] =	ssyncadd.s32 $0xFFFFF000  }
0x10b: {  	[spmem:s2] =	stream.indirect.scatter.add.f32 [tilespmem:s25], [sflag:$0x9], $0x40, s7, s17, $0xb8;
	[tilespmem:$0x15A00] =	vst v63  }
0x10c: {  	_ =	swait.ge [sflag:s15], $0x1000  }
0x10d: {  	[sflag:s15] =	ssyncset.done $0x0  }
0x10e: {  	s5 =	simm.s32 @p1 $0x6;
	[sflag:s15] =	ssyncadd.s32 $0xFFFFF000  }
0x10f: {  	_ =	swait.ge @p1 [sflag:s5], $0x1000  }
0x110: {  	[sflag:s5] =	ssyncset.done @p1 $0x0  }
0x111: {  	s7 =	simm.s32 @p1 $0x8C00;
	[sflag:s5] =	ssyncadd.s32 @p1 $0xFFFFF000;
	s5 =	sadd.s32 @p1 $0x2940, s12  }
0x112: {  	[spmem:s2] =	stream.indirect.scatter.add.f32 @p1 [tilespmem:s7], [sflag:$0x9], $0x40, s5, s13, $0xb8;
	[tilespmem:$0x15A00] =	vst v63  }
0x113: {  	_ =	swait.ge @p1 [sflag:s14], $0x1000  }
0x114: {  	[sflag:s14] =	ssyncset.done @p1 $0x0  }
0x115: {  	s5 =	sadd.s32 @!p1 $0x1700, s10;
	s7 =	simm.s32 @!p1 $0x7C00;
	[sflag:s14] =	ssyncadd.s32 @p1 $0xFFFFF000  }
0x116: {  	[tilespmem:s7], [sflag:$0x5] =	stream.indirect.gather @!p1 [hbm4b:s4+s11], $0x40, s5, s11, $0xb8;
	[tilespmem:$0x15A00] =	vst v63  }
0x117: {  	s5 =	simm.s32 @!p1 $0x6  }
0x118: {  	_ =	swait.ge @!p1 [sflag:s5], $0x1000  }
0x119: {  	[sflag:s5] =	ssyncset.done @!p1 $0x0  }
0x11a: {  	s7 =	simm.s32 @!p1 $0x8C00;
	[sflag:s5] =	ssyncadd.s32 @!p1 $0xFFFFF000;
	s5 =	sadd.s32 @!p1 $0x2940, s10  }
0x11b: {  	[spmem:s2] =	stream.indirect.scatter.add.f32 @!p1 [tilespmem:s7], [sflag:$0x9], $0x40, s5, s11, $0xb8;
	[tilespmem:$0x15A00] =	vst v63  }
0x11c: {  	_ =	swait.ge @!p1 [sflag:s3], $0x1000  }
0x11d: {  	[sflag:s3] =	ssyncset.done @!p1 $0x0  }
0x11e: {  	[sflag:s3] =	ssyncadd.s32 @!p1 $0xFFFFF000;
	s3 =	sadd.s32 @!p1 $0x1740, s10  }
0x11f: {  	[tilespmem:s7], [sflag:$0x6] =	stream.indirect.gather @!p1 [hbm4b:s4+s11], $0x40, s3, s11, $0xb8;
	[tilespmem:$0x15A00] =	vst v63  }
0x120: {  	_ =	swait.ge [sflag:s31], $0x1000  }
0x121: {  	[sflag:s31] =	ssyncset.done $0x0  }
.Ltmp3:
0x122: {  	s14 =	sadd.s32 $0x2980, s16;
	[sflag:s31] =	ssyncadd.s32 $0xFFFFF000;
	(pc) =	sbr.rel @p1 .LBB2_6-.Ltmp3, $4  }
0x123: {  	[spmem:s2] =	stream.indirect.scatter.add.f32 [tilespmem:s30], [sflag:$0x9], $0x40, s14, s17, $0xb8;
	[tilespmem:$0x15A00] =	vst v63  }
0x124: {  	_ =	swait.ge [sflag:s15], $0x1000  }
0x125: {  	[sflag:s15] =	ssyncset.done $0x0  }
0x126: {  	s3 =	sadd.s32 $0x29C0, s16;
	[sflag:s15] =	ssyncadd.s32 $0xFFFFF000  }
0x127: {  	s5 =	sadd.s32 $0x1780, s16  }
0x128: {  	[tilespmem:s30], [sflag:$0x7] =	stream.indirect.gather [hbm4b:s4+s17], $0x40, s5, s17, $0xb8;
	[tilespmem:$0x15A00] =	vst v63  }
0x129: {  	_ =	swait.ge [sflag:s6], $0x1000  }
0x12a: {  	[sflag:s6] =	ssyncset.done $0x0  }
0x12b: {  	[sflag:s6] =	ssyncadd.s32 $0xFFFFF000  }
0x12c: {  	[spmem:s2] =	stream.indirect.scatter.add.f32 [tilespmem:s1], [sflag:$0x9], $0x40, s3, s17, $0xb8;
	[tilespmem:$0x15A00] =	vst v63  }
.Ltmp4:
0x12d: {  	_ = 	snop;
	(pc) =	sbr.rel .LBB2_4-.Ltmp4, $4  }
0x12e: {  	_ =	swait.ge [sflag:s15], $0x1000  }
0x12f: {  	[sflag:s15] =	ssyncset.done $0x0  }
0x130: {  	s16 =	sadd.s32 $0x17C0, s16;
	s9 =	sadd.s32 $0x800, s9;
	[sflag:s15] =	ssyncadd.s32 $0xFFFFF000  }
0x131: {  	[tilespmem:s1], [sflag:$0x8] =	stream.indirect.gather [hbm4b:s4+s17], $0x40, s16, s17, $0xb8;
	[tilespmem:$0x15A00] =	vst v63  }
.LBB2_7:
0x132: {  	_ =	sfence.sel $0x180000  }
0x133: {  	[bflag:$0x0] =	sbarrier.arrive $0xFFFF  }
0x134: {  	_ =	strace $0x9000004D  }
0x135: {  	s0 =	stileid.u32;
	[bflag:$0x2] =	sbarrier.arrive $0xFFFF  }
0x136: {  	p0 =	sne.s32 s0, $0x0;
	s0 =	rddreg [dreg:$0x3]  }
0x137: {  	s0 =	sadd.s32 @!p0 $0x100000, s0  }
0x138: {  	[sflag:s0] =	ssyncadd.tile.s32 @!p0 $0x1;
	_ =	shalt  }
.Lfunc_end2:
_tile_overlayer_lowered:
.L_overlay_start_2:
0x139: {  	(tag) =	ssettag $0x2  }
0x13a: {  	s0 =	rddreg [dreg:$0x0];
	s2 =	stileid.u32  }
0x13b: {  	s1 =	rddreg [dreg:$0x1];
	p0 =	sne.s32 s2, $0x0  }
0x13c: {  	s3 =	rddreg [dreg:$0x2];
	[bflag:$0x3] =	sbarrier.arrive $0xFFFF;
	s2 =	simm.s32 @!p0 $0x1C09  }
0x13d: {  	[timem:s3], [sflag:s2] =	dma.local @!p0 [hbm:s0], s1  }
0x13e: {  	s0 =	simm.s32 @!p0 $0x9  }
0x13f: {  	_ =	swait.ge @!p0 [sflag:s0], s1  }
0x140: {  	s1 =	ssub.s32 @!p0 $0x0, s1;
	[sflag:s0] =	ssyncset.done @!p0 $0x0  }
0x141: {  	[sflag:s0] =	ssyncadd.s32 @!p0 s1  }
0x142: {  	[bflag:$0x3] =	sbarrier.arrive $0xFFFF  }
0x143: {  	_ =	shalt  }

// kernel: kernel.9.cloned.1.call-start
scs
__scs_entry_jumppad:
0x0: {  	(pc) =	sbr.rel $0x88, $3  }
0x1: {  	(tag) =	ssettag $0x0;
	lr =	simm.s32 $0x1  }
0x2: {  	[smem:$0x3F9B] =	sst lr;
	_ =	strace $0xD0000000  }
0x3: {  	_ = 	snop  }
0x4: {  	_ = 	snop  }
0x5: {  	_ = 	snop  }
0x6: {  	_ = 	snop  }
0x7: {  	_ = 	snop  }
__scs_overlays_trampoline_lowered:
0x8: {  	[smem:$0x3FAA] =	sst s0  }
0x9: {  	[smem:$0x3FAB] =	sst s1  }
0xa: {  	[smem:$0x3FAC] =	sst s2  }
0xb: {  	[smem:$0x3FAD] =	sst s3  }
0xc: {  	[smem:$0x3FAE] =	sst s4  }
0xd: {  	[smem:$0x3FAF] =	sst s5  }
0xe: {  	[smem:$0x3FB0] =	sst s6  }
0xf: {  	[smem:$0x3FB1] =	sst s7  }
0x10: {  	[smem:$0x3FB2] =	sst s8  }
0x11: {  	[smem:$0x3FB3] =	sst s9;
	s0 =	simm.s32 @!p0 $0x0  }
0x12: {  	s1 =	sld [smem:$0x3F99];
	s0 =	simm.s32 @p0 $0x1  }
0x13: {  	[smem:$0x3FB4] =	sst s0;
	s0 =	simm.s32 @!p1 $0x0  }
0x14: {  	s2 =	sld [smem:$0x3F98];
	s0 =	simm.s32 @p1 $0x1  }
0x15: {  	[smem:$0x3FB5] =	sst s0;
	s0 =	simm.s32 @!p2 $0x0  }
0x16: {  	s3 =	sld [smem:$0x3FDB];
	s0 =	simm.s32 @p2 $0x1  }
0x17: {  	s4 =	simm.s32 $0x1BF5;
	[smem:$0x3FB7] =	sst s0  }
0x18: {  	s0 =	sld [smem:$0x3F9A];
	_ =	swait.ge [sflag:s4], $0x0  }
0x19: {  	s7 =	sld [smem:$0x3F9B]  }
0x1a: {  	s8 =	sadd.s32 $0xFFFFE003, lr  }
0x1b: {  	s9 =	sadd.s32 $0xFFFFFEF7, lr;
	s5 =	simm.s32 $0xFFFFFFFF;
	p2 =	slt.u32 s8, $0xFFFFF086  }
0x1c: {  	p1 =	slt.u32 s9, $0xF7A;
	s5 =	simm.s32 @!p2 $0x0  }
0x1d: {  	s5 =	simm.s32 @p1 $0x1;
	p0 =	seq.s32 s7, s2  }
0x1e: {  	s7 =	smul.u32 @!p0 $0xF7A, s2;
	p2 =	seq.s32 @!p0 s5, $0x0  }
0x1f: {  	s9 =	smul.u32 $0xF7A, s1;
	s8 =	simm.s32 @!p0 $0x1BF5;
	p2 =	por !p2, p0  }
0x20: {  	[sflag:s8] =	ssyncset.s32 @!p0 $0xFFFFF086;
	s6 =	sadd.s32 @!p0 s3, s7;
	s7 =	simm.s32 @!p0 $0x108  }
0x21: {  	s3 =	sadd.s32 s3, s9;
	s6 =	sadd.s32 @!p0 $0x88, s6;
	s7 =	simm.s32 @p2 $0x1082  }
0x22: {  	[simem:s7], [sflag:s8] =	dma.local @!p0 [hbm:s6], $0xF7A  }
0x23: {  	s9 =	sor.u32 $0xD0000000, s2;
	s6 =	simm.s32 $0x108;
	_ =	swait.ge @!p0 [sflag:s8], $0x0  }
0x24: {  	s3 =	sadd.s32 $0x88, s3;
	s6 =	simm.s32 @!p1 $0x1082;
	[sflag:s4] =	ssyncset.s32 $0xFFFFF086  }
0x25: {  	[simem:s6], [sflag:s4] =	dma.local [hbm:s3], $0xF7A  }
0x26: {  	[smem:$0x3F9B] =	sst s1;
	(tag) =	ssettag s2;
	_ =	strace s9  }
0x27: {  	s1 =	sld [smem:$0x3FAB]  }
0x28: {  	s2 =	sld [smem:$0x3FAC]  }
0x29: {  	s4 =	sld [smem:$0x3FAE]  }
0x2a: {  	p0 =	seq.s32 s5, $0x0;
	s5 =	sld [smem:$0x3FAF]  }
0x2b: {  	s6 =	sld [smem:$0x3FB0]  }
0x2c: {  	s7 =	sld [smem:$0x3FB1]  }
0x2d: {  	s3 =	simm.s32 $0x108;
	s8 =	sld [smem:$0x3FB2]  }
0x2e: {  	s3 =	simm.s32 @!p0 $0x1082;
	s9 =	sld [smem:$0x3FB3]  }
0x2f: {  	lr =	sadd.s32 s0, s3;
	s0 =	sld [smem:$0x3FAA]  }
0x30: {  	s3 =	sld [smem:$0x3FAD]  }
0x31: {  	[smem:$0x3FB6] =	sst s10  }
0x32: {  	s10 =	sld [smem:$0x3FB4];
	_ =	sdelay $0x3  }
0x33: {  	p0 =	seq.s32 s10, $0x1;
	s10 =	sld [smem:$0x3FB6];
	_ =	sdelay $0x3  }
0x34: {  	[smem:$0x3FB6] =	sst s10  }
0x35: {  	s10 =	sld [smem:$0x3FB5];
	_ =	sdelay $0x3  }
0x36: {  	p1 =	seq.s32 s10, $0x1;
	s10 =	sld [smem:$0x3FB6];
	_ =	sdelay $0x3  }
0x37: {  	[smem:$0x3FB6] =	sst s10  }
0x38: {  	s10 =	sld [smem:$0x3FB7]  }
0x39: {  	_ = 	snop;
	(pc) =	sbr.ind lr, $3  }
0x3a: {  	_ = 	snop  }
0x3b: {  	_ = 	snop  }
0x3c: {  	p2 =	seq.s32 s10, $0x1;
	s10 =	sld [smem:$0x3FB6]  }
0x3d: {  	_ =	shalt  }
0x3e: {  	_ =	shalt  }
0x3f: {  	_ =	shalt  }
0x40: {  	_ =	shalt  }
0x41: {  	_ =	shalt  }
0x42: {  	_ =	shalt  }
0x43: {  	_ =	shalt  }
0x44: {  	_ =	shalt  }
0x45: {  	_ =	shalt  }
0x46: {  	_ =	shalt  }
0x47: {  	_ =	shalt  }
0x48: {  	_ =	shalt  }
0x49: {  	_ =	shalt  }
0x4a: {  	_ =	shalt  }
0x4b: {  	_ =	shalt  }
0x4c: {  	_ =	shalt  }
0x4d: {  	_ =	shalt  }
0x4e: {  	_ =	shalt  }
0x4f: {  	_ =	shalt  }
0x50: {  	_ =	shalt  }
0x51: {  	_ =	shalt  }
0x52: {  	_ =	shalt  }
0x53: {  	_ =	shalt  }
0x54: {  	_ =	shalt  }
0x55: {  	_ =	shalt  }
0x56: {  	_ =	shalt  }
0x57: {  	_ =	shalt  }
0x58: {  	_ =	shalt  }
0x59: {  	_ =	shalt  }
0x5a: {  	_ =	shalt  }
0x5b: {  	_ =	shalt  }
0x5c: {  	_ =	shalt  }
0x5d: {  	_ =	shalt  }
0x5e: {  	_ =	shalt  }
0x5f: {  	_ =	shalt  }
0x60: {  	_ =	shalt  }
0x61: {  	_ =	shalt  }
0x62: {  	_ =	shalt  }
0x63: {  	_ =	shalt  }
0x64: {  	_ =	shalt  }
0x65: {  	_ =	shalt  }
0x66: {  	_ =	shalt  }
0x67: {  	_ =	shalt  }
0x68: {  	_ =	shalt  }
0x69: {  	_ =	shalt  }
0x6a: {  	_ =	shalt  }
0x6b: {  	_ =	shalt  }
0x6c: {  	_ =	shalt  }
0x6d: {  	_ =	shalt  }
0x6e: {  	_ =	shalt  }
0x6f: {  	_ =	shalt  }
0x70: {  	_ =	shalt  }
0x71: {  	_ =	shalt  }
0x72: {  	_ =	shalt  }
0x73: {  	_ =	shalt  }
0x74: {  	_ =	shalt  }
0x75: {  	_ =	shalt  }
0x76: {  	_ =	shalt  }
0x77: {  	_ =	shalt  }
0x78: {  	_ =	shalt  }
0x79: {  	_ =	shalt  }
0x7a: {  	_ =	shalt  }
0x7b: {  	_ =	shalt  }
0x7c: {  	_ =	shalt  }
0x7d: {  	_ =	shalt  }
0x7e: {  	_ =	shalt  }
0x7f: {  	_ =	shalt  }
0x80: {  	_ =	shalt  }
0x81: {  	_ =	shalt  }
0x82: {  	_ =	shalt  }
0x83: {  	_ =	shalt  }
0x84: {  	_ =	shalt  }
0x85: {  	_ =	shalt  }
0x86: {  	_ =	shalt  }
0x87: {  	_ =	shalt  }
.Lfunc_end0:
.L_simem_size_0:
called_computation_lowered:
.L_overlay_start_0:
0x88: {  	s2 =	sld [smem:$0x3FD9]  }
0x89: {  	s3 =	sld [smem:$0x3FFE];
	_ =	sdelay $0x1  }
0x8a: {  	s1 =	srdreg.scid  }
0x8b: {  	s0 =	sand.u32 $0x1, s1  }
0x8c: {  	s17 =	sshll.u32 s0, $0xA;
	s2 =	sadd.s32 s3, s2  }
0x8d: {  	s2 =	sadd.s32 s2, s17  }
0x8e: {  	[smem:$0x3FC2] =	sst s2  }
0x8f: {  	_ = 	snop  }
0x90: {  	s2 =	sld [smem:$0x3FD0];
	(tm) =	ssettm $0x1  }
0x91: {  	s18 =	sld [smem:$0x3FFB];
	_ =	sdelay $0x3  }
0x92: {  	_ =	strace s18  }
0x93: {  	s3 =	sld [smem:$0x3FFC];
	_ =	sdelay $0x3  }
0x94: {  	_ =	strace s3  }
0x95: {  	s3 =	sld [smem:$0x3FFD];
	_ =	sdelay $0x3  }
0x96: {  	_ =	strace s3  }
0x97: {  	_ =	strace $0x8FFFFFFF  }
0x98: {  	s19 =	sld [smem:$0x3FDB];
	_ =	sdelay $0x1  }
0x99: {  	s4 =	simm.s32 $_scs_section_size  }
0x9a: {  	s5 =	simm.s32 $_size__tile_overlayer_lowered;
	s6 =	simm.s32 $_tile_overlayer_lowered  }
0x9b: {  	s22 =	simm.s32 $0x1BFF;
	s21 =	sshll.u32 s6, $0x1;
	s3 =	sadd.s32 s4, s19  }
0x9c: {  	s7 =	simm.s32 $0x0;
	s20 =	sshll.u32 s5, $0x1;
	s5 =	sadd.s32 s21, s3  }
0x9d: {  	[timem:s7], [sflag:s22] =	dma.local [hbm:s5], s20  }
0x9e: {  	_ =	swait.ge [sflag:s22], s20  }
0x9f: {  	s4 =	ssub.s32 $0x0, s20;
	[sflag:s22] =	ssyncset.done $0x0  }
0xa0: {  	[sflag:s22] =	ssyncadd.s32 s4;
	_ =	sdelay $0x1  }
0xa1: {  	s23 =	simm.s32 $0x1B8B  }
0xa2: {  	_ =	swait.ge [sflag:s23], $0x1  }
0xa3: {  	[sflag:s23] =	ssyncset.done $0x0  }
0xa4: {  	s25 =	simm.s32 $0x1B8E;
	s24 =	sld [smem:$0x3FFE];
	[sflag:s23] =	ssyncadd.s32 $0xFFFFFFFF  }
0xa5: {  	s26 =	simm.s32 $execute0_lowered;
	[smem:$0x3FD2] =	sst s25  }
0xa6: {  	s5 =	sshll.u32 s26, $0x1;
	_ =	strace $0x80000046;
	[dreg:$0x1] =	wrdreg $0xFFFFFFFF  }
0xa7: {  	s28 =	simm.s32 $_size_execute0_lowered;
	s3 =	sadd.s32 s3, s5;
	[dreg:$0x0] =	wrdreg $0x0  }
0xa8: {  	s5 =	sshll.u32 s28, $0x1;
	[dreg:$0x2] =	wrdreg s3  }
0xa9: {  	[dreg:$0x3] =	wrdreg s5  }
0xaa: {  	[dreg:$0x4] =	wrdreg $0xC0  }
0xab: {  	_ =	task [dreg:s7], $0x5FFFF  }
0xac: {  	[dreg:$0x1] =	wrdreg $0xFFFFFFFF  }
0xad: {  	[dreg:$0x0] =	wrdreg $0x60  }
0xae: {  	[dreg:$0x2] =	wrdreg s24  }
0xaf: {  	[dreg:$0x3] =	wrdreg s2  }
0xb0: {  	[dreg:$0x4] =	wrdreg $0x48000  }
0xb1: {  	[dreg:$0x5] =	wrdreg $0x9  }
0xb2: {  	_ =	task.clear_ibuf [dreg:s7], $0x6FFFF;
	_ =	strace $0x90000046  }
0xb3: {  	s29 =	simm.s32 $0x9;
	_ =	strace $0x80000048  }
0xb4: {  	_ =	swait.ge [sflag:s29], $0x1  }
0xb5: {  	[sflag:s29] =	ssyncadd.s32 $0xFFFFFFFF  }
0xb6: {  	_ =	strace $0x90000048  }
0xb7: {  	_ =	sfence  }
0xb8: {  	s30 =	sld [smem:$0x0];
	_ =	sdelay $0x2  }
0xb9: {  	s31 =	sshll.u32 s1, $0xD;
	s1 =	sshrl.u32 s1, $0x2  }
0xba: {  	s3 =	sand.u32 $0x4000, s31;
	s1 =	sadd.s32 s1, s30  }
0xbb: {  	s0 =	sor.u32 s3, s0;
	s1 =	sshll.u32 s1, $0x11  }
0xbc: {  	s0 =	sor.u32 s1, s0  }
0xbd: {  	s0 =	sadd.s32 $0x8F2B, s0  }
0xbe: {  	[sflag:s0] =	ssyncadd.remote.s32 $0x1  }
0xbf: {  	_ =	sfence.sel $0xFFFF  }
0xc0: {  	[dreg:$0x0] =	wrdreg $0xFFFFFFFF;
	(pc) =	sbr.abs _section_cstart, $3  }
0xc1: {  	[dreg:$0x1] =	wrdreg $0xFFFFFFFF  }
0xc2: {  	_ =	task.clear_ibuf [dreg:s7], $0x2FFFF;
	_ =	strace $0x9FFFFFFF  }
0xc3: {  	(tm) =	ssettm $0x7FFFFFFF  }
tec
execute0_lowered:
.L_overlay_start_1:
0x0: {  	(tag) =	ssettag $0x1  }
0x1: {  	s5 =	rddreg [dreg:$0x0]  }
0x2: {  	s0 =	srdreg.scid;
	s7 =	rddreg [dreg:$0x1]  }
0x3: {  	s2 =	rddreg [dreg:$0x2];
	s3 =	simm.s32 $0x0;
	s13 =	simm.s32 $0x2800  }
0x4: {  	s14 =	simm.s32 $0x80;
	s17 =	simm.s32 $0x0;
	s6 =	sand.u32 $0x1, s0  }
0x5: {  	s0 =	stileid.u32;
	[smem:$0x7FF] =	sst s3;
	s10 =	sadd.s32 $0x16000, s5  }
0x6: {  	s1 =	sshll.u32 s6, $0x4;
	s9 =	smul.u32 $0x9E00, s0;
	s29 =	ssub.s32 $0x2, s6  }
0x7: {  	s6 =	smul.u32 $0x9C400, s6;
	s30 =	sshll.u32 s0, $0x6;
	p0 =	seq.s32 s0, $0xF  }
0x8: {  	s4 =	sor.u32 s0, s1;
	s1 =	rddreg [dreg:$0x3];
	_ =	strace $0x80000047  }
0x9: {  	s11 =	sshrl.u32 s29, $0x1;
	s4 =	smul.u32 $0x500, s4;
	s12 =	sshrl.u32 s9, $0x3  }
0xa: {  	s11 =	ssub.s32 s29, s11;
	s16 =	sadd.s32 s9, s2;
	s9 =	sadd.s32 s9, s6  }
0xb: {  	s31 =	sshrl.u32 s6, $0x3;
	s6 =	sor.u32 $0x1C01, s30;
	s9 =	sshrl.u32 s9, $0x3  }
0xc: {  	s15 =	sshrl.u32 @p0 s16, $0x3;
	s8 =	sadd.s32 s4, s5;
	s4 =	sadd.s32 $0x15C00, s5  }
0xd: {  	s5 =	sadd.s32 s7, s12;
	s12 =	sadd.s32 s10, s31;
	s7 =	sadd.s32 $0xBC00, s8  }
0xe: {  	s8 =	sadd.s32 s10, s9;
	s9 =	sadd.s32 $0x12840, s12;
	s10 =	smax.u32 s11, $0x1  }
0xf: {  	s11 =	sshrl.u32 s16, $0x3;
	s12 =	simm.s32 $0x1;
	s16 =	sshrl.u32 @!p0 s16, $0x3  }
.LBB2_1:
0x10: {  	[spmem:s11], [sflag:s6] =	dma.local [hbm:s5], $0x13C0  }
0x11: {  	_ =	swait.ge [sflag:s12], $0x13C0  }
0x12: {  	[sflag:s12] =	ssyncset.done $0x0  }
0x13: {  	[sflag:s12] =	ssyncadd.s32 $0xFFFFEC40  }
0x14: {  	[tilespmem:s3], [sflag:$0x1] =	stream.linear.gather [hbm4b:s7+s3], $0x2800, $0x38;
	[tilespmem:$0xE600] =	vst v63  }
0x15: {  	_ =	swait.ge [sflag:s12], $0x2800  }
0x16: {  	[sflag:s12] =	ssyncset.done $0x0  }
0x17: {  	[sflag:s12] =	ssyncadd.s32 $0xFFFFD800  }
0x18: {  	[tilespmem:s13], [sflag:$0x1] =	stream.linear.gather [hbm4b:s4+s3], $0x2000, $0x38;
	[tilespmem:$0xE600] =	vst v63  }
0x19: {  	_ =	swait.ge [sflag:s12], $0x2000  }
0x1a: {  	[sflag:s12] =	ssyncset.done $0x0  }
0x1b: {  	[sflag:s12] =	ssyncadd.s32 $0xFFFFE000  }
0x1c: {  	s18 =	simm.s32 $0x0;
	[bflag:$0x0] =	sbarrier.arrive $0xFFFF  }
0x1d: {  	[spmem:s2] =	stream.indirect.scatter.add.f32 [tilespmem:s13], [sflag:$0x1], $0x40, s18, s14, $0xb8;
	[tilespmem:$0xE600] =	vst v63  }
0x1e: {  	_ =	swait.ge [sflag:s12], $0x2000  }
0x1f: {  	s18 =	simm.s32 $0x200;
	[sflag:s12] =	ssyncset.done $0x0  }
.LBB2_2:
0x20: {  	s19 =	sshra.s32 s18, $0x2;
	[sflag:s12] =	ssyncadd.s32 $0xFFFFE000;
	p1 =	sne.s32 s18, $0x9E00  }
0x21: {  	[spmem:s2] =	stream.indirect.scatter.add.f32 [tilespmem:s13], [sflag:$0x1], $0x40, s19, s14, $0xb8;
	[tilespmem:$0xE600] =	vst v63  }
.Ltmp0:
0x22: {  	_ = 	snop;
	(pc) =	sbr.rel @p1 .LBB2_2-.Ltmp0, $4  }
0x23: {  	_ = 	snop  }
0x24: {  	s18 =	sadd.s32 $0x200, s18  }
0x25: {  	_ =	swait.ge [sflag:s12], $0x2000  }
0x26: {  	[sflag:s12] =	ssyncset.done $0x0  }
0x27: {  	[sflag:s12] =	ssyncadd.s32 $0xFFFFE000  }
0x28: {  	s18 =	simm.s32 @p0 $0x1;
	[bflag:$0x0] =	sbarrier.arrive $0xFFFF  }
0x29: {  	[hbm:s9], [sflag:s6] =	dma.local @p0 [spmem:s15], $0x1040  }
0x2a: {  	s17 =	sadd.s32 $0x1, s17;
	_ =	swait.ge @p0 [sflag:s18], $0x1040  }
0x2b: {  	p1 =	sne.s32 s17, s10;
	[sflag:s18] =	ssyncset.done @p0 $0x0  }
.Ltmp1:
0x2c: {  	[sflag:s18] =	ssyncadd.s32 @p0 $0xFFFFEFC0;
	s18 =	simm.s32 @!p0 $0x1;
	(pc) =	sbr.rel @p1 .LBB2_1-.Ltmp1, $4  }
0x2d: {  	[hbm:s8], [sflag:s6] =	dma.local @!p0 [spmem:s16], $0x13C0  }
0x2e: {  	_ =	swait.ge @!p0 [sflag:s18], $0x13C0  }
0x2f: {  	[sflag:s18] =	ssyncset.done @!p0 $0x0  }
0x30: {  	[sflag:s18] =	ssyncadd.s32 @!p0 $0xFFFFEC40  }
0x31: {  	_ =	sfence.sel $0x180000  }
0x32: {  	[bflag:$0x0] =	sbarrier.arrive $0xFFFF  }
0x33: {  	p0 =	sne.s32 s0, $0x0;
	_ =	strace $0x90000047  }
0x34: {  	s0 =	sadd.s32 @!p0 $0x100000, s1;
	[bflag:$0x2] =	sbarrier.arrive $0xFFFF  }
0x35: {  	[sflag:s0] =	ssyncadd.tile.s32 @!p0 $0x1;
	_ =	shalt  }
.Lfunc_end2:
_tile_overlayer_lowered:
.L_overlay_start_2:
0x36: {  	(tag) =	ssettag $0x2  }
0x37: {  	s0 =	rddreg [dreg:$0x0];
	s2 =	stileid.u32  }
0x38: {  	s1 =	rddreg [dreg:$0x1];
	p0 =	sne.s32 s2, $0x0  }
0x39: {  	s3 =	rddreg [dreg:$0x2];
	[bflag:$0x3] =	sbarrier.arrive $0xFFFF;
	s2 =	simm.s32 @!p0 $0x1C01  }
0x3a: {  	[timem:s3], [sflag:s2] =	dma.local @!p0 [hbm:s0], s1  }
0x3b: {  	s0 =	simm.s32 @!p0 $0x1  }
0x3c: {  	_ =	swait.ge @!p0 [sflag:s0], s1  }
0x3d: {  	s1 =	ssub.s32 @!p0 $0x0, s1;
	[sflag:s0] =	ssyncset.done @!p0 $0x0  }
0x3e: {  	[sflag:s0] =	ssyncadd.s32 @!p0 s1  }
0x3f: {  	[bflag:$0x3] =	sbarrier.arrive $0xFFFF  }
0x40: {  	_ =	shalt  }

</sc_bundles>
